<compile_context>
chip_gen: v7x
topology: tpu7x:2x2x1
jax: 0.10.2.dev20260603
libtpu: 0.0.44.dev20260713+nightly
codegen_flags: <defaults>
</compile_context>

<pallas_src>
import functools

import jax
import jax.numpy as jnp
from jax import lax
from jax.experimental import pallas as pl
from jax.experimental.pallas import tpu as pltpu
from jax.experimental.pallas import tpu_sc as plsc

B = 128
V = 100000
LANES = 16
CH = 20000
NCHUNK = V // CH
VREGS = CH // LANES
NC = 2
NS = 16
NW = NC * NS
ROWS_PER_W = B // NW


def _rotate(buf, x, s):
    buf[pl.ds(0, LANES)] = x
    buf[pl.ds(LANES, LANES)] = x
    return buf[pl.ds(s, LANES)]


def _max_bcast(buf, v):
    for s in (8, 4, 2, 1):
        v = jnp.maximum(v, _rotate(buf, v, s))
    return v


def _argmax_bcast(fbuf, ibuf, v, i):
    for s in (8, 4, 2, 1):
        v2 = _rotate(fbuf, v, s)
        i2 = _rotate(ibuf, i, s)
        p = (v2 > v) | ((v2 == v) & (i2 < i))
        v = jnp.where(p, v2, v)
        i = jnp.where(p, i2, i)
    return v, i


def _sc_body(logits_hbm, temps_hbm, noise_hbm, out_hbm, lbuf, nbuf, tbuf, wbuf,
             rfbuf, ribuf):
    cid = lax.axis_index("c")
    sid = lax.axis_index("s")
    wid = sid * NC + cid

    win_vec = jnp.zeros((LANES,), jnp.int32)
    lane_iota = lax.iota(jnp.int32, LANES)

    for r in range(ROWS_PER_W):
        row = wid * ROWS_PER_W + r
        pltpu.sync_copy(temps_hbm.at[row], tbuf)
        t_vec = tbuf[...]

        def ph1_chunk(ci, macc):
            pltpu.sync_copy(logits_hbm.at[row, ci], lbuf)

            def ph1_v(k, acc):
                return jnp.maximum(acc, lbuf[pl.ds(k * LANES, LANES)])

            return lax.fori_loop(0, VREGS, ph1_v, macc, unroll=4)

        macc = lax.fori_loop(
            0, NCHUNK, ph1_chunk, jnp.full((LANES,), -jnp.inf, jnp.float32)
        )
        m_vec = _max_bcast(rfbuf, macc) / t_vec

        def ph2_chunk(ci, carry):
            pltpu.sync_copy(logits_hbm.at[row, ci], lbuf)
            pltpu.sync_copy(noise_hbm.at[row, ci], nbuf)
            base = ci * CH

            def ph2_v(k, c2):
                bv, bi = c2
                off = k * LANES
                tl = lbuf[pl.ds(off, LANES)] / t_vec
                e = jnp.exp(tl - m_vec)
                nc = jnp.maximum(nbuf[pl.ds(off, LANES)], jnp.float32(1e-10))
                u = e / nc
                idx = base + off + lane_iota
                p = u > bv
                return jnp.where(p, u, bv), jnp.where(p, idx, bi)

            return lax.fori_loop(0, VREGS, ph2_v, carry, unroll=4)

        bv, bi = lax.fori_loop(
            0,
            NCHUNK,
            ph2_chunk,
            (jnp.full((LANES,), -jnp.inf, jnp.float32), jnp.zeros((LANES,), jnp.int32)),
        )

        _, widx = _argmax_bcast(rfbuf, ribuf, bv, bi)
        win_vec = jnp.where(lane_iota == r, widx, win_vec)

    wbuf[...] = win_vec
    pltpu.sync_copy(wbuf, out_hbm.at[wid])


@jax.jit
def kernel(logits, temperatures, exp_noise):
    logits3 = logits.reshape(B, NCHUNK, CH)
    noise3 = exp_noise.reshape(B, NCHUNK, CH)
    temps2 = jnp.broadcast_to(temperatures[:, None], (B, LANES))
    mesh = plsc.VectorSubcoreMesh(core_axis_name="c", subcore_axis_name="s")
    sc = functools.partial(
        pl.kernel,
        mesh=mesh,
        out_type=jax.ShapeDtypeStruct((NW, LANES), jnp.int32),
        scratch_types=[
            pltpu.VMEM((CH,), jnp.float32),
            pltpu.VMEM((CH,), jnp.float32),
            pltpu.VMEM((LANES,), jnp.float32),
            pltpu.VMEM((LANES,), jnp.int32),
            pltpu.VMEM((2 * LANES,), jnp.float32),
            pltpu.VMEM((2 * LANES,), jnp.int32),
        ],
    )(_sc_body)
    out = sc(logits3, temps2, noise3)
    return out[:, :ROWS_PER_W].reshape(B)

# --- scband reference (transcript-rebuilt; emitter-appended) ---
"""Pipeline reference for scband-sampler-63797444215763 (READ-ONLY COPY).

The authoritative reference and input builder live on the scoring server;
editing this copy changes nothing except your own understanding.
"""

import jax, jax.numpy as jnp
import numpy as np

B = 128
V = 100000


def setup_inputs(seed: int = 0) -> dict:
    key = jax.random.key(seed)
    k1, k2, k3 = jax.random.split(key, 3)
    logits = jax.random.normal(k1, (B, V), dtype=jnp.float32)
    # temperatures in [0.5, 1.5) to avoid divide-by-near-zero
    temperatures = jax.random.uniform(k2, (B,), dtype=jnp.float32, minval=0.5, maxval=1.5)
    # Exponential(1) noise replacing torch.empty_like(probs).exponential_(1);
    # materialized as an input so the reference is a deterministic function of its inputs.
    exp_noise = jax.random.exponential(k3, (B, V), dtype=jnp.float32)
    return {"logits": logits, "temperatures": temperatures, "exp_noise": exp_noise}


def reference(logits, temperatures, exp_noise):
    # pick_max=False path (default): Gumbel-max / exponential-race sampling
    temperatured_logits = logits.astype(jnp.float32) / temperatures[:, None]
    probs = jax.nn.softmax(temperatured_logits, axis=-1)
    perturbed = probs / jnp.clip(exp_noise, 1e-10, None)
    next_tokens = jnp.argmax(perturbed, axis=-1)
    return next_tokens

if __name__ == "__main__":
    import jax
    _d = setup_inputs()
    print(jax.jit(kernel)(*tuple(_d.values())))

</pallas_src>

<mosaic_0001>
#map = affine_map<(d0, d1) -> (0, 0, 0)>
#map1 = affine_map<(d0, d1) -> (0, 0)>
module attributes {stable_mosaic.version = 14 : i64} {
  func.func @_sc_body(%arg0: i32, %arg1: i32, %arg2: memref<128x5x20000xf32, #tpu.memory_space<hbm>>, %arg3: memref<128x16xf32, #tpu.memory_space<hbm>>, %arg4: memref<128x5x20000xf32, #tpu.memory_space<hbm>>, %arg5: memref<32x16xi32, #tpu.memory_space<hbm>>, %arg6: memref<20000xf32, #tpu.memory_space<vmem>>, %arg7: memref<20000xf32, #tpu.memory_space<vmem>>, %arg8: memref<16xf32, #tpu.memory_space<vmem>>, %arg9: memref<16xi32, #tpu.memory_space<vmem>>, %arg10: memref<32xf32, #tpu.memory_space<vmem>>, %arg11: memref<32xi32, #tpu.memory_space<vmem>>) attributes {dimension_semantics = [#tpu.dimension_semantics<core_parallel>, #tpu.dimension_semantics<subcore_parallel>], iteration_bounds = array<i64: 2, 16>, scalar_prefetch = 0 : i64, scratch_operands = 6 : i64, tpu.core_type = #tpu.core_type<sc_vector_subcore>, window_params = [{transform_indices = #map}, {transform_indices = #map1}, {transform_indices = #map}, {transform_indices = #map1}]} {
    %mul3A = arith.constant 2 : i32
    %mul3A_0 = arith.muli %arg1, %mul3A : i32
    %add3A = arith.addi %mul3A_0, %arg0 : i32
    %broadcast_in_dim3A = arith.constant 0 : i32
    %broadcast_in_dim3A_1 = vector.broadcast %broadcast_in_dim3A : i32 to vector<16xi32>
    %iota3A = tpu.iota {dimensions = array<i32: 0>} : vector<16xi32>
    %mul3A_2 = arith.constant 4 : i32
    %mul3A_3 = arith.muli %add3A, %mul3A_2 : i32
    %add3A_4 = arith.constant 0 : i32
    %add3A_5 = arith.addi %mul3A_3, %add3A_4 : i32
    "tpu.region"() ({
      %run_scoped3A = tpu.sem_alloc : memref<!tpu.dma_semaphore, #tpu.memory_space<semaphore_mem>>
      %dma_start3A = arith.constant 0 : i32
      %dma_start3A_771 = tpu.memref_slice %arg3[%add3A_5, %dma_start3A] : memref<128x16xf32, #tpu.memory_space<hbm>> -> memref<1x16xf32, #tpu.memory_space<hbm>>
      %dma_start3A_772 = tpu.memref_squeeze %dma_start3A_771 : memref<1x16xf32, #tpu.memory_space<hbm>> -> memref<16xf32, #tpu.memory_space<hbm>>
      %dma_start3A_773 = arith.constant 0 : i32
      %dma_start3A_774 = tpu.memref_slice %arg3[%add3A_5, %dma_start3A_773] : memref<128x16xf32, #tpu.memory_space<hbm>> -> memref<1x16xf32, #tpu.memory_space<hbm>>
      %dma_start3A_775 = tpu.memref_squeeze %dma_start3A_774 : memref<1x16xf32, #tpu.memory_space<hbm>> -> memref<16xf32, #tpu.memory_space<hbm>>
      tpu.enqueue_dma source(%dma_start3A_775 : memref<16xf32, #tpu.memory_space<hbm>>) target(%arg8 : memref<16xf32, #tpu.memory_space<vmem>>) target_semaphore(%run_scoped3A : memref<!tpu.dma_semaphore, #tpu.memory_space<semaphore_mem>>)
      %dma_wait3A = arith.constant 0 : i32
      %dma_wait3A_776 = tpu.memref_slice %arg3[%add3A_5, %dma_wait3A] : memref<128x16xf32, #tpu.memory_space<hbm>> -> memref<1x16xf32, #tpu.memory_space<hbm>>
      %dma_wait3A_777 = tpu.memref_squeeze %dma_wait3A_776 : memref<1x16xf32, #tpu.memory_space<hbm>> -> memref<16xf32, #tpu.memory_space<hbm>>
      %dma_wait3A_778 = arith.constant 0 : i32
      %dma_wait3A_779 = tpu.memref_slice %arg3[%add3A_5, %dma_wait3A_778] : memref<128x16xf32, #tpu.memory_space<hbm>> -> memref<1x16xf32, #tpu.memory_space<hbm>>
      %dma_wait3A_780 = tpu.memref_squeeze %dma_wait3A_779 : memref<1x16xf32, #tpu.memory_space<hbm>> -> memref<16xf32, #tpu.memory_space<hbm>>
      tpu.wait_dma2 semaphore(%run_scoped3A : memref<!tpu.dma_semaphore, #tpu.memory_space<semaphore_mem>>) src(%dma_wait3A_780 : memref<16xf32, #tpu.memory_space<hbm>>) dst(%arg8 : memref<16xf32, #tpu.memory_space<vmem>>)
      tpu.yield
    }) : () -> ()
    %get3A = arith.constant 0 : index
    %get3A_6 = tpu.vector_load %arg8[%get3A] {strides = array<i32>} : memref<16xf32, #tpu.memory_space<vmem>>, vector<16xf32>,
    %get3A_7 = vector.shape_cast %get3A_6 : vector<16xf32> to vector<16xf32>
    %broadcast_in_dim3A_8 = arith.constant 0xFF800000 : f32
    %broadcast_in_dim3A_9 = vector.broadcast %broadcast_in_dim3A_8 : f32 to vector<16xf32>
    %scan3A = arith.constant 0 : i32
    %scan3A_10 = arith.constant 5 : i32
    %scan3A_11 = arith.addi %scan3A, %scan3A_10 : i32
    %scan3A_12 = arith.constant 1 : i32
    %scan3A_13 = scf.for %scan3A_771 = %scan3A to %scan3A_11 step %scan3A_12 iter_args(%scan3A_772 = %broadcast_in_dim3A_9) -> (vector<16xf32>)  : i32 {
      "tpu.region"() ({
        %run_scoped3A = tpu.sem_alloc : memref<!tpu.dma_semaphore, #tpu.memory_space<semaphore_mem>>
        %dma_start3A = arith.constant 0 : i32
        %dma_start3A_795 = tpu.memref_slice %arg2[%add3A_5, %scan3A_771, %dma_start3A] : memref<128x5x20000xf32, #tpu.memory_space<hbm>> -> memref<1x1x20000xf32, #tpu.memory_space<hbm>>
        %dma_start3A_796 = tpu.memref_squeeze %dma_start3A_795 : memref<1x1x20000xf32, #tpu.memory_space<hbm>> -> memref<20000xf32, #tpu.memory_space<hbm>>
        %dma_start3A_797 = arith.constant 0 : i32
        %dma_start3A_798 = tpu.memref_slice %arg2[%add3A_5, %scan3A_771, %dma_start3A_797] : memref<128x5x20000xf32, #tpu.memory_space<hbm>> -> memref<1x1x20000xf32, #tpu.memory_space<hbm>>
        %dma_start3A_799 = tpu.memref_squeeze %dma_start3A_798 : memref<1x1x20000xf32, #tpu.memory_space<hbm>> -> memref<20000xf32, #tpu.memory_space<hbm>>
        tpu.enqueue_dma source(%dma_start3A_799 : memref<20000xf32, #tpu.memory_space<hbm>>) target(%arg6 : memref<20000xf32, #tpu.memory_space<vmem>>) target_semaphore(%run_scoped3A : memref<!tpu.dma_semaphore, #tpu.memory_space<semaphore_mem>>)
        %dma_wait3A = arith.constant 0 : i32
        %dma_wait3A_800 = tpu.memref_slice %arg2[%add3A_5, %scan3A_771, %dma_wait3A] : memref<128x5x20000xf32, #tpu.memory_space<hbm>> -> memref<1x1x20000xf32, #tpu.memory_space<hbm>>
        %dma_wait3A_801 = tpu.memref_squeeze %dma_wait3A_800 : memref<1x1x20000xf32, #tpu.memory_space<hbm>> -> memref<20000xf32, #tpu.memory_space<hbm>>
        %dma_wait3A_802 = arith.constant 0 : i32
        %dma_wait3A_803 = tpu.memref_slice %arg2[%add3A_5, %scan3A_771, %dma_wait3A_802] : memref<128x5x20000xf32, #tpu.memory_space<hbm>> -> memref<1x1x20000xf32, #tpu.memory_space<hbm>>
        %dma_wait3A_804 = tpu.memref_squeeze %dma_wait3A_803 : memref<1x1x20000xf32, #tpu.memory_space<hbm>> -> memref<20000xf32, #tpu.memory_space<hbm>>
        tpu.wait_dma2 semaphore(%run_scoped3A : memref<!tpu.dma_semaphore, #tpu.memory_space<semaphore_mem>>) src(%dma_wait3A_804 : memref<20000xf32, #tpu.memory_space<hbm>>) dst(%arg6 : memref<20000xf32, #tpu.memory_space<vmem>>)
        tpu.yield
      }) : () -> ()
      %scan3A_773 = arith.constant 0 : i32
      %scan3A_774 = arith.constant 1248 : i32
      %scan3A_775 = arith.addi %scan3A_773, %scan3A_774 : i32
      %scan3A_776 = arith.constant 4 : i32
      %scan3A_777 = scf.for %scan3A_795 = %scan3A_773 to %scan3A_775 step %scan3A_776 iter_args(%scan3A_796 = %scan3A_772) -> (vector<16xf32>)  : i32 {
        %mul3A_797 = arith.constant 16 : i32
        %mul3A_798 = arith.muli %scan3A_795, %mul3A_797 : i32
        %get3A_799 = arith.index_cast %mul3A_798 : i32 to index
        %get3A_800 = tpu.vector_load %arg6[%get3A_799] {strides = array<i32>} : memref<20000xf32, #tpu.memory_space<vmem>>, vector<16xf32>,
        %get3A_801 = vector.shape_cast %get3A_800 : vector<16xf32> to vector<16xf32>
        %max3A_802 = arith.maximumf %scan3A_796, %get3A_801 : vector<16xf32>
        %scan3A_803 = arith.constant 1 : i32
        %scan3A_804 = arith.addi %scan3A_795, %scan3A_803 : i32
        %mul3A_805 = arith.constant 16 : i32
        %mul3A_806 = arith.muli %scan3A_804, %mul3A_805 : i32
        %get3A_807 = arith.index_cast %mul3A_806 : i32 to index
        %get3A_808 = tpu.vector_load %arg6[%get3A_807] {strides = array<i32>} : memref<20000xf32, #tpu.memory_space<vmem>>, vector<16xf32>,
        %get3A_809 = vector.shape_cast %get3A_808 : vector<16xf32> to vector<16xf32>
        %max3A_810 = arith.maximumf %max3A_802, %get3A_809 : vector<16xf32>
        %scan3A_811 = arith.constant 2 : i32
        %scan3A_812 = arith.addi %scan3A_795, %scan3A_811 : i32
        %mul3A_813 = arith.constant 16 : i32
        %mul3A_814 = arith.muli %scan3A_812, %mul3A_813 : i32
        %get3A_815 = arith.index_cast %mul3A_814 : i32 to index
        %get3A_816 = tpu.vector_load %arg6[%get3A_815] {strides = array<i32>} : memref<20000xf32, #tpu.memory_space<vmem>>, vector<16xf32>,
        %get3A_817 = vector.shape_cast %get3A_816 : vector<16xf32> to vector<16xf32>
        %max3A_818 = arith.maximumf %max3A_810, %get3A_817 : vector<16xf32>
        %scan3A_819 = arith.constant 3 : i32
        %scan3A_820 = arith.addi %scan3A_795, %scan3A_819 : i32
        %mul3A_821 = arith.constant 16 : i32
        %mul3A_822 = arith.muli %scan3A_820, %mul3A_821 : i32
        %get3A_823 = arith.index_cast %mul3A_822 : i32 to index
        %get3A_824 = tpu.vector_load %arg6[%get3A_823] {strides = array<i32>} : memref<20000xf32, #tpu.memory_space<vmem>>, vector<16xf32>,
        %get3A_825 = vector.shape_cast %get3A_824 : vector<16xf32> to vector<16xf32>
        %max3A_826 = arith.maximumf %max3A_818, %get3A_825 : vector<16xf32>
        scf.yield %max3A_826 : vector<16xf32>
      }
      %scan3A_778 = arith.constant 1248 : i32
      %scan3A_779 = arith.addi %scan3A_773, %scan3A_778 : i32
      %mul3A_780 = arith.constant 16 : i32
      %mul3A_781 = arith.muli %scan3A_779, %mul3A_780 : i32
      %get3A_782 = arith.index_cast %mul3A_781 : i32 to index
      %get3A_783 = tpu.vector_load %arg6[%get3A_782] {strides = array<i32>} : memref<20000xf32, #tpu.memory_space<vmem>>, vector<16xf32>,
      %get3A_784 = vector.shape_cast %get3A_783 : vector<16xf32> to vector<16xf32>
      %max3A_785 = arith.maximumf %scan3A_777, %get3A_784 : vector<16xf32>
      %scan3A_786 = arith.constant 1249 : i32
      %scan3A_787 = arith.addi %scan3A_773, %scan3A_786 : i32
      %mul3A_788 = arith.constant 16 : i32
      %mul3A_789 = arith.muli %scan3A_787, %mul3A_788 : i32
      %get3A_790 = arith.index_cast %mul3A_789 : i32 to index
      %get3A_791 = tpu.vector_load %arg6[%get3A_790] {strides = array<i32>} : memref<20000xf32, #tpu.memory_space<vmem>>, vector<16xf32>,
      %get3A_792 = vector.shape_cast %get3A_791 : vector<16xf32> to vector<16xf32>
      %max3A_793 = arith.maximumf %max3A_785, %get3A_792 : vector<16xf32>
      %scan3A_794 = arith.constant 1250 : i32
      scf.yield %max3A_793 : vector<16xf32>
    }
    %scan3A_14 = arith.constant 5 : i32
    %swap3A = arith.constant 0 : index
    %swap3A_15 = tpu.vector_load %arg10[%swap3A] {strides = array<i32>} : memref<32xf32, #tpu.memory_space<vmem>>, vector<16xf32>,
    %swap3A_16 = vector.shape_cast %swap3A_15 : vector<16xf32> to vector<16xf32>
    %swap3A_17 = vector.shape_cast %scan3A_13 : vector<16xf32> to vector<16xf32>
    tpu.vector_store %arg10[%swap3A], %swap3A_17 {strides = array<i32>} : memref<32xf32, #tpu.memory_space<vmem>>, vector<16xf32>,
    %swap3A_18 = arith.constant 16 : index
    %swap3A_19 = tpu.vector_load %arg10[%swap3A_18] {strides = array<i32>} : memref<32xf32, #tpu.memory_space<vmem>>, vector<16xf32>,
    %swap3A_20 = vector.shape_cast %swap3A_19 : vector<16xf32> to vector<16xf32>
    %swap3A_21 = vector.shape_cast %scan3A_13 : vector<16xf32> to vector<16xf32>
    tpu.vector_store %arg10[%swap3A_18], %swap3A_21 {strides = array<i32>} : memref<32xf32, #tpu.memory_space<vmem>>, vector<16xf32>,
    %get3A_22 = arith.constant 8 : index
    %get3A_23 = tpu.vector_load %arg10[%get3A_22] {strides = array<i32>} : memref<32xf32, #tpu.memory_space<vmem>>, vector<16xf32>,
    %get3A_24 = vector.shape_cast %get3A_23 : vector<16xf32> to vector<16xf32>
    %max3A = arith.maximumf %scan3A_13, %get3A_24 : vector<16xf32>
    %swap3A_25 = arith.constant 0 : index
    %swap3A_26 = tpu.vector_load %arg10[%swap3A_25] {strides = array<i32>} : memref<32xf32, #tpu.memory_space<vmem>>, vector<16xf32>,
    %swap3A_27 = vector.shape_cast %swap3A_26 : vector<16xf32> to vector<16xf32>
    %swap3A_28 = vector.shape_cast %max3A : vector<16xf32> to vector<16xf32>
    tpu.vector_store %arg10[%swap3A_25], %swap3A_28 {strides = array<i32>} : memref<32xf32, #tpu.memory_space<vmem>>, vector<16xf32>,
    %swap3A_29 = arith.constant 16 : index
    %swap3A_30 = tpu.vector_load %arg10[%swap3A_29] {strides = array<i32>} : memref<32xf32, #tpu.memory_space<vmem>>, vector<16xf32>,
    %swap3A_31 = vector.shape_cast %swap3A_30 : vector<16xf32> to vector<16xf32>
    %swap3A_32 = vector.shape_cast %max3A : vector<16xf32> to vector<16xf32>
    tpu.vector_store %arg10[%swap3A_29], %swap3A_32 {strides = array<i32>} : memref<32xf32, #tpu.memory_space<vmem>>, vector<16xf32>,
    %get3A_33 = arith.constant 4 : index
    %get3A_34 = tpu.vector_load %arg10[%get3A_33] {strides = array<i32>} : memref<32xf32, #tpu.memory_space<vmem>>, vector<16xf32>,
    %get3A_35 = vector.shape_cast %get3A_34 : vector<16xf32> to vector<16xf32>
    %max3A_36 = arith.maximumf %max3A, %get3A_35 : vector<16xf32>
    %swap3A_37 = arith.constant 0 : index
    %swap3A_38 = tpu.vector_load %arg10[%swap3A_37] {strides = array<i32>} : memref<32xf32, #tpu.memory_space<vmem>>, vector<16xf32>,
    %swap3A_39 = vector.shape_cast %swap3A_38 : vector<16xf32> to vector<16xf32>
    %swap3A_40 = vector.shape_cast %max3A_36 : vector<16xf32> to vector<16xf32>
    tpu.vector_store %arg10[%swap3A_37], %swap3A_40 {strides = array<i32>} : memref<32xf32, #tpu.memory_space<vmem>>, vector<16xf32>,
    %swap3A_41 = arith.constant 16 : index
    %swap3A_42 = tpu.vector_load %arg10[%swap3A_41] {strides = array<i32>} : memref<32xf32, #tpu.memory_space<vmem>>, vector<16xf32>,
    %swap3A_43 = vector.shape_cast %swap3A_42 : vector<16xf32> to vector<16xf32>
    %swap3A_44 = vector.shape_cast %max3A_36 : vector<16xf32> to vector<16xf32>
    tpu.vector_store %arg10[%swap3A_41], %swap3A_44 {strides = array<i32>} : memref<32xf32, #tpu.memory_space<vmem>>, vector<16xf32>,
    %get3A_45 = arith.constant 2 : index
    %get3A_46 = tpu.vector_load %arg10[%get3A_45] {strides = array<i32>} : memref<32xf32, #tpu.memory_space<vmem>>, vector<16xf32>,
    %get3A_47 = vector.shape_cast %get3A_46 : vector<16xf32> to vector<16xf32>
    %max3A_48 = arith.maximumf %max3A_36, %get3A_47 : vector<16xf32>
    %swap3A_49 = arith.constant 0 : index
    %swap3A_50 = tpu.vector_load %arg10[%swap3A_49] {strides = array<i32>} : memref<32xf32, #tpu.memory_space<vmem>>, vector<16xf32>,
    %swap3A_51 = vector.shape_cast %swap3A_50 : vector<16xf32> to vector<16xf32>
    %swap3A_52 = vector.shape_cast %max3A_48 : vector<16xf32> to vector<16xf32>
    tpu.vector_store %arg10[%swap3A_49], %swap3A_52 {strides = array<i32>} : memref<32xf32, #tpu.memory_space<vmem>>, vector<16xf32>,
    %swap3A_53 = arith.constant 16 : index
    %swap3A_54 = tpu.vector_load %arg10[%swap3A_53] {strides = array<i32>} : memref<32xf32, #tpu.memory_space<vmem>>, vector<16xf32>,
    %swap3A_55 = vector.shape_cast %swap3A_54 : vector<16xf32> to vector<16xf32>
    %swap3A_56 = vector.shape_cast %max3A_48 : vector<16xf32> to vector<16xf32>
    tpu.vector_store %arg10[%swap3A_53], %swap3A_56 {strides = array<i32>} : memref<32xf32, #tpu.memory_space<vmem>>, vector<16xf32>,
    %get3A_57 = arith.constant 1 : index
    %get3A_58 = tpu.vector_load %arg10[%get3A_57] {strides = array<i32>} : memref<32xf32, #tpu.memory_space<vmem>>, vector<16xf32>,
    %get3A_59 = vector.shape_cast %get3A_58 : vector<16xf32> to vector<16xf32>
    %max3A_60 = arith.maximumf %max3A_48, %get3A_59 : vector<16xf32>
    %div3A = arith.divf %max3A_60, %get3A_7 : vector<16xf32>
    %broadcast_in_dim3A_61 = arith.constant 0xFF800000 : f32
    %broadcast_in_dim3A_62 = vector.broadcast %broadcast_in_dim3A_61 : f32 to vector<16xf32>
    %broadcast_in_dim3A_63 = arith.constant 0 : i32
    %broadcast_in_dim3A_64 = vector.broadcast %broadcast_in_dim3A_63 : i32 to vector<16xi32>
    %scan3A_65 = arith.constant 0 : i32
    %scan3A_66 = arith.constant 5 : i32
    %scan3A_67 = arith.addi %scan3A_65, %scan3A_66 : i32
    %scan3A_68 = arith.constant 1 : i32
    %scan3A_69:2 = scf.for %scan3A_771 = %scan3A_65 to %scan3A_67 step %scan3A_68 iter_args(%scan3A_772 = %broadcast_in_dim3A_62, %scan3A_773 = %broadcast_in_dim3A_64) -> (vector<16xf32>, vector<16xi32>)  : i32 {
      "tpu.region"() ({
        %run_scoped3A = tpu.sem_alloc : memref<!tpu.dma_semaphore, #tpu.memory_space<semaphore_mem>>
        %dma_start3A = arith.constant 0 : i32
        %dma_start3A_826 = tpu.memref_slice %arg2[%add3A_5, %scan3A_771, %dma_start3A] : memref<128x5x20000xf32, #tpu.memory_space<hbm>> -> memref<1x1x20000xf32, #tpu.memory_space<hbm>>
        %dma_start3A_827 = tpu.memref_squeeze %dma_start3A_826 : memref<1x1x20000xf32, #tpu.memory_space<hbm>> -> memref<20000xf32, #tpu.memory_space<hbm>>
        %dma_start3A_828 = arith.constant 0 : i32
        %dma_start3A_829 = tpu.memref_slice %arg2[%add3A_5, %scan3A_771, %dma_start3A_828] : memref<128x5x20000xf32, #tpu.memory_space<hbm>> -> memref<1x1x20000xf32, #tpu.memory_space<hbm>>
        %dma_start3A_830 = tpu.memref_squeeze %dma_start3A_829 : memref<1x1x20000xf32, #tpu.memory_space<hbm>> -> memref<20000xf32, #tpu.memory_space<hbm>>
        tpu.enqueue_dma source(%dma_start3A_830 : memref<20000xf32, #tpu.memory_space<hbm>>) target(%arg6 : memref<20000xf32, #tpu.memory_space<vmem>>) target_semaphore(%run_scoped3A : memref<!tpu.dma_semaphore, #tpu.memory_space<semaphore_mem>>)
        %dma_wait3A = arith.constant 0 : i32
        %dma_wait3A_831 = tpu.memref_slice %arg2[%add3A_5, %scan3A_771, %dma_wait3A] : memref<128x5x20000xf32, #tpu.memory_space<hbm>> -> memref<1x1x20000xf32, #tpu.memory_space<hbm>>
        %dma_wait3A_832 = tpu.memref_squeeze %dma_wait3A_831 : memref<1x1x20000xf32, #tpu.memory_space<hbm>> -> memref<20000xf32, #tpu.memory_space<hbm>>
        %dma_wait3A_833 = arith.constant 0 : i32
        %dma_wait3A_834 = tpu.memref_slice %arg2[%add3A_5, %scan3A_771, %dma_wait3A_833] : memref<128x5x20000xf32, #tpu.memory_space<hbm>> -> memref<1x1x20000xf32, #tpu.memory_space<hbm>>
        %dma_wait3A_835 = tpu.memref_squeeze %dma_wait3A_834 : memref<1x1x20000xf32, #tpu.memory_space<hbm>> -> memref<20000xf32, #tpu.memory_space<hbm>>
        tpu.wait_dma2 semaphore(%run_scoped3A : memref<!tpu.dma_semaphore, #tpu.memory_space<semaphore_mem>>) src(%dma_wait3A_835 : memref<20000xf32, #tpu.memory_space<hbm>>) dst(%arg6 : memref<20000xf32, #tpu.memory_space<vmem>>)
        tpu.yield
      }) : () -> ()
      "tpu.region"() ({
        %run_scoped3A = tpu.sem_alloc : memref<!tpu.dma_semaphore, #tpu.memory_space<semaphore_mem>>
        %dma_start3A = arith.constant 0 : i32
        %dma_start3A_826 = tpu.memref_slice %arg4[%add3A_5, %scan3A_771, %dma_start3A] : memref<128x5x20000xf32, #tpu.memory_space<hbm>> -> memref<1x1x20000xf32, #tpu.memory_space<hbm>>
        %dma_start3A_827 = tpu.memref_squeeze %dma_start3A_826 : memref<1x1x20000xf32, #tpu.memory_space<hbm>> -> memref<20000xf32, #tpu.memory_space<hbm>>
        %dma_start3A_828 = arith.constant 0 : i32
        %dma_start3A_829 = tpu.memref_slice %arg4[%add3A_5, %scan3A_771, %dma_start3A_828] : memref<128x5x20000xf32, #tpu.memory_space<hbm>> -> memref<1x1x20000xf32, #tpu.memory_space<hbm>>
        %dma_start3A_830 = tpu.memref_squeeze %dma_start3A_829 : memref<1x1x20000xf32, #tpu.memory_space<hbm>> -> memref<20000xf32, #tpu.memory_space<hbm>>
        tpu.enqueue_dma source(%dma_start3A_830 : memref<20000xf32, #tpu.memory_space<hbm>>) target(%arg7 : memref<20000xf32, #tpu.memory_space<vmem>>) target_semaphore(%run_scoped3A : memref<!tpu.dma_semaphore, #tpu.memory_space<semaphore_mem>>)
        %dma_wait3A = arith.constant 0 : i32
        %dma_wait3A_831 = tpu.memref_slice %arg4[%add3A_5, %scan3A_771, %dma_wait3A] : memref<128x5x20000xf32, #tpu.memory_space<hbm>> -> memref<1x1x20000xf32, #tpu.memory_space<hbm>>
        %dma_wait3A_832 = tpu.memref_squeeze %dma_wait3A_831 : memref<1x1x20000xf32, #tpu.memory_space<hbm>> -> memref<20000xf32, #tpu.memory_space<hbm>>
        %dma_wait3A_833 = arith.constant 0 : i32
        %dma_wait3A_834 = tpu.memref_slice %arg4[%add3A_5, %scan3A_771, %dma_wait3A_833] : memref<128x5x20000xf32, #tpu.memory_space<hbm>> -> memref<1x1x20000xf32, #tpu.memory_space<hbm>>
        %dma_wait3A_835 = tpu.memref_squeeze %dma_wait3A_834 : memref<1x1x20000xf32, #tpu.memory_space<hbm>> -> memref<20000xf32, #tpu.memory_space<hbm>>
        tpu.wait_dma2 semaphore(%run_scoped3A : memref<!tpu.dma_semaphore, #tpu.memory_space<semaphore_mem>>) src(%dma_wait3A_835 : memref<20000xf32, #tpu.memory_space<hbm>>) dst(%arg7 : memref<20000xf32, #tpu.memory_space<vmem>>)
        tpu.yield
      }) : () -> ()
      %mul3A_774 = arith.constant 20000 : i32
      %mul3A_775 = arith.muli %scan3A_771, %mul3A_774 : i32
      %scan3A_776 = arith.constant 0 : i32
      %scan3A_777 = arith.constant 1248 : i32
      %scan3A_778 = arith.addi %scan3A_776, %scan3A_777 : i32
      %scan3A_779 = arith.constant 4 : i32
      %scan3A_780:2 = scf.for %scan3A_826 = %scan3A_776 to %scan3A_778 step %scan3A_779 iter_args(%scan3A_827 = %scan3A_772, %scan3A_828 = %scan3A_773) -> (vector<16xf32>, vector<16xi32>)  : i32 {
        %mul3A_829 = arith.constant 16 : i32
        %mul3A_830 = arith.muli %scan3A_826, %mul3A_829 : i32
        %get3A_831 = arith.index_cast %mul3A_830 : i32 to index
        %get3A_832 = tpu.vector_load %arg6[%get3A_831] {strides = array<i32>} : memref<20000xf32, #tpu.memory_space<vmem>>, vector<16xf32>,
        %get3A_833 = vector.shape_cast %get3A_832 : vector<16xf32> to vector<16xf32>
        %div3A_834 = arith.divf %get3A_833, %get3A_7 : vector<16xf32>
        %sub3A_835 = arith.subf %div3A_834, %div3A : vector<16xf32>
        %exp3A_836 = math.exp %sub3A_835 : vector<16xf32>
        %get3A_837 = arith.index_cast %mul3A_830 : i32 to index
        %get3A_838 = tpu.vector_load %arg7[%get3A_837] {strides = array<i32>} : memref<20000xf32, #tpu.memory_space<vmem>>, vector<16xf32>,
        %get3A_839 = vector.shape_cast %get3A_838 : vector<16xf32> to vector<16xf32>
        %max3A_840 = arith.constant 1.000000e-10 : f32
        %max3A_841 = vector.broadcast %max3A_840 : f32 to vector<16xf32>
        %max3A_842 = arith.maximumf %get3A_839, %max3A_841 : vector<16xf32>
        %div3A_843 = arith.divf %exp3A_836, %max3A_842 : vector<16xf32>
        %add3A_844 = arith.addi %mul3A_775, %mul3A_830 : i32
        %add3A_845 = vector.broadcast %add3A_844 : i32 to vector<16xi32>
        %add3A_846 = arith.addi %add3A_845, %iota3A : vector<16xi32>
        %gt3A_847 = arith.cmpf ogt, %div3A_843, %scan3A_827 : vector<16xf32>
        %select_n3A_848 = arith.select %gt3A_847, %div3A_843, %scan3A_827 : vector<16xi1>, vector<16xf32>
        %select_n3A_849 = arith.select %gt3A_847, %add3A_846, %scan3A_828 : vector<16xi1>, vector<16xi32>
        %scan3A_850 = arith.constant 1 : i32
        %scan3A_851 = arith.addi %scan3A_826, %scan3A_850 : i32
        %mul3A_852 = arith.constant 16 : i32
        %mul3A_853 = arith.muli %scan3A_851, %mul3A_852 : i32
        %get3A_854 = arith.index_cast %mul3A_853 : i32 to index
        %get3A_855 = tpu.vector_load %arg6[%get3A_854] {strides = array<i32>} : memref<20000xf32, #tpu.memory_space<vmem>>, vector<16xf32>,
        %get3A_856 = vector.shape_cast %get3A_855 : vector<16xf32> to vector<16xf32>
        %div3A_857 = arith.divf %get3A_856, %get3A_7 : vector<16xf32>
        %sub3A_858 = arith.subf %div3A_857, %div3A : vector<16xf32>
        %exp3A_859 = math.exp %sub3A_858 : vector<16xf32>
        %get3A_860 = arith.index_cast %mul3A_853 : i32 to index
        %get3A_861 = tpu.vector_load %arg7[%get3A_860] {strides = array<i32>} : memref<20000xf32, #tpu.memory_space<vmem>>, vector<16xf32>,
        %get3A_862 = vector.shape_cast %get3A_861 : vector<16xf32> to vector<16xf32>
        %max3A_863 = arith.constant 1.000000e-10 : f32
        %max3A_864 = vector.broadcast %max3A_863 : f32 to vector<16xf32>
        %max3A_865 = arith.maximumf %get3A_862, %max3A_864 : vector<16xf32>
        %div3A_866 = arith.divf %exp3A_859, %max3A_865 : vector<16xf32>
        %add3A_867 = arith.addi %mul3A_775, %mul3A_853 : i32
        %add3A_868 = vector.broadcast %add3A_867 : i32 to vector<16xi32>
        %add3A_869 = arith.addi %add3A_868, %iota3A : vector<16xi32>
        %gt3A_870 = arith.cmpf ogt, %div3A_866, %select_n3A_848 : vector<16xf32>
        %select_n3A_871 = arith.select %gt3A_870, %div3A_866, %select_n3A_848 : vector<16xi1>, vector<16xf32>
        %select_n3A_872 = arith.select %gt3A_870, %add3A_869, %select_n3A_849 : vector<16xi1>, vector<16xi32>
        %scan3A_873 = arith.constant 2 : i32
        %scan3A_874 = arith.addi %scan3A_826, %scan3A_873 : i32
        %mul3A_875 = arith.constant 16 : i32
        %mul3A_876 = arith.muli %scan3A_874, %mul3A_875 : i32
        %get3A_877 = arith.index_cast %mul3A_876 : i32 to index
        %get3A_878 = tpu.vector_load %arg6[%get3A_877] {strides = array<i32>} : memref<20000xf32, #tpu.memory_space<vmem>>, vector<16xf32>,
        %get3A_879 = vector.shape_cast %get3A_878 : vector<16xf32> to vector<16xf32>
        %div3A_880 = arith.divf %get3A_879, %get3A_7 : vector<16xf32>
        %sub3A_881 = arith.subf %div3A_880, %div3A : vector<16xf32>
        %exp3A_882 = math.exp %sub3A_881 : vector<16xf32>
        %get3A_883 = arith.index_cast %mul3A_876 : i32 to index
        %get3A_884 = tpu.vector_load %arg7[%get3A_883] {strides = array<i32>} : memref<20000xf32, #tpu.memory_space<vmem>>, vector<16xf32>,
        %get3A_885 = vector.shape_cast %get3A_884 : vector<16xf32> to vector<16xf32>
        %max3A_886 = arith.constant 1.000000e-10 : f32
        %max3A_887 = vector.broadcast %max3A_886 : f32 to vector<16xf32>
        %max3A_888 = arith.maximumf %get3A_885, %max3A_887 : vector<16xf32>
        %div3A_889 = arith.divf %exp3A_882, %max3A_888 : vector<16xf32>
        %add3A_890 = arith.addi %mul3A_775, %mul3A_876 : i32
        %add3A_891 = vector.broadcast %add3A_890 : i32 to vector<16xi32>
        %add3A_892 = arith.addi %add3A_891, %iota3A : vector<16xi32>
        %gt3A_893 = arith.cmpf ogt, %div3A_889, %select_n3A_871 : vector<16xf32>
        %select_n3A_894 = arith.select %gt3A_893, %div3A_889, %select_n3A_871 : vector<16xi1>, vector<16xf32>
        %select_n3A_895 = arith.select %gt3A_893, %add3A_892, %select_n3A_872 : vector<16xi1>, vector<16xi32>
        %scan3A_896 = arith.constant 3 : i32
        %scan3A_897 = arith.addi %scan3A_826, %scan3A_896 : i32
        %mul3A_898 = arith.constant 16 : i32
        %mul3A_899 = arith.muli %scan3A_897, %mul3A_898 : i32
        %get3A_900 = arith.index_cast %mul3A_899 : i32 to index
        %get3A_901 = tpu.vector_load %arg6[%get3A_900] {strides = array<i32>} : memref<20000xf32, #tpu.memory_space<vmem>>, vector<16xf32>,
        %get3A_902 = vector.shape_cast %get3A_901 : vector<16xf32> to vector<16xf32>
        %div3A_903 = arith.divf %get3A_902, %get3A_7 : vector<16xf32>
        %sub3A_904 = arith.subf %div3A_903, %div3A : vector<16xf32>
        %exp3A_905 = math.exp %sub3A_904 : vector<16xf32>
        %get3A_906 = arith.index_cast %mul3A_899 : i32 to index
        %get3A_907 = tpu.vector_load %arg7[%get3A_906] {strides = array<i32>} : memref<20000xf32, #tpu.memory_space<vmem>>, vector<16xf32>,
        %get3A_908 = vector.shape_cast %get3A_907 : vector<16xf32> to vector<16xf32>
        %max3A_909 = arith.constant 1.000000e-10 : f32
        %max3A_910 = vector.broadcast %max3A_909 : f32 to vector<16xf32>
        %max3A_911 = arith.maximumf %get3A_908, %max3A_910 : vector<16xf32>
        %div3A_912 = arith.divf %exp3A_905, %max3A_911 : vector<16xf32>
        %add3A_913 = arith.addi %mul3A_775, %mul3A_899 : i32
        %add3A_914 = vector.broadcast %add3A_913 : i32 to vector<16xi32>
        %add3A_915 = arith.addi %add3A_914, %iota3A : vector<16xi32>
        %gt3A_916 = arith.cmpf ogt, %div3A_912, %select_n3A_894 : vector<16xf32>
        %select_n3A_917 = arith.select %gt3A_916, %div3A_912, %select_n3A_894 : vector<16xi1>, vector<16xf32>
        %select_n3A_918 = arith.select %gt3A_916, %add3A_915, %select_n3A_895 : vector<16xi1>, vector<16xi32>
        scf.yield %select_n3A_917, %select_n3A_918 : vector<16xf32>, vector<16xi32>
      }
      %scan3A_781 = arith.constant 1248 : i32
      %scan3A_782 = arith.addi %scan3A_776, %scan3A_781 : i32
      %mul3A_783 = arith.constant 16 : i32
      %mul3A_784 = arith.muli %scan3A_782, %mul3A_783 : i32
      %get3A_785 = arith.index_cast %mul3A_784 : i32 to index
      %get3A_786 = tpu.vector_load %arg6[%get3A_785] {strides = array<i32>} : memref<20000xf32, #tpu.memory_space<vmem>>, vector<16xf32>,
      %get3A_787 = vector.shape_cast %get3A_786 : vector<16xf32> to vector<16xf32>
      %div3A_788 = arith.divf %get3A_787, %get3A_7 : vector<16xf32>
      %sub3A = arith.subf %div3A_788, %div3A : vector<16xf32>
      %exp3A = math.exp %sub3A : vector<16xf32>
      %get3A_789 = arith.index_cast %mul3A_784 : i32 to index
      %get3A_790 = tpu.vector_load %arg7[%get3A_789] {strides = array<i32>} : memref<20000xf32, #tpu.memory_space<vmem>>, vector<16xf32>,
      %get3A_791 = vector.shape_cast %get3A_790 : vector<16xf32> to vector<16xf32>
      %max3A_792 = arith.constant 1.000000e-10 : f32
      %max3A_793 = vector.broadcast %max3A_792 : f32 to vector<16xf32>
      %max3A_794 = arith.maximumf %get3A_791, %max3A_793 : vector<16xf32>
      %div3A_795 = arith.divf %exp3A, %max3A_794 : vector<16xf32>
      %add3A_796 = arith.addi %mul3A_775, %mul3A_784 : i32
      %add3A_797 = vector.broadcast %add3A_796 : i32 to vector<16xi32>
      %add3A_798 = arith.addi %add3A_797, %iota3A : vector<16xi32>
      %gt3A_799 = arith.cmpf ogt, %div3A_795, %scan3A_780#0 : vector<16xf32>
      %select_n3A_800 = arith.select %gt3A_799, %div3A_795, %scan3A_780#0 : vector<16xi1>, vector<16xf32>
      %select_n3A_801 = arith.select %gt3A_799, %add3A_798, %scan3A_780#1 : vector<16xi1>, vector<16xi32>
      %scan3A_802 = arith.constant 1249 : i32
      %scan3A_803 = arith.addi %scan3A_776, %scan3A_802 : i32
      %mul3A_804 = arith.constant 16 : i32
      %mul3A_805 = arith.muli %scan3A_803, %mul3A_804 : i32
      %get3A_806 = arith.index_cast %mul3A_805 : i32 to index
      %get3A_807 = tpu.vector_load %arg6[%get3A_806] {strides = array<i32>} : memref<20000xf32, #tpu.memory_space<vmem>>, vector<16xf32>,
      %get3A_808 = vector.shape_cast %get3A_807 : vector<16xf32> to vector<16xf32>
      %div3A_809 = arith.divf %get3A_808, %get3A_7 : vector<16xf32>
      %sub3A_810 = arith.subf %div3A_809, %div3A : vector<16xf32>
      %exp3A_811 = math.exp %sub3A_810 : vector<16xf32>
      %get3A_812 = arith.index_cast %mul3A_805 : i32 to index
      %get3A_813 = tpu.vector_load %arg7[%get3A_812] {strides = array<i32>} : memref<20000xf32, #tpu.memory_space<vmem>>, vector<16xf32>,
      %get3A_814 = vector.shape_cast %get3A_813 : vector<16xf32> to vector<16xf32>
      %max3A_815 = arith.constant 1.000000e-10 : f32
      %max3A_816 = vector.broadcast %max3A_815 : f32 to vector<16xf32>
      %max3A_817 = arith.maximumf %get3A_814, %max3A_816 : vector<16xf32>
      %div3A_818 = arith.divf %exp3A_811, %max3A_817 : vector<16xf32>
      %add3A_819 = arith.addi %mul3A_775, %mul3A_805 : i32
      %add3A_820 = vector.broadcast %add3A_819 : i32 to vector<16xi32>
      %add3A_821 = arith.addi %add3A_820, %iota3A : vector<16xi32>
      %gt3A_822 = arith.cmpf ogt, %div3A_818, %select_n3A_800 : vector<16xf32>
      %select_n3A_823 = arith.select %gt3A_822, %div3A_818, %select_n3A_800 : vector<16xi1>, vector<16xf32>
      %select_n3A_824 = arith.select %gt3A_822, %add3A_821, %select_n3A_801 : vector<16xi1>, vector<16xi32>
      %scan3A_825 = arith.constant 1250 : i32
      scf.yield %select_n3A_823, %select_n3A_824 : vector<16xf32>, vector<16xi32>
    }
    %scan3A_70 = arith.constant 5 : i32
    %swap3A_71 = arith.constant 0 : index
    %swap3A_72 = tpu.vector_load %arg10[%swap3A_71] {strides = array<i32>} : memref<32xf32, #tpu.memory_space<vmem>>, vector<16xf32>,
    %swap3A_73 = vector.shape_cast %swap3A_72 : vector<16xf32> to vector<16xf32>
    %swap3A_74 = vector.shape_cast %scan3A_69#0 : vector<16xf32> to vector<16xf32>
    tpu.vector_store %arg10[%swap3A_71], %swap3A_74 {strides = array<i32>} : memref<32xf32, #tpu.memory_space<vmem>>, vector<16xf32>,
    %swap3A_75 = arith.constant 16 : index
    %swap3A_76 = tpu.vector_load %arg10[%swap3A_75] {strides = array<i32>} : memref<32xf32, #tpu.memory_space<vmem>>, vector<16xf32>,
    %swap3A_77 = vector.shape_cast %swap3A_76 : vector<16xf32> to vector<16xf32>
    %swap3A_78 = vector.shape_cast %scan3A_69#0 : vector<16xf32> to vector<16xf32>
    tpu.vector_store %arg10[%swap3A_75], %swap3A_78 {strides = array<i32>} : memref<32xf32, #tpu.memory_space<vmem>>, vector<16xf32>,
    %get3A_79 = arith.constant 8 : index
    %get3A_80 = tpu.vector_load %arg10[%get3A_79] {strides = array<i32>} : memref<32xf32, #tpu.memory_space<vmem>>, vector<16xf32>,
    %get3A_81 = vector.shape_cast %get3A_80 : vector<16xf32> to vector<16xf32>
    %swap3A_82 = arith.constant 0 : index
    %swap3A_83 = tpu.vector_load %arg11[%swap3A_82] {strides = array<i32>} : memref<32xi32, #tpu.memory_space<vmem>>, vector<16xi32>,
    %swap3A_84 = vector.shape_cast %swap3A_83 : vector<16xi32> to vector<16xi32>
    %swap3A_85 = vector.shape_cast %scan3A_69#1 : vector<16xi32> to vector<16xi32>
    tpu.vector_store %arg11[%swap3A_82], %swap3A_85 {strides = array<i32>} : memref<32xi32, #tpu.memory_space<vmem>>, vector<16xi32>,
    %swap3A_86 = arith.constant 16 : index
    %swap3A_87 = tpu.vector_load %arg11[%swap3A_86] {strides = array<i32>} : memref<32xi32, #tpu.memory_space<vmem>>, vector<16xi32>,
    %swap3A_88 = vector.shape_cast %swap3A_87 : vector<16xi32> to vector<16xi32>
    %swap3A_89 = vector.shape_cast %scan3A_69#1 : vector<16xi32> to vector<16xi32>
    tpu.vector_store %arg11[%swap3A_86], %swap3A_89 {strides = array<i32>} : memref<32xi32, #tpu.memory_space<vmem>>, vector<16xi32>,
    %get3A_90 = arith.constant 8 : index
    %get3A_91 = tpu.vector_load %arg11[%get3A_90] {strides = array<i32>} : memref<32xi32, #tpu.memory_space<vmem>>, vector<16xi32>,
    %get3A_92 = vector.shape_cast %get3A_91 : vector<16xi32> to vector<16xi32>
    %gt3A = arith.cmpf ogt, %get3A_81, %scan3A_69#0 : vector<16xf32>
    %eq3A = arith.cmpf oeq, %get3A_81, %scan3A_69#0 : vector<16xf32>
    %lt3A = arith.cmpi slt, %get3A_92, %scan3A_69#1 : vector<16xi32>
    %and3A = arith.andi %eq3A, %lt3A : vector<16xi1>
    %or3A = arith.ori %gt3A, %and3A : vector<16xi1>
    %select_n3A = arith.select %or3A, %get3A_81, %scan3A_69#0 : vector<16xi1>, vector<16xf32>
    %select_n3A_93 = arith.select %or3A, %get3A_92, %scan3A_69#1 : vector<16xi1>, vector<16xi32>
    %swap3A_94 = arith.constant 0 : index
    %swap3A_95 = tpu.vector_load %arg10[%swap3A_94] {strides = array<i32>} : memref<32xf32, #tpu.memory_space<vmem>>, vector<16xf32>,
    %swap3A_96 = vector.shape_cast %swap3A_95 : vector<16xf32> to vector<16xf32>
    %swap3A_97 = vector.shape_cast %select_n3A : vector<16xf32> to vector<16xf32>
    tpu.vector_store %arg10[%swap3A_94], %swap3A_97 {strides = array<i32>} : memref<32xf32, #tpu.memory_space<vmem>>, vector<16xf32>,
    %swap3A_98 = arith.constant 16 : index
    %swap3A_99 = tpu.vector_load %arg10[%swap3A_98] {strides = array<i32>} : memref<32xf32, #tpu.memory_space<vmem>>, vector<16xf32>,
    %swap3A_100 = vector.shape_cast %swap3A_99 : vector<16xf32> to vector<16xf32>
    %swap3A_101 = vector.shape_cast %select_n3A : vector<16xf32> to vector<16xf32>
    tpu.vector_store %arg10[%swap3A_98], %swap3A_101 {strides = array<i32>} : memref<32xf32, #tpu.memory_space<vmem>>, vector<16xf32>,
    %get3A_102 = arith.constant 4 : index
    %get3A_103 = tpu.vector_load %arg10[%get3A_102] {strides = array<i32>} : memref<32xf32, #tpu.memory_space<vmem>>, vector<16xf32>,
    %get3A_104 = vector.shape_cast %get3A_103 : vector<16xf32> to vector<16xf32>
    %swap3A_105 = arith.constant 0 : index
    %swap3A_106 = tpu.vector_load %arg11[%swap3A_105] {strides = array<i32>} : memref<32xi32, #tpu.memory_space<vmem>>, vector<16xi32>,
    %swap3A_107 = vector.shape_cast %swap3A_106 : vector<16xi32> to vector<16xi32>
    %swap3A_108 = vector.shape_cast %select_n3A_93 : vector<16xi32> to vector<16xi32>
    tpu.vector_store %arg11[%swap3A_105], %swap3A_108 {strides = array<i32>} : memref<32xi32, #tpu.memory_space<vmem>>, vector<16xi32>,
    %swap3A_109 = arith.constant 16 : index
    %swap3A_110 = tpu.vector_load %arg11[%swap3A_109] {strides = array<i32>} : memref<32xi32, #tpu.memory_space<vmem>>, vector<16xi32>,
    %swap3A_111 = vector.shape_cast %swap3A_110 : vector<16xi32> to vector<16xi32>
    %swap3A_112 = vector.shape_cast %select_n3A_93 : vector<16xi32> to vector<16xi32>
    tpu.vector_store %arg11[%swap3A_109], %swap3A_112 {strides = array<i32>} : memref<32xi32, #tpu.memory_space<vmem>>, vector<16xi32>,
    %get3A_113 = arith.constant 4 : index
    %get3A_114 = tpu.vector_load %arg11[%get3A_113] {strides = array<i32>} : memref<32xi32, #tpu.memory_space<vmem>>, vector<16xi32>,
    %get3A_115 = vector.shape_cast %get3A_114 : vector<16xi32> to vector<16xi32>
    %gt3A_116 = arith.cmpf ogt, %get3A_104, %select_n3A : vector<16xf32>
    %eq3A_117 = arith.cmpf oeq, %get3A_104, %select_n3A : vector<16xf32>
    %lt3A_118 = arith.cmpi slt, %get3A_115, %select_n3A_93 : vector<16xi32>
    %and3A_119 = arith.andi %eq3A_117, %lt3A_118 : vector<16xi1>
    %or3A_120 = arith.ori %gt3A_116, %and3A_119 : vector<16xi1>
    %select_n3A_121 = arith.select %or3A_120, %get3A_104, %select_n3A : vector<16xi1>, vector<16xf32>
    %select_n3A_122 = arith.select %or3A_120, %get3A_115, %select_n3A_93 : vector<16xi1>, vector<16xi32>
    %swap3A_123 = arith.constant 0 : index
    %swap3A_124 = tpu.vector_load %arg10[%swap3A_123] {strides = array<i32>} : memref<32xf32, #tpu.memory_space<vmem>>, vector<16xf32>,
    %swap3A_125 = vector.shape_cast %swap3A_124 : vector<16xf32> to vector<16xf32>
    %swap3A_126 = vector.shape_cast %select_n3A_121 : vector<16xf32> to vector<16xf32>
    tpu.vector_store %arg10[%swap3A_123], %swap3A_126 {strides = array<i32>} : memref<32xf32, #tpu.memory_space<vmem>>, vector<16xf32>,
    %swap3A_127 = arith.constant 16 : index
    %swap3A_128 = tpu.vector_load %arg10[%swap3A_127] {strides = array<i32>} : memref<32xf32, #tpu.memory_space<vmem>>, vector<16xf32>,
    %swap3A_129 = vector.shape_cast %swap3A_128 : vector<16xf32> to vector<16xf32>
    %swap3A_130 = vector.shape_cast %select_n3A_121 : vector<16xf32> to vector<16xf32>
    tpu.vector_store %arg10[%swap3A_127], %swap3A_130 {strides = array<i32>} : memref<32xf32, #tpu.memory_space<vmem>>, vector<16xf32>,
    %get3A_131 = arith.constant 2 : index
    %get3A_132 = tpu.vector_load %arg10[%get3A_131] {strides = array<i32>} : memref<32xf32, #tpu.memory_space<vmem>>, vector<16xf32>,
    %get3A_133 = vector.shape_cast %get3A_132 : vector<16xf32> to vector<16xf32>
    %swap3A_134 = arith.constant 0 : index
    %swap3A_135 = tpu.vector_load %arg11[%swap3A_134] {strides = array<i32>} : memref<32xi32, #tpu.memory_space<vmem>>, vector<16xi32>,
    %swap3A_136 = vector.shape_cast %swap3A_135 : vector<16xi32> to vector<16xi32>
    %swap3A_137 = vector.shape_cast %select_n3A_122 : vector<16xi32> to vector<16xi32>
    tpu.vector_store %arg11[%swap3A_134], %swap3A_137 {strides = array<i32>} : memref<32xi32, #tpu.memory_space<vmem>>, vector<16xi32>,
    %swap3A_138 = arith.constant 16 : index
    %swap3A_139 = tpu.vector_load %arg11[%swap3A_138] {strides = array<i32>} : memref<32xi32, #tpu.memory_space<vmem>>, vector<16xi32>,
    %swap3A_140 = vector.shape_cast %swap3A_139 : vector<16xi32> to vector<16xi32>
    %swap3A_141 = vector.shape_cast %select_n3A_122 : vector<16xi32> to vector<16xi32>
    tpu.vector_store %arg11[%swap3A_138], %swap3A_141 {strides = array<i32>} : memref<32xi32, #tpu.memory_space<vmem>>, vector<16xi32>,
    %get3A_142 = arith.constant 2 : index
    %get3A_143 = tpu.vector_load %arg11[%get3A_142] {strides = array<i32>} : memref<32xi32, #tpu.memory_space<vmem>>, vector<16xi32>,
    %get3A_144 = vector.shape_cast %get3A_143 : vector<16xi32> to vector<16xi32>
    %gt3A_145 = arith.cmpf ogt, %get3A_133, %select_n3A_121 : vector<16xf32>
    %eq3A_146 = arith.cmpf oeq, %get3A_133, %select_n3A_121 : vector<16xf32>
    %lt3A_147 = arith.cmpi slt, %get3A_144, %select_n3A_122 : vector<16xi32>
    %and3A_148 = arith.andi %eq3A_146, %lt3A_147 : vector<16xi1>
    %or3A_149 = arith.ori %gt3A_145, %and3A_148 : vector<16xi1>
    %select_n3A_150 = arith.select %or3A_149, %get3A_133, %select_n3A_121 : vector<16xi1>, vector<16xf32>
    %select_n3A_151 = arith.select %or3A_149, %get3A_144, %select_n3A_122 : vector<16xi1>, vector<16xi32>
    %swap3A_152 = arith.constant 0 : index
    %swap3A_153 = tpu.vector_load %arg10[%swap3A_152] {strides = array<i32>} : memref<32xf32, #tpu.memory_space<vmem>>, vector<16xf32>,
    %swap3A_154 = vector.shape_cast %swap3A_153 : vector<16xf32> to vector<16xf32>
    %swap3A_155 = vector.shape_cast %select_n3A_150 : vector<16xf32> to vector<16xf32>
    tpu.vector_store %arg10[%swap3A_152], %swap3A_155 {strides = array<i32>} : memref<32xf32, #tpu.memory_space<vmem>>, vector<16xf32>,
    %swap3A_156 = arith.constant 16 : index
    %swap3A_157 = tpu.vector_load %arg10[%swap3A_156] {strides = array<i32>} : memref<32xf32, #tpu.memory_space<vmem>>, vector<16xf32>,
    %swap3A_158 = vector.shape_cast %swap3A_157 : vector<16xf32> to vector<16xf32>
    %swap3A_159 = vector.shape_cast %select_n3A_150 : vector<16xf32> to vector<16xf32>
    tpu.vector_store %arg10[%swap3A_156], %swap3A_159 {strides = array<i32>} : memref<32xf32, #tpu.memory_space<vmem>>, vector<16xf32>,
    %get3A_160 = arith.constant 1 : index
    %get3A_161 = tpu.vector_load %arg10[%get3A_160] {strides = array<i32>} : memref<32xf32, #tpu.memory_space<vmem>>, vector<16xf32>,
    %get3A_162 = vector.shape_cast %get3A_161 : vector<16xf32> to vector<16xf32>
    %swap3A_163 = arith.constant 0 : index
    %swap3A_164 = tpu.vector_load %arg11[%swap3A_163] {strides = array<i32>} : memref<32xi32, #tpu.memory_space<vmem>>, vector<16xi32>,
    %swap3A_165 = vector.shape_cast %swap3A_164 : vector<16xi32> to vector<16xi32>
    %swap3A_166 = vector.shape_cast %select_n3A_151 : vector<16xi32> to vector<16xi32>
    tpu.vector_store %arg11[%swap3A_163], %swap3A_166 {strides = array<i32>} : memref<32xi32, #tpu.memory_space<vmem>>, vector<16xi32>,
    %swap3A_167 = arith.constant 16 : index
    %swap3A_168 = tpu.vector_load %arg11[%swap3A_167] {strides = array<i32>} : memref<32xi32, #tpu.memory_space<vmem>>, vector<16xi32>,
    %swap3A_169 = vector.shape_cast %swap3A_168 : vector<16xi32> to vector<16xi32>
    %swap3A_170 = vector.shape_cast %select_n3A_151 : vector<16xi32> to vector<16xi32>
    tpu.vector_store %arg11[%swap3A_167], %swap3A_170 {strides = array<i32>} : memref<32xi32, #tpu.memory_space<vmem>>, vector<16xi32>,
    %get3A_171 = arith.constant 1 : index
    %get3A_172 = tpu.vector_load %arg11[%get3A_171] {strides = array<i32>} : memref<32xi32, #tpu.memory_space<vmem>>, vector<16xi32>,
    %get3A_173 = vector.shape_cast %get3A_172 : vector<16xi32> to vector<16xi32>
    %gt3A_174 = arith.cmpf ogt, %get3A_162, %select_n3A_150 : vector<16xf32>
    %eq3A_175 = arith.cmpf oeq, %get3A_162, %select_n3A_150 : vector<16xf32>
    %lt3A_176 = arith.cmpi slt, %get3A_173, %select_n3A_151 : vector<16xi32>
    %and3A_177 = arith.andi %eq3A_175, %lt3A_176 : vector<16xi1>
    %or3A_178 = arith.ori %gt3A_174, %and3A_177 : vector<16xi1>
    %select_n3A_179 = arith.select %or3A_178, %get3A_162, %select_n3A_150 : vector<16xi1>, vector<16xf32>
    %select_n3A_180 = arith.select %or3A_178, %get3A_173, %select_n3A_151 : vector<16xi1>, vector<16xi32>
    %eq3A_181 = arith.constant 0 : i32
    %eq3A_182 = vector.broadcast %eq3A_181 : i32 to vector<16xi32>
    %eq3A_183 = arith.cmpi eq, %iota3A, %eq3A_182 : vector<16xi32>
    %select_n3A_184 = arith.select %eq3A_183, %select_n3A_180, %broadcast_in_dim3A_1 : vector<16xi1>, vector<16xi32>
    %mul3A_185 = arith.constant 4 : i32
    %mul3A_186 = arith.muli %add3A, %mul3A_185 : i32
    %add3A_187 = arith.constant 1 : i32
    %add3A_188 = arith.addi %mul3A_186, %add3A_187 : i32
    "tpu.region"() ({
      %run_scoped3A = tpu.sem_alloc : memref<!tpu.dma_semaphore, #tpu.memory_space<semaphore_mem>>
      %dma_start3A = arith.constant 0 : i32
      %dma_start3A_771 = tpu.memref_slice %arg3[%add3A_188, %dma_start3A] : memref<128x16xf32, #tpu.memory_space<hbm>> -> memref<1x16xf32, #tpu.memory_space<hbm>>
      %dma_start3A_772 = tpu.memref_squeeze %dma_start3A_771 : memref<1x16xf32, #tpu.memory_space<hbm>> -> memref<16xf32, #tpu.memory_space<hbm>>
      %dma_start3A_773 = arith.constant 0 : i32
      %dma_start3A_774 = tpu.memref_slice %arg3[%add3A_188, %dma_start3A_773] : memref<128x16xf32, #tpu.memory_space<hbm>> -> memref<1x16xf32, #tpu.memory_space<hbm>>
      %dma_start3A_775 = tpu.memref_squeeze %dma_start3A_774 : memref<1x16xf32, #tpu.memory_space<hbm>> -> memref<16xf32, #tpu.memory_space<hbm>>
      tpu.enqueue_dma source(%dma_start3A_775 : memref<16xf32, #tpu.memory_space<hbm>>) target(%arg8 : memref<16xf32, #tpu.memory_space<vmem>>) target_semaphore(%run_scoped3A : memref<!tpu.dma_semaphore, #tpu.memory_space<semaphore_mem>>)
      %dma_wait3A = arith.constant 0 : i32
      %dma_wait3A_776 = tpu.memref_slice %arg3[%add3A_188, %dma_wait3A] : memref<128x16xf32, #tpu.memory_space<hbm>> -> memref<1x16xf32, #tpu.memory_space<hbm>>
      %dma_wait3A_777 = tpu.memref_squeeze %dma_wait3A_776 : memref<1x16xf32, #tpu.memory_space<hbm>> -> memref<16xf32, #tpu.memory_space<hbm>>
      %dma_wait3A_778 = arith.constant 0 : i32
      %dma_wait3A_779 = tpu.memref_slice %arg3[%add3A_188, %dma_wait3A_778] : memref<128x16xf32, #tpu.memory_space<hbm>> -> memref<1x16xf32, #tpu.memory_space<hbm>>
      %dma_wait3A_780 = tpu.memref_squeeze %dma_wait3A_779 : memref<1x16xf32, #tpu.memory_space<hbm>> -> memref<16xf32, #tpu.memory_space<hbm>>
      tpu.wait_dma2 semaphore(%run_scoped3A : memref<!tpu.dma_semaphore, #tpu.memory_space<semaphore_mem>>) src(%dma_wait3A_780 : memref<16xf32, #tpu.memory_space<hbm>>) dst(%arg8 : memref<16xf32, #tpu.memory_space<vmem>>)
      tpu.yield
    }) : () -> ()
    %get3A_189 = arith.constant 0 : index
    %get3A_190 = tpu.vector_load %arg8[%get3A_189] {strides = array<i32>} : memref<16xf32, #tpu.memory_space<vmem>>, vector<16xf32>,
    %get3A_191 = vector.shape_cast %get3A_190 : vector<16xf32> to vector<16xf32>
    %broadcast_in_dim3A_192 = arith.constant 0xFF800000 : f32
    %broadcast_in_dim3A_193 = vector.broadcast %broadcast_in_dim3A_192 : f32 to vector<16xf32>
    %scan3A_194 = arith.constant 0 : i32
    %scan3A_195 = arith.constant 5 : i32
    %scan3A_196 = arith.addi %scan3A_194, %scan3A_195 : i32
    %scan3A_197 = arith.constant 1 : i32
    %scan3A_198 = scf.for %scan3A_771 = %scan3A_194 to %scan3A_196 step %scan3A_197 iter_args(%scan3A_772 = %broadcast_in_dim3A_193) -> (vector<16xf32>)  : i32 {
      "tpu.region"() ({
        %run_scoped3A = tpu.sem_alloc : memref<!tpu.dma_semaphore, #tpu.memory_space<semaphore_mem>>
        %dma_start3A = arith.constant 0 : i32
        %dma_start3A_795 = tpu.memref_slice %arg2[%add3A_188, %scan3A_771, %dma_start3A] : memref<128x5x20000xf32, #tpu.memory_space<hbm>> -> memref<1x1x20000xf32, #tpu.memory_space<hbm>>
        %dma_start3A_796 = tpu.memref_squeeze %dma_start3A_795 : memref<1x1x20000xf32, #tpu.memory_space<hbm>> -> memref<20000xf32, #tpu.memory_space<hbm>>
        %dma_start3A_797 = arith.constant 0 : i32
        %dma_start3A_798 = tpu.memref_slice %arg2[%add3A_188, %scan3A_771, %dma_start3A_797] : memref<128x5x20000xf32, #tpu.memory_space<hbm>> -> memref<1x1x20000xf32, #tpu.memory_space<hbm>>
        %dma_start3A_799 = tpu.memref_squeeze %dma_start3A_798 : memref<1x1x20000xf32, #tpu.memory_space<hbm>> -> memref<20000xf32, #tpu.memory_space<hbm>>
        tpu.enqueue_dma source(%dma_start3A_799 : memref<20000xf32, #tpu.memory_space<hbm>>) target(%arg6 : memref<20000xf32, #tpu.memory_space<vmem>>) target_semaphore(%run_scoped3A : memref<!tpu.dma_semaphore, #tpu.memory_space<semaphore_mem>>)
        %dma_wait3A = arith.constant 0 : i32
        %dma_wait3A_800 = tpu.memref_slice %arg2[%add3A_188, %scan3A_771, %dma_wait3A] : memref<128x5x20000xf32, #tpu.memory_space<hbm>> -> memref<1x1x20000xf32, #tpu.memory_space<hbm>>
        %dma_wait3A_801 = tpu.memref_squeeze %dma_wait3A_800 : memref<1x1x20000xf32, #tpu.memory_space<hbm>> -> memref<20000xf32, #tpu.memory_space<hbm>>
        %dma_wait3A_802 = arith.constant 0 : i32
        %dma_wait3A_803 = tpu.memref_slice %arg2[%add3A_188, %scan3A_771, %dma_wait3A_802] : memref<128x5x20000xf32, #tpu.memory_space<hbm>> -> memref<1x1x20000xf32, #tpu.memory_space<hbm>>
        %dma_wait3A_804 = tpu.memref_squeeze %dma_wait3A_803 : memref<1x1x20000xf32, #tpu.memory_space<hbm>> -> memref<20000xf32, #tpu.memory_space<hbm>>
        tpu.wait_dma2 semaphore(%run_scoped3A : memref<!tpu.dma_semaphore, #tpu.memory_space<semaphore_mem>>) src(%dma_wait3A_804 : memref<20000xf32, #tpu.memory_space<hbm>>) dst(%arg6 : memref<20000xf32, #tpu.memory_space<vmem>>)
        tpu.yield
      }) : () -> ()
      %scan3A_773 = arith.constant 0 : i32
      %scan3A_774 = arith.constant 1248 : i32
      %scan3A_775 = arith.addi %scan3A_773, %scan3A_774 : i32
      %scan3A_776 = arith.constant 4 : i32
      %scan3A_777 = scf.for %scan3A_795 = %scan3A_773 to %scan3A_775 step %scan3A_776 iter_args(%scan3A_796 = %scan3A_772) -> (vector<16xf32>)  : i32 {
        %mul3A_797 = arith.constant 16 : i32
        %mul3A_798 = arith.muli %scan3A_795, %mul3A_797 : i32
        %get3A_799 = arith.index_cast %mul3A_798 : i32 to index
        %get3A_800 = tpu.vector_load %arg6[%get3A_799] {strides = array<i32>} : memref<20000xf32, #tpu.memory_space<vmem>>, vector<16xf32>,
        %get3A_801 = vector.shape_cast %get3A_800 : vector<16xf32> to vector<16xf32>
        %max3A_802 = arith.maximumf %scan3A_796, %get3A_801 : vector<16xf32>
        %scan3A_803 = arith.constant 1 : i32
        %scan3A_804 = arith.addi %scan3A_795, %scan3A_803 : i32
        %mul3A_805 = arith.constant 16 : i32
        %mul3A_806 = arith.muli %scan3A_804, %mul3A_805 : i32
        %get3A_807 = arith.index_cast %mul3A_806 : i32 to index
        %get3A_808 = tpu.vector_load %arg6[%get3A_807] {strides = array<i32>} : memref<20000xf32, #tpu.memory_space<vmem>>, vector<16xf32>,
        %get3A_809 = vector.shape_cast %get3A_808 : vector<16xf32> to vector<16xf32>
        %max3A_810 = arith.maximumf %max3A_802, %get3A_809 : vector<16xf32>
        %scan3A_811 = arith.constant 2 : i32
        %scan3A_812 = arith.addi %scan3A_795, %scan3A_811 : i32
        %mul3A_813 = arith.constant 16 : i32
        %mul3A_814 = arith.muli %scan3A_812, %mul3A_813 : i32
        %get3A_815 = arith.index_cast %mul3A_814 : i32 to index
        %get3A_816 = tpu.vector_load %arg6[%get3A_815] {strides = array<i32>} : memref<20000xf32, #tpu.memory_space<vmem>>, vector<16xf32>,
        %get3A_817 = vector.shape_cast %get3A_816 : vector<16xf32> to vector<16xf32>
        %max3A_818 = arith.maximumf %max3A_810, %get3A_817 : vector<16xf32>
        %scan3A_819 = arith.constant 3 : i32
        %scan3A_820 = arith.addi %scan3A_795, %scan3A_819 : i32
        %mul3A_821 = arith.constant 16 : i32
        %mul3A_822 = arith.muli %scan3A_820, %mul3A_821 : i32
        %get3A_823 = arith.index_cast %mul3A_822 : i32 to index
        %get3A_824 = tpu.vector_load %arg6[%get3A_823] {strides = array<i32>} : memref<20000xf32, #tpu.memory_space<vmem>>, vector<16xf32>,
        %get3A_825 = vector.shape_cast %get3A_824 : vector<16xf32> to vector<16xf32>
        %max3A_826 = arith.maximumf %max3A_818, %get3A_825 : vector<16xf32>
        scf.yield %max3A_826 : vector<16xf32>
      }
      %scan3A_778 = arith.constant 1248 : i32
      %scan3A_779 = arith.addi %scan3A_773, %scan3A_778 : i32
      %mul3A_780 = arith.constant 16 : i32
      %mul3A_781 = arith.muli %scan3A_779, %mul3A_780 : i32
      %get3A_782 = arith.index_cast %mul3A_781 : i32 to index
      %get3A_783 = tpu.vector_load %arg6[%get3A_782] {strides = array<i32>} : memref<20000xf32, #tpu.memory_space<vmem>>, vector<16xf32>,
      %get3A_784 = vector.shape_cast %get3A_783 : vector<16xf32> to vector<16xf32>
      %max3A_785 = arith.maximumf %scan3A_777, %get3A_784 : vector<16xf32>
      %scan3A_786 = arith.constant 1249 : i32
      %scan3A_787 = arith.addi %scan3A_773, %scan3A_786 : i32
      %mul3A_788 = arith.constant 16 : i32
      %mul3A_789 = arith.muli %scan3A_787, %mul3A_788 : i32
      %get3A_790 = arith.index_cast %mul3A_789 : i32 to index
      %get3A_791 = tpu.vector_load %arg6[%get3A_790] {strides = array<i32>} : memref<20000xf32, #tpu.memory_space<vmem>>, vector<16xf32>,
      %get3A_792 = vector.shape_cast %get3A_791 : vector<16xf32> to vector<16xf32>
      %max3A_793 = arith.maximumf %max3A_785, %get3A_792 : vector<16xf32>
      %scan3A_794 = arith.constant 1250 : i32
      scf.yield %max3A_793 : vector<16xf32>
    }
    %scan3A_199 = arith.constant 5 : i32
    %swap3A_200 = arith.constant 0 : index
    %swap3A_201 = tpu.vector_load %arg10[%swap3A_200] {strides = array<i32>} : memref<32xf32, #tpu.memory_space<vmem>>, vector<16xf32>,
    %swap3A_202 = vector.shape_cast %swap3A_201 : vector<16xf32> to vector<16xf32>
    %swap3A_203 = vector.shape_cast %scan3A_198 : vector<16xf32> to vector<16xf32>
    tpu.vector_store %arg10[%swap3A_200], %swap3A_203 {strides = array<i32>} : memref<32xf32, #tpu.memory_space<vmem>>, vector<16xf32>,
    %swap3A_204 = arith.constant 16 : index
    %swap3A_205 = tpu.vector_load %arg10[%swap3A_204] {strides = array<i32>} : memref<32xf32, #tpu.memory_space<vmem>>, vector<16xf32>,
    %swap3A_206 = vector.shape_cast %swap3A_205 : vector<16xf32> to vector<16xf32>
    %swap3A_207 = vector.shape_cast %scan3A_198 : vector<16xf32> to vector<16xf32>
    tpu.vector_store %arg10[%swap3A_204], %swap3A_207 {strides = array<i32>} : memref<32xf32, #tpu.memory_space<vmem>>, vector<16xf32>,
    %get3A_208 = arith.constant 8 : index
    %get3A_209 = tpu.vector_load %arg10[%get3A_208] {strides = array<i32>} : memref<32xf32, #tpu.memory_space<vmem>>, vector<16xf32>,
    %get3A_210 = vector.shape_cast %get3A_209 : vector<16xf32> to vector<16xf32>
    %max3A_211 = arith.maximumf %scan3A_198, %get3A_210 : vector<16xf32>
    %swap3A_212 = arith.constant 0 : index
    %swap3A_213 = tpu.vector_load %arg10[%swap3A_212] {strides = array<i32>} : memref<32xf32, #tpu.memory_space<vmem>>, vector<16xf32>,
    %swap3A_214 = vector.shape_cast %swap3A_213 : vector<16xf32> to vector<16xf32>
    %swap3A_215 = vector.shape_cast %max3A_211 : vector<16xf32> to vector<16xf32>
    tpu.vector_store %arg10[%swap3A_212], %swap3A_215 {strides = array<i32>} : memref<32xf32, #tpu.memory_space<vmem>>, vector<16xf32>,
    %swap3A_216 = arith.constant 16 : index
    %swap3A_217 = tpu.vector_load %arg10[%swap3A_216] {strides = array<i32>} : memref<32xf32, #tpu.memory_space<vmem>>, vector<16xf32>,
    %swap3A_218 = vector.shape_cast %swap3A_217 : vector<16xf32> to vector<16xf32>
    %swap3A_219 = vector.shape_cast %max3A_211 : vector<16xf32> to vector<16xf32>
    tpu.vector_store %arg10[%swap3A_216], %swap3A_219 {strides = array<i32>} : memref<32xf32, #tpu.memory_space<vmem>>, vector<16xf32>,
    %get3A_220 = arith.constant 4 : index
    %get3A_221 = tpu.vector_load %arg10[%get3A_220] {strides = array<i32>} : memref<32xf32, #tpu.memory_space<vmem>>, vector<16xf32>,
    %get3A_222 = vector.shape_cast %get3A_221 : vector<16xf32> to vector<16xf32>
    %max3A_223 = arith.maximumf %max3A_211, %get3A_222 : vector<16xf32>
    %swap3A_224 = arith.constant 0 : index
    %swap3A_225 = tpu.vector_load %arg10[%swap3A_224] {strides = array<i32>} : memref<32xf32, #tpu.memory_space<vmem>>, vector<16xf32>,
    %swap3A_226 = vector.shape_cast %swap3A_225 : vector<16xf32> to vector<16xf32>
    %swap3A_227 = vector.shape_cast %max3A_223 : vector<16xf32> to vector<16xf32>
    tpu.vector_store %arg10[%swap3A_224], %swap3A_227 {strides = array<i32>} : memref<32xf32, #tpu.memory_space<vmem>>, vector<16xf32>,
    %swap3A_228 = arith.constant 16 : index
    %swap3A_229 = tpu.vector_load %arg10[%swap3A_228] {strides = array<i32>} : memref<32xf32, #tpu.memory_space<vmem>>, vector<16xf32>,
    %swap3A_230 = vector.shape_cast %swap3A_229 : vector<16xf32> to vector<16xf32>
    %swap3A_231 = vector.shape_cast %max3A_223 : vector<16xf32> to vector<16xf32>
    tpu.vector_store %arg10[%swap3A_228], %swap3A_231 {strides = array<i32>} : memref<32xf32, #tpu.memory_space<vmem>>, vector<16xf32>,
    %get3A_232 = arith.constant 2 : index
    %get3A_233 = tpu.vector_load %arg10[%get3A_232] {strides = array<i32>} : memref<32xf32, #tpu.memory_space<vmem>>, vector<16xf32>,
    %get3A_234 = vector.shape_cast %get3A_233 : vector<16xf32> to vector<16xf32>
    %max3A_235 = arith.maximumf %max3A_223, %get3A_234 : vector<16xf32>
    %swap3A_236 = arith.constant 0 : index
    %swap3A_237 = tpu.vector_load %arg10[%swap3A_236] {strides = array<i32>} : memref<32xf32, #tpu.memory_space<vmem>>, vector<16xf32>,
    %swap3A_238 = vector.shape_cast %swap3A_237 : vector<16xf32> to vector<16xf32>
    %swap3A_239 = vector.shape_cast %max3A_235 : vector<16xf32> to vector<16xf32>
    tpu.vector_store %arg10[%swap3A_236], %swap3A_239 {strides = array<i32>} : memref<32xf32, #tpu.memory_space<vmem>>, vector<16xf32>,
    %swap3A_240 = arith.constant 16 : index
    %swap3A_241 = tpu.vector_load %arg10[%swap3A_240] {strides = array<i32>} : memref<32xf32, #tpu.memory_space<vmem>>, vector<16xf32>,
    %swap3A_242 = vector.shape_cast %swap3A_241 : vector<16xf32> to vector<16xf32>
    %swap3A_243 = vector.shape_cast %max3A_235 : vector<16xf32> to vector<16xf32>
    tpu.vector_store %arg10[%swap3A_240], %swap3A_243 {strides = array<i32>} : memref<32xf32, #tpu.memory_space<vmem>>, vector<16xf32>,
    %get3A_244 = arith.constant 1 : index
    %get3A_245 = tpu.vector_load %arg10[%get3A_244] {strides = array<i32>} : memref<32xf32, #tpu.memory_space<vmem>>, vector<16xf32>,
    %get3A_246 = vector.shape_cast %get3A_245 : vector<16xf32> to vector<16xf32>
    %max3A_247 = arith.maximumf %max3A_235, %get3A_246 : vector<16xf32>
    %div3A_248 = arith.divf %max3A_247, %get3A_191 : vector<16xf32>
    %broadcast_in_dim3A_249 = arith.constant 0xFF800000 : f32
    %broadcast_in_dim3A_250 = vector.broadcast %broadcast_in_dim3A_249 : f32 to vector<16xf32>
    %broadcast_in_dim3A_251 = arith.constant 0 : i32
    %broadcast_in_dim3A_252 = vector.broadcast %broadcast_in_dim3A_251 : i32 to vector<16xi32>
    %scan3A_253 = arith.constant 0 : i32
    %scan3A_254 = arith.constant 5 : i32
    %scan3A_255 = arith.addi %scan3A_253, %scan3A_254 : i32
    %scan3A_256 = arith.constant 1 : i32
    %scan3A_257:2 = scf.for %scan3A_771 = %scan3A_253 to %scan3A_255 step %scan3A_256 iter_args(%scan3A_772 = %broadcast_in_dim3A_250, %scan3A_773 = %broadcast_in_dim3A_252) -> (vector<16xf32>, vector<16xi32>)  : i32 {
      "tpu.region"() ({
        %run_scoped3A = tpu.sem_alloc : memref<!tpu.dma_semaphore, #tpu.memory_space<semaphore_mem>>
        %dma_start3A = arith.constant 0 : i32
        %dma_start3A_826 = tpu.memref_slice %arg2[%add3A_188, %scan3A_771, %dma_start3A] : memref<128x5x20000xf32, #tpu.memory_space<hbm>> -> memref<1x1x20000xf32, #tpu.memory_space<hbm>>
        %dma_start3A_827 = tpu.memref_squeeze %dma_start3A_826 : memref<1x1x20000xf32, #tpu.memory_space<hbm>> -> memref<20000xf32, #tpu.memory_space<hbm>>
        %dma_start3A_828 = arith.constant 0 : i32
        %dma_start3A_829 = tpu.memref_slice %arg2[%add3A_188, %scan3A_771, %dma_start3A_828] : memref<128x5x20000xf32, #tpu.memory_space<hbm>> -> memref<1x1x20000xf32, #tpu.memory_space<hbm>>
        %dma_start3A_830 = tpu.memref_squeeze %dma_start3A_829 : memref<1x1x20000xf32, #tpu.memory_space<hbm>> -> memref<20000xf32, #tpu.memory_space<hbm>>
        tpu.enqueue_dma source(%dma_start3A_830 : memref<20000xf32, #tpu.memory_space<hbm>>) target(%arg6 : memref<20000xf32, #tpu.memory_space<vmem>>) target_semaphore(%run_scoped3A : memref<!tpu.dma_semaphore, #tpu.memory_space<semaphore_mem>>)
        %dma_wait3A = arith.constant 0 : i32
        %dma_wait3A_831 = tpu.memref_slice %arg2[%add3A_188, %scan3A_771, %dma_wait3A] : memref<128x5x20000xf32, #tpu.memory_space<hbm>> -> memref<1x1x20000xf32, #tpu.memory_space<hbm>>
        %dma_wait3A_832 = tpu.memref_squeeze %dma_wait3A_831 : memref<1x1x20000xf32, #tpu.memory_space<hbm>> -> memref<20000xf32, #tpu.memory_space<hbm>>
        %dma_wait3A_833 = arith.constant 0 : i32
        %dma_wait3A_834 = tpu.memref_slice %arg2[%add3A_188, %scan3A_771, %dma_wait3A_833] : memref<128x5x20000xf32, #tpu.memory_space<hbm>> -> memref<1x1x20000xf32, #tpu.memory_space<hbm>>
        %dma_wait3A_835 = tpu.memref_squeeze %dma_wait3A_834 : memref<1x1x20000xf32, #tpu.memory_space<hbm>> -> memref<20000xf32, #tpu.memory_space<hbm>>
        tpu.wait_dma2 semaphore(%run_scoped3A : memref<!tpu.dma_semaphore, #tpu.memory_space<semaphore_mem>>) src(%dma_wait3A_835 : memref<20000xf32, #tpu.memory_space<hbm>>) dst(%arg6 : memref<20000xf32, #tpu.memory_space<vmem>>)
        tpu.yield
      }) : () -> ()
      "tpu.region"() ({
        %run_scoped3A = tpu.sem_alloc : memref<!tpu.dma_semaphore, #tpu.memory_space<semaphore_mem>>
        %dma_start3A = arith.constant 0 : i32
        %dma_start3A_826 = tpu.memref_slice %arg4[%add3A_188, %scan3A_771, %dma_start3A] : memref<128x5x20000xf32, #tpu.memory_space<hbm>> -> memref<1x1x20000xf32, #tpu.memory_space<hbm>>
        %dma_start3A_827 = tpu.memref_squeeze %dma_start3A_826 : memref<1x1x20000xf32, #tpu.memory_space<hbm>> -> memref<20000xf32, #tpu.memory_space<hbm>>
        %dma_start3A_828 = arith.constant 0 : i32
        %dma_start3A_829 = tpu.memref_slice %arg4[%add3A_188, %scan3A_771, %dma_start3A_828] : memref<128x5x20000xf32, #tpu.memory_space<hbm>> -> memref<1x1x20000xf32, #tpu.memory_space<hbm>>
        %dma_start3A_830 = tpu.memref_squeeze %dma_start3A_829 : memref<1x1x20000xf32, #tpu.memory_space<hbm>> -> memref<20000xf32, #tpu.memory_space<hbm>>
        tpu.enqueue_dma source(%dma_start3A_830 : memref<20000xf32, #tpu.memory_space<hbm>>) target(%arg7 : memref<20000xf32, #tpu.memory_space<vmem>>) target_semaphore(%run_scoped3A : memref<!tpu.dma_semaphore, #tpu.memory_space<semaphore_mem>>)
        %dma_wait3A = arith.constant 0 : i32
        %dma_wait3A_831 = tpu.memref_slice %arg4[%add3A_188, %scan3A_771, %dma_wait3A] : memref<128x5x20000xf32, #tpu.memory_space<hbm>> -> memref<1x1x20000xf32, #tpu.memory_space<hbm>>
        %dma_wait3A_832 = tpu.memref_squeeze %dma_wait3A_831 : memref<1x1x20000xf32, #tpu.memory_space<hbm>> -> memref<20000xf32, #tpu.memory_space<hbm>>
        %dma_wait3A_833 = arith.constant 0 : i32
        %dma_wait3A_834 = tpu.memref_slice %arg4[%add3A_188, %scan3A_771, %dma_wait3A_833] : memref<128x5x20000xf32, #tpu.memory_space<hbm>> -> memref<1x1x20000xf32, #tpu.memory_space<hbm>>
        %dma_wait3A_835 = tpu.memref_squeeze %dma_wait3A_834 : memref<1x1x20000xf32, #tpu.memory_space<hbm>> -> memref<20000xf32, #tpu.memory_space<hbm>>
        tpu.wait_dma2 semaphore(%run_scoped3A : memref<!tpu.dma_semaphore, #tpu.memory_space<semaphore_mem>>) src(%dma_wait3A_835 : memref<20000xf32, #tpu.memory_space<hbm>>) dst(%arg7 : memref<20000xf32, #tpu.memory_space<vmem>>)
        tpu.yield
      }) : () -> ()
      %mul3A_774 = arith.constant 20000 : i32
      %mul3A_775 = arith.muli %scan3A_771, %mul3A_774 : i32
      %scan3A_776 = arith.constant 0 : i32
      %scan3A_777 = arith.constant 1248 : i32
      %scan3A_778 = arith.addi %scan3A_776, %scan3A_777 : i32
      %scan3A_779 = arith.constant 4 : i32
      %scan3A_780:2 = scf.for %scan3A_826 = %scan3A_776 to %scan3A_778 step %scan3A_779 iter_args(%scan3A_827 = %scan3A_772, %scan3A_828 = %scan3A_773) -> (vector<16xf32>, vector<16xi32>)  : i32 {
        %mul3A_829 = arith.constant 16 : i32
        %mul3A_830 = arith.muli %scan3A_826, %mul3A_829 : i32
        %get3A_831 = arith.index_cast %mul3A_830 : i32 to index
        %get3A_832 = tpu.vector_load %arg6[%get3A_831] {strides = array<i32>} : memref<20000xf32, #tpu.memory_space<vmem>>, vector<16xf32>,
        %get3A_833 = vector.shape_cast %get3A_832 : vector<16xf32> to vector<16xf32>
        %div3A_834 = arith.divf %get3A_833, %get3A_191 : vector<16xf32>
        %sub3A_835 = arith.subf %div3A_834, %div3A_248 : vector<16xf32>
        %exp3A_836 = math.exp %sub3A_835 : vector<16xf32>
        %get3A_837 = arith.index_cast %mul3A_830 : i32 to index
        %get3A_838 = tpu.vector_load %arg7[%get3A_837] {strides = array<i32>} : memref<20000xf32, #tpu.memory_space<vmem>>, vector<16xf32>,
        %get3A_839 = vector.shape_cast %get3A_838 : vector<16xf32> to vector<16xf32>
        %max3A_840 = arith.constant 1.000000e-10 : f32
        %max3A_841 = vector.broadcast %max3A_840 : f32 to vector<16xf32>
        %max3A_842 = arith.maximumf %get3A_839, %max3A_841 : vector<16xf32>
        %div3A_843 = arith.divf %exp3A_836, %max3A_842 : vector<16xf32>
        %add3A_844 = arith.addi %mul3A_775, %mul3A_830 : i32
        %add3A_845 = vector.broadcast %add3A_844 : i32 to vector<16xi32>
        %add3A_846 = arith.addi %add3A_845, %iota3A : vector<16xi32>
        %gt3A_847 = arith.cmpf ogt, %div3A_843, %scan3A_827 : vector<16xf32>
        %select_n3A_848 = arith.select %gt3A_847, %div3A_843, %scan3A_827 : vector<16xi1>, vector<16xf32>
        %select_n3A_849 = arith.select %gt3A_847, %add3A_846, %scan3A_828 : vector<16xi1>, vector<16xi32>
        %scan3A_850 = arith.constant 1 : i32
        %scan3A_851 = arith.addi %scan3A_826, %scan3A_850 : i32
        %mul3A_852 = arith.constant 16 : i32
        %mul3A_853 = arith.muli %scan3A_851, %mul3A_852 : i32
        %get3A_854 = arith.index_cast %mul3A_853 : i32 to index
        %get3A_855 = tpu.vector_load %arg6[%get3A_854] {strides = array<i32>} : memref<20000xf32, #tpu.memory_space<vmem>>, vector<16xf32>,
        %get3A_856 = vector.shape_cast %get3A_855 : vector<16xf32> to vector<16xf32>
        %div3A_857 = arith.divf %get3A_856, %get3A_191 : vector<16xf32>
        %sub3A_858 = arith.subf %div3A_857, %div3A_248 : vector<16xf32>
        %exp3A_859 = math.exp %sub3A_858 : vector<16xf32>
        %get3A_860 = arith.index_cast %mul3A_853 : i32 to index
        %get3A_861 = tpu.vector_load %arg7[%get3A_860] {strides = array<i32>} : memref<20000xf32, #tpu.memory_space<vmem>>, vector<16xf32>,
        %get3A_862 = vector.shape_cast %get3A_861 : vector<16xf32> to vector<16xf32>
        %max3A_863 = arith.constant 1.000000e-10 : f32
        %max3A_864 = vector.broadcast %max3A_863 : f32 to vector<16xf32>
        %max3A_865 = arith.maximumf %get3A_862, %max3A_864 : vector<16xf32>
        %div3A_866 = arith.divf %exp3A_859, %max3A_865 : vector<16xf32>
        %add3A_867 = arith.addi %mul3A_775, %mul3A_853 : i32
        %add3A_868 = vector.broadcast %add3A_867 : i32 to vector<16xi32>
        %add3A_869 = arith.addi %add3A_868, %iota3A : vector<16xi32>
        %gt3A_870 = arith.cmpf ogt, %div3A_866, %select_n3A_848 : vector<16xf32>
        %select_n3A_871 = arith.select %gt3A_870, %div3A_866, %select_n3A_848 : vector<16xi1>, vector<16xf32>
        %select_n3A_872 = arith.select %gt3A_870, %add3A_869, %select_n3A_849 : vector<16xi1>, vector<16xi32>
        %scan3A_873 = arith.constant 2 : i32
        %scan3A_874 = arith.addi %scan3A_826, %scan3A_873 : i32
        %mul3A_875 = arith.constant 16 : i32
        %mul3A_876 = arith.muli %scan3A_874, %mul3A_875 : i32
        %get3A_877 = arith.index_cast %mul3A_876 : i32 to index
        %get3A_878 = tpu.vector_load %arg6[%get3A_877] {strides = array<i32>} : memref<20000xf32, #tpu.memory_space<vmem>>, vector<16xf32>,
        %get3A_879 = vector.shape_cast %get3A_878 : vector<16xf32> to vector<16xf32>
        %div3A_880 = arith.divf %get3A_879, %get3A_191 : vector<16xf32>
        %sub3A_881 = arith.subf %div3A_880, %div3A_248 : vector<16xf32>
        %exp3A_882 = math.exp %sub3A_881 : vector<16xf32>
        %get3A_883 = arith.index_cast %mul3A_876 : i32 to index
        %get3A_884 = tpu.vector_load %arg7[%get3A_883] {strides = array<i32>} : memref<20000xf32, #tpu.memory_space<vmem>>, vector<16xf32>,
        %get3A_885 = vector.shape_cast %get3A_884 : vector<16xf32> to vector<16xf32>
        %max3A_886 = arith.constant 1.000000e-10 : f32
        %max3A_887 = vector.broadcast %max3A_886 : f32 to vector<16xf32>
        %max3A_888 = arith.maximumf %get3A_885, %max3A_887 : vector<16xf32>
        %div3A_889 = arith.divf %exp3A_882, %max3A_888 : vector<16xf32>
        %add3A_890 = arith.addi %mul3A_775, %mul3A_876 : i32
        %add3A_891 = vector.broadcast %add3A_890 : i32 to vector<16xi32>
        %add3A_892 = arith.addi %add3A_891, %iota3A : vector<16xi32>
        %gt3A_893 = arith.cmpf ogt, %div3A_889, %select_n3A_871 : vector<16xf32>
        %select_n3A_894 = arith.select %gt3A_893, %div3A_889, %select_n3A_871 : vector<16xi1>, vector<16xf32>
        %select_n3A_895 = arith.select %gt3A_893, %add3A_892, %select_n3A_872 : vector<16xi1>, vector<16xi32>
        %scan3A_896 = arith.constant 3 : i32
        %scan3A_897 = arith.addi %scan3A_826, %scan3A_896 : i32
        %mul3A_898 = arith.constant 16 : i32
        %mul3A_899 = arith.muli %scan3A_897, %mul3A_898 : i32
        %get3A_900 = arith.index_cast %mul3A_899 : i32 to index
        %get3A_901 = tpu.vector_load %arg6[%get3A_900] {strides = array<i32>} : memref<20000xf32, #tpu.memory_space<vmem>>, vector<16xf32>,
        %get3A_902 = vector.shape_cast %get3A_901 : vector<16xf32> to vector<16xf32>
        %div3A_903 = arith.divf %get3A_902, %get3A_191 : vector<16xf32>
        %sub3A_904 = arith.subf %div3A_903, %div3A_248 : vector<16xf32>
        %exp3A_905 = math.exp %sub3A_904 : vector<16xf32>
        %get3A_906 = arith.index_cast %mul3A_899 : i32 to index
        %get3A_907 = tpu.vector_load %arg7[%get3A_906] {strides = array<i32>} : memref<20000xf32, #tpu.memory_space<vmem>>, vector<16xf32>,
        %get3A_908 = vector.shape_cast %get3A_907 : vector<16xf32> to vector<16xf32>
        %max3A_909 = arith.constant 1.000000e-10 : f32
        %max3A_910 = vector.broadcast %max3A_909 : f32 to vector<16xf32>
        %max3A_911 = arith.maximumf %get3A_908, %max3A_910 : vector<16xf32>
        %div3A_912 = arith.divf %exp3A_905, %max3A_911 : vector<16xf32>
        %add3A_913 = arith.addi %mul3A_775, %mul3A_899 : i32
        %add3A_914 = vector.broadcast %add3A_913 : i32 to vector<16xi32>
        %add3A_915 = arith.addi %add3A_914, %iota3A : vector<16xi32>
        %gt3A_916 = arith.cmpf ogt, %div3A_912, %select_n3A_894 : vector<16xf32>
        %select_n3A_917 = arith.select %gt3A_916, %div3A_912, %select_n3A_894 : vector<16xi1>, vector<16xf32>
        %select_n3A_918 = arith.select %gt3A_916, %add3A_915, %select_n3A_895 : vector<16xi1>, vector<16xi32>
        scf.yield %select_n3A_917, %select_n3A_918 : vector<16xf32>, vector<16xi32>
      }
      %scan3A_781 = arith.constant 1248 : i32
      %scan3A_782 = arith.addi %scan3A_776, %scan3A_781 : i32
      %mul3A_783 = arith.constant 16 : i32
      %mul3A_784 = arith.muli %scan3A_782, %mul3A_783 : i32
      %get3A_785 = arith.index_cast %mul3A_784 : i32 to index
      %get3A_786 = tpu.vector_load %arg6[%get3A_785] {strides = array<i32>} : memref<20000xf32, #tpu.memory_space<vmem>>, vector<16xf32>,
      %get3A_787 = vector.shape_cast %get3A_786 : vector<16xf32> to vector<16xf32>
      %div3A_788 = arith.divf %get3A_787, %get3A_191 : vector<16xf32>
      %sub3A = arith.subf %div3A_788, %div3A_248 : vector<16xf32>
      %exp3A = math.exp %sub3A : vector<16xf32>
      %get3A_789 = arith.index_cast %mul3A_784 : i32 to index
      %get3A_790 = tpu.vector_load %arg7[%get3A_789] {strides = array<i32>} : memref<20000xf32, #tpu.memory_space<vmem>>, vector<16xf32>,
      %get3A_791 = vector.shape_cast %get3A_790 : vector<16xf32> to vector<16xf32>
      %max3A_792 = arith.constant 1.000000e-10 : f32
      %max3A_793 = vector.broadcast %max3A_792 : f32 to vector<16xf32>
      %max3A_794 = arith.maximumf %get3A_791, %max3A_793 : vector<16xf32>
      %div3A_795 = arith.divf %exp3A, %max3A_794 : vector<16xf32>
      %add3A_796 = arith.addi %mul3A_775, %mul3A_784 : i32
      %add3A_797 = vector.broadcast %add3A_796 : i32 to vector<16xi32>
      %add3A_798 = arith.addi %add3A_797, %iota3A : vector<16xi32>
      %gt3A_799 = arith.cmpf ogt, %div3A_795, %scan3A_780#0 : vector<16xf32>
      %select_n3A_800 = arith.select %gt3A_799, %div3A_795, %scan3A_780#0 : vector<16xi1>, vector<16xf32>
      %select_n3A_801 = arith.select %gt3A_799, %add3A_798, %scan3A_780#1 : vector<16xi1>, vector<16xi32>
      %scan3A_802 = arith.constant 1249 : i32
      %scan3A_803 = arith.addi %scan3A_776, %scan3A_802 : i32
      %mul3A_804 = arith.constant 16 : i32
      %mul3A_805 = arith.muli %scan3A_803, %mul3A_804 : i32
      %get3A_806 = arith.index_cast %mul3A_805 : i32 to index
      %get3A_807 = tpu.vector_load %arg6[%get3A_806] {strides = array<i32>} : memref<20000xf32, #tpu.memory_space<vmem>>, vector<16xf32>,
      %get3A_808 = vector.shape_cast %get3A_807 : vector<16xf32> to vector<16xf32>
      %div3A_809 = arith.divf %get3A_808, %get3A_191 : vector<16xf32>
      %sub3A_810 = arith.subf %div3A_809, %div3A_248 : vector<16xf32>
      %exp3A_811 = math.exp %sub3A_810 : vector<16xf32>
      %get3A_812 = arith.index_cast %mul3A_805 : i32 to index
      %get3A_813 = tpu.vector_load %arg7[%get3A_812] {strides = array<i32>} : memref<20000xf32, #tpu.memory_space<vmem>>, vector<16xf32>,
      %get3A_814 = vector.shape_cast %get3A_813 : vector<16xf32> to vector<16xf32>
      %max3A_815 = arith.constant 1.000000e-10 : f32
      %max3A_816 = vector.broadcast %max3A_815 : f32 to vector<16xf32>
      %max3A_817 = arith.maximumf %get3A_814, %max3A_816 : vector<16xf32>
      %div3A_818 = arith.divf %exp3A_811, %max3A_817 : vector<16xf32>
      %add3A_819 = arith.addi %mul3A_775, %mul3A_805 : i32
      %add3A_820 = vector.broadcast %add3A_819 : i32 to vector<16xi32>
      %add3A_821 = arith.addi %add3A_820, %iota3A : vector<16xi32>
      %gt3A_822 = arith.cmpf ogt, %div3A_818, %select_n3A_800 : vector<16xf32>
      %select_n3A_823 = arith.select %gt3A_822, %div3A_818, %select_n3A_800 : vector<16xi1>, vector<16xf32>
      %select_n3A_824 = arith.select %gt3A_822, %add3A_821, %select_n3A_801 : vector<16xi1>, vector<16xi32>
      %scan3A_825 = arith.constant 1250 : i32
      scf.yield %select_n3A_823, %select_n3A_824 : vector<16xf32>, vector<16xi32>
    }
    %scan3A_258 = arith.constant 5 : i32
    %swap3A_259 = arith.constant 0 : index
    %swap3A_260 = tpu.vector_load %arg10[%swap3A_259] {strides = array<i32>} : memref<32xf32, #tpu.memory_space<vmem>>, vector<16xf32>,
    %swap3A_261 = vector.shape_cast %swap3A_260 : vector<16xf32> to vector<16xf32>
    %swap3A_262 = vector.shape_cast %scan3A_257#0 : vector<16xf32> to vector<16xf32>
    tpu.vector_store %arg10[%swap3A_259], %swap3A_262 {strides = array<i32>} : memref<32xf32, #tpu.memory_space<vmem>>, vector<16xf32>,
    %swap3A_263 = arith.constant 16 : index
    %swap3A_264 = tpu.vector_load %arg10[%swap3A_263] {strides = array<i32>} : memref<32xf32, #tpu.memory_space<vmem>>, vector<16xf32>,
    %swap3A_265 = vector.shape_cast %swap3A_264 : vector<16xf32> to vector<16xf32>
    %swap3A_266 = vector.shape_cast %scan3A_257#0 : vector<16xf32> to vector<16xf32>
    tpu.vector_store %arg10[%swap3A_263], %swap3A_266 {strides = array<i32>} : memref<32xf32, #tpu.memory_space<vmem>>, vector<16xf32>,
    %get3A_267 = arith.constant 8 : index
    %get3A_268 = tpu.vector_load %arg10[%get3A_267] {strides = array<i32>} : memref<32xf32, #tpu.memory_space<vmem>>, vector<16xf32>,
    %get3A_269 = vector.shape_cast %get3A_268 : vector<16xf32> to vector<16xf32>
    %swap3A_270 = arith.constant 0 : index
    %swap3A_271 = tpu.vector_load %arg11[%swap3A_270] {strides = array<i32>} : memref<32xi32, #tpu.memory_space<vmem>>, vector<16xi32>,
    %swap3A_272 = vector.shape_cast %swap3A_271 : vector<16xi32> to vector<16xi32>
    %swap3A_273 = vector.shape_cast %scan3A_257#1 : vector<16xi32> to vector<16xi32>
    tpu.vector_store %arg11[%swap3A_270], %swap3A_273 {strides = array<i32>} : memref<32xi32, #tpu.memory_space<vmem>>, vector<16xi32>,
    %swap3A_274 = arith.constant 16 : index
    %swap3A_275 = tpu.vector_load %arg11[%swap3A_274] {strides = array<i32>} : memref<32xi32, #tpu.memory_space<vmem>>, vector<16xi32>,
    %swap3A_276 = vector.shape_cast %swap3A_275 : vector<16xi32> to vector<16xi32>
    %swap3A_277 = vector.shape_cast %scan3A_257#1 : vector<16xi32> to vector<16xi32>
    tpu.vector_store %arg11[%swap3A_274], %swap3A_277 {strides = array<i32>} : memref<32xi32, #tpu.memory_space<vmem>>, vector<16xi32>,
    %get3A_278 = arith.constant 8 : index
    %get3A_279 = tpu.vector_load %arg11[%get3A_278] {strides = array<i32>} : memref<32xi32, #tpu.memory_space<vmem>>, vector<16xi32>,
    %get3A_280 = vector.shape_cast %get3A_279 : vector<16xi32> to vector<16xi32>
    %gt3A_281 = arith.cmpf ogt, %get3A_269, %scan3A_257#0 : vector<16xf32>
    %eq3A_282 = arith.cmpf oeq, %get3A_269, %scan3A_257#0 : vector<16xf32>
    %lt3A_283 = arith.cmpi slt, %get3A_280, %scan3A_257#1 : vector<16xi32>
    %and3A_284 = arith.andi %eq3A_282, %lt3A_283 : vector<16xi1>
    %or3A_285 = arith.ori %gt3A_281, %and3A_284 : vector<16xi1>
    %select_n3A_286 = arith.select %or3A_285, %get3A_269, %scan3A_257#0 : vector<16xi1>, vector<16xf32>
    %select_n3A_287 = arith.select %or3A_285, %get3A_280, %scan3A_257#1 : vector<16xi1>, vector<16xi32>
    %swap3A_288 = arith.constant 0 : index
    %swap3A_289 = tpu.vector_load %arg10[%swap3A_288] {strides = array<i32>} : memref<32xf32, #tpu.memory_space<vmem>>, vector<16xf32>,
    %swap3A_290 = vector.shape_cast %swap3A_289 : vector<16xf32> to vector<16xf32>
    %swap3A_291 = vector.shape_cast %select_n3A_286 : vector<16xf32> to vector<16xf32>
    tpu.vector_store %arg10[%swap3A_288], %swap3A_291 {strides = array<i32>} : memref<32xf32, #tpu.memory_space<vmem>>, vector<16xf32>,
    %swap3A_292 = arith.constant 16 : index
    %swap3A_293 = tpu.vector_load %arg10[%swap3A_292] {strides = array<i32>} : memref<32xf32, #tpu.memory_space<vmem>>, vector<16xf32>,
    %swap3A_294 = vector.shape_cast %swap3A_293 : vector<16xf32> to vector<16xf32>
    %swap3A_295 = vector.shape_cast %select_n3A_286 : vector<16xf32> to vector<16xf32>
    tpu.vector_store %arg10[%swap3A_292], %swap3A_295 {strides = array<i32>} : memref<32xf32, #tpu.memory_space<vmem>>, vector<16xf32>,
    %get3A_296 = arith.constant 4 : index
    %get3A_297 = tpu.vector_load %arg10[%get3A_296] {strides = array<i32>} : memref<32xf32, #tpu.memory_space<vmem>>, vector<16xf32>,
    %get3A_298 = vector.shape_cast %get3A_297 : vector<16xf32> to vector<16xf32>
    %swap3A_299 = arith.constant 0 : index
    %swap3A_300 = tpu.vector_load %arg11[%swap3A_299] {strides = array<i32>} : memref<32xi32, #tpu.memory_space<vmem>>, vector<16xi32>,
    %swap3A_301 = vector.shape_cast %swap3A_300 : vector<16xi32> to vector<16xi32>
    %swap3A_302 = vector.shape_cast %select_n3A_287 : vector<16xi32> to vector<16xi32>
    tpu.vector_store %arg11[%swap3A_299], %swap3A_302 {strides = array<i32>} : memref<32xi32, #tpu.memory_space<vmem>>, vector<16xi32>,
    %swap3A_303 = arith.constant 16 : index
    %swap3A_304 = tpu.vector_load %arg11[%swap3A_303] {strides = array<i32>} : memref<32xi32, #tpu.memory_space<vmem>>, vector<16xi32>,
    %swap3A_305 = vector.shape_cast %swap3A_304 : vector<16xi32> to vector<16xi32>
    %swap3A_306 = vector.shape_cast %select_n3A_287 : vector<16xi32> to vector<16xi32>
    tpu.vector_store %arg11[%swap3A_303], %swap3A_306 {strides = array<i32>} : memref<32xi32, #tpu.memory_space<vmem>>, vector<16xi32>,
    %get3A_307 = arith.constant 4 : index
    %get3A_308 = tpu.vector_load %arg11[%get3A_307] {strides = array<i32>} : memref<32xi32, #tpu.memory_space<vmem>>, vector<16xi32>,
    %get3A_309 = vector.shape_cast %get3A_308 : vector<16xi32> to vector<16xi32>
    %gt3A_310 = arith.cmpf ogt, %get3A_298, %select_n3A_286 : vector<16xf32>
    %eq3A_311 = arith.cmpf oeq, %get3A_298, %select_n3A_286 : vector<16xf32>
    %lt3A_312 = arith.cmpi slt, %get3A_309, %select_n3A_287 : vector<16xi32>
    %and3A_313 = arith.andi %eq3A_311, %lt3A_312 : vector<16xi1>
    %or3A_314 = arith.ori %gt3A_310, %and3A_313 : vector<16xi1>
    %select_n3A_315 = arith.select %or3A_314, %get3A_298, %select_n3A_286 : vector<16xi1>, vector<16xf32>
    %select_n3A_316 = arith.select %or3A_314, %get3A_309, %select_n3A_287 : vector<16xi1>, vector<16xi32>
    %swap3A_317 = arith.constant 0 : index
    %swap3A_318 = tpu.vector_load %arg10[%swap3A_317] {strides = array<i32>} : memref<32xf32, #tpu.memory_space<vmem>>, vector<16xf32>,
    %swap3A_319 = vector.shape_cast %swap3A_318 : vector<16xf32> to vector<16xf32>
    %swap3A_320 = vector.shape_cast %select_n3A_315 : vector<16xf32> to vector<16xf32>
    tpu.vector_store %arg10[%swap3A_317], %swap3A_320 {strides = array<i32>} : memref<32xf32, #tpu.memory_space<vmem>>, vector<16xf32>,
    %swap3A_321 = arith.constant 16 : index
    %swap3A_322 = tpu.vector_load %arg10[%swap3A_321] {strides = array<i32>} : memref<32xf32, #tpu.memory_space<vmem>>, vector<16xf32>,
    %swap3A_323 = vector.shape_cast %swap3A_322 : vector<16xf32> to vector<16xf32>
    %swap3A_324 = vector.shape_cast %select_n3A_315 : vector<16xf32> to vector<16xf32>
    tpu.vector_store %arg10[%swap3A_321], %swap3A_324 {strides = array<i32>} : memref<32xf32, #tpu.memory_space<vmem>>, vector<16xf32>,
    %get3A_325 = arith.constant 2 : index
    %get3A_326 = tpu.vector_load %arg10[%get3A_325] {strides = array<i32>} : memref<32xf32, #tpu.memory_space<vmem>>, vector<16xf32>,
    %get3A_327 = vector.shape_cast %get3A_326 : vector<16xf32> to vector<16xf32>
    %swap3A_328 = arith.constant 0 : index
    %swap3A_329 = tpu.vector_load %arg11[%swap3A_328] {strides = array<i32>} : memref<32xi32, #tpu.memory_space<vmem>>, vector<16xi32>,
    %swap3A_330 = vector.shape_cast %swap3A_329 : vector<16xi32> to vector<16xi32>
    %swap3A_331 = vector.shape_cast %select_n3A_316 : vector<16xi32> to vector<16xi32>
    tpu.vector_store %arg11[%swap3A_328], %swap3A_331 {strides = array<i32>} : memref<32xi32, #tpu.memory_space<vmem>>, vector<16xi32>,
    %swap3A_332 = arith.constant 16 : index
    %swap3A_333 = tpu.vector_load %arg11[%swap3A_332] {strides = array<i32>} : memref<32xi32, #tpu.memory_space<vmem>>, vector<16xi32>,
    %swap3A_334 = vector.shape_cast %swap3A_333 : vector<16xi32> to vector<16xi32>
    %swap3A_335 = vector.shape_cast %select_n3A_316 : vector<16xi32> to vector<16xi32>
    tpu.vector_store %arg11[%swap3A_332], %swap3A_335 {strides = array<i32>} : memref<32xi32, #tpu.memory_space<vmem>>, vector<16xi32>,
    %get3A_336 = arith.constant 2 : index
    %get3A_337 = tpu.vector_load %arg11[%get3A_336] {strides = array<i32>} : memref<32xi32, #tpu.memory_space<vmem>>, vector<16xi32>,
    %get3A_338 = vector.shape_cast %get3A_337 : vector<16xi32> to vector<16xi32>
    %gt3A_339 = arith.cmpf ogt, %get3A_327, %select_n3A_315 : vector<16xf32>
    %eq3A_340 = arith.cmpf oeq, %get3A_327, %select_n3A_315 : vector<16xf32>
    %lt3A_341 = arith.cmpi slt, %get3A_338, %select_n3A_316 : vector<16xi32>
    %and3A_342 = arith.andi %eq3A_340, %lt3A_341 : vector<16xi1>
    %or3A_343 = arith.ori %gt3A_339, %and3A_342 : vector<16xi1>
    %select_n3A_344 = arith.select %or3A_343, %get3A_327, %select_n3A_315 : vector<16xi1>, vector<16xf32>
    %select_n3A_345 = arith.select %or3A_343, %get3A_338, %select_n3A_316 : vector<16xi1>, vector<16xi32>
    %swap3A_346 = arith.constant 0 : index
    %swap3A_347 = tpu.vector_load %arg10[%swap3A_346] {strides = array<i32>} : memref<32xf32, #tpu.memory_space<vmem>>, vector<16xf32>,
    %swap3A_348 = vector.shape_cast %swap3A_347 : vector<16xf32> to vector<16xf32>
    %swap3A_349 = vector.shape_cast %select_n3A_344 : vector<16xf32> to vector<16xf32>
    tpu.vector_store %arg10[%swap3A_346], %swap3A_349 {strides = array<i32>} : memref<32xf32, #tpu.memory_space<vmem>>, vector<16xf32>,
    %swap3A_350 = arith.constant 16 : index
    %swap3A_351 = tpu.vector_load %arg10[%swap3A_350] {strides = array<i32>} : memref<32xf32, #tpu.memory_space<vmem>>, vector<16xf32>,
    %swap3A_352 = vector.shape_cast %swap3A_351 : vector<16xf32> to vector<16xf32>
    %swap3A_353 = vector.shape_cast %select_n3A_344 : vector<16xf32> to vector<16xf32>
    tpu.vector_store %arg10[%swap3A_350], %swap3A_353 {strides = array<i32>} : memref<32xf32, #tpu.memory_space<vmem>>, vector<16xf32>,
    %get3A_354 = arith.constant 1 : index
    %get3A_355 = tpu.vector_load %arg10[%get3A_354] {strides = array<i32>} : memref<32xf32, #tpu.memory_space<vmem>>, vector<16xf32>,
    %get3A_356 = vector.shape_cast %get3A_355 : vector<16xf32> to vector<16xf32>
    %swap3A_357 = arith.constant 0 : index
    %swap3A_358 = tpu.vector_load %arg11[%swap3A_357] {strides = array<i32>} : memref<32xi32, #tpu.memory_space<vmem>>, vector<16xi32>,
    %swap3A_359 = vector.shape_cast %swap3A_358 : vector<16xi32> to vector<16xi32>
    %swap3A_360 = vector.shape_cast %select_n3A_345 : vector<16xi32> to vector<16xi32>
    tpu.vector_store %arg11[%swap3A_357], %swap3A_360 {strides = array<i32>} : memref<32xi32, #tpu.memory_space<vmem>>, vector<16xi32>,
    %swap3A_361 = arith.constant 16 : index
    %swap3A_362 = tpu.vector_load %arg11[%swap3A_361] {strides = array<i32>} : memref<32xi32, #tpu.memory_space<vmem>>, vector<16xi32>,
    %swap3A_363 = vector.shape_cast %swap3A_362 : vector<16xi32> to vector<16xi32>
    %swap3A_364 = vector.shape_cast %select_n3A_345 : vector<16xi32> to vector<16xi32>
    tpu.vector_store %arg11[%swap3A_361], %swap3A_364 {strides = array<i32>} : memref<32xi32, #tpu.memory_space<vmem>>, vector<16xi32>,
    %get3A_365 = arith.constant 1 : index
    %get3A_366 = tpu.vector_load %arg11[%get3A_365] {strides = array<i32>} : memref<32xi32, #tpu.memory_space<vmem>>, vector<16xi32>,
    %get3A_367 = vector.shape_cast %get3A_366 : vector<16xi32> to vector<16xi32>
    %gt3A_368 = arith.cmpf ogt, %get3A_356, %select_n3A_344 : vector<16xf32>
    %eq3A_369 = arith.cmpf oeq, %get3A_356, %select_n3A_344 : vector<16xf32>
    %lt3A_370 = arith.cmpi slt, %get3A_367, %select_n3A_345 : vector<16xi32>
    %and3A_371 = arith.andi %eq3A_369, %lt3A_370 : vector<16xi1>
    %or3A_372 = arith.ori %gt3A_368, %and3A_371 : vector<16xi1>
    %select_n3A_373 = arith.select %or3A_372, %get3A_356, %select_n3A_344 : vector<16xi1>, vector<16xf32>
    %select_n3A_374 = arith.select %or3A_372, %get3A_367, %select_n3A_345 : vector<16xi1>, vector<16xi32>
    %eq3A_375 = arith.constant 1 : i32
    %eq3A_376 = vector.broadcast %eq3A_375 : i32 to vector<16xi32>
    %eq3A_377 = arith.cmpi eq, %iota3A, %eq3A_376 : vector<16xi32>
    %select_n3A_378 = arith.select %eq3A_377, %select_n3A_374, %select_n3A_184 : vector<16xi1>, vector<16xi32>
    %mul3A_379 = arith.constant 4 : i32
    %mul3A_380 = arith.muli %add3A, %mul3A_379 : i32
    %add3A_381 = arith.constant 2 : i32
    %add3A_382 = arith.addi %mul3A_380, %add3A_381 : i32
    "tpu.region"() ({
      %run_scoped3A = tpu.sem_alloc : memref<!tpu.dma_semaphore, #tpu.memory_space<semaphore_mem>>
      %dma_start3A = arith.constant 0 : i32
      %dma_start3A_771 = tpu.memref_slice %arg3[%add3A_382, %dma_start3A] : memref<128x16xf32, #tpu.memory_space<hbm>> -> memref<1x16xf32, #tpu.memory_space<hbm>>
      %dma_start3A_772 = tpu.memref_squeeze %dma_start3A_771 : memref<1x16xf32, #tpu.memory_space<hbm>> -> memref<16xf32, #tpu.memory_space<hbm>>
      %dma_start3A_773 = arith.constant 0 : i32
      %dma_start3A_774 = tpu.memref_slice %arg3[%add3A_382, %dma_start3A_773] : memref<128x16xf32, #tpu.memory_space<hbm>> -> memref<1x16xf32, #tpu.memory_space<hbm>>
      %dma_start3A_775 = tpu.memref_squeeze %dma_start3A_774 : memref<1x16xf32, #tpu.memory_space<hbm>> -> memref<16xf32, #tpu.memory_space<hbm>>
      tpu.enqueue_dma source(%dma_start3A_775 : memref<16xf32, #tpu.memory_space<hbm>>) target(%arg8 : memref<16xf32, #tpu.memory_space<vmem>>) target_semaphore(%run_scoped3A : memref<!tpu.dma_semaphore, #tpu.memory_space<semaphore_mem>>)
      %dma_wait3A = arith.constant 0 : i32
      %dma_wait3A_776 = tpu.memref_slice %arg3[%add3A_382, %dma_wait3A] : memref<128x16xf32, #tpu.memory_space<hbm>> -> memref<1x16xf32, #tpu.memory_space<hbm>>
      %dma_wait3A_777 = tpu.memref_squeeze %dma_wait3A_776 : memref<1x16xf32, #tpu.memory_space<hbm>> -> memref<16xf32, #tpu.memory_space<hbm>>
      %dma_wait3A_778 = arith.constant 0 : i32
      %dma_wait3A_779 = tpu.memref_slice %arg3[%add3A_382, %dma_wait3A_778] : memref<128x16xf32, #tpu.memory_space<hbm>> -> memref<1x16xf32, #tpu.memory_space<hbm>>
      %dma_wait3A_780 = tpu.memref_squeeze %dma_wait3A_779 : memref<1x16xf32, #tpu.memory_space<hbm>> -> memref<16xf32, #tpu.memory_space<hbm>>
      tpu.wait_dma2 semaphore(%run_scoped3A : memref<!tpu.dma_semaphore, #tpu.memory_space<semaphore_mem>>) src(%dma_wait3A_780 : memref<16xf32, #tpu.memory_space<hbm>>) dst(%arg8 : memref<16xf32, #tpu.memory_space<vmem>>)
      tpu.yield
    }) : () -> ()
    %get3A_383 = arith.constant 0 : index
    %get3A_384 = tpu.vector_load %arg8[%get3A_383] {strides = array<i32>} : memref<16xf32, #tpu.memory_space<vmem>>, vector<16xf32>,
    %get3A_385 = vector.shape_cast %get3A_384 : vector<16xf32> to vector<16xf32>
    %broadcast_in_dim3A_386 = arith.constant 0xFF800000 : f32
    %broadcast_in_dim3A_387 = vector.broadcast %broadcast_in_dim3A_386 : f32 to vector<16xf32>
    %scan3A_388 = arith.constant 0 : i32
    %scan3A_389 = arith.constant 5 : i32
    %scan3A_390 = arith.addi %scan3A_388, %scan3A_389 : i32
    %scan3A_391 = arith.constant 1 : i32
    %scan3A_392 = scf.for %scan3A_771 = %scan3A_388 to %scan3A_390 step %scan3A_391 iter_args(%scan3A_772 = %broadcast_in_dim3A_387) -> (vector<16xf32>)  : i32 {
      "tpu.region"() ({
        %run_scoped3A = tpu.sem_alloc : memref<!tpu.dma_semaphore, #tpu.memory_space<semaphore_mem>>
        %dma_start3A = arith.constant 0 : i32
        %dma_start3A_795 = tpu.memref_slice %arg2[%add3A_382, %scan3A_771, %dma_start3A] : memref<128x5x20000xf32, #tpu.memory_space<hbm>> -> memref<1x1x20000xf32, #tpu.memory_space<hbm>>
        %dma_start3A_796 = tpu.memref_squeeze %dma_start3A_795 : memref<1x1x20000xf32, #tpu.memory_space<hbm>> -> memref<20000xf32, #tpu.memory_space<hbm>>
        %dma_start3A_797 = arith.constant 0 : i32
        %dma_start3A_798 = tpu.memref_slice %arg2[%add3A_382, %scan3A_771, %dma_start3A_797] : memref<128x5x20000xf32, #tpu.memory_space<hbm>> -> memref<1x1x20000xf32, #tpu.memory_space<hbm>>
        %dma_start3A_799 = tpu.memref_squeeze %dma_start3A_798 : memref<1x1x20000xf32, #tpu.memory_space<hbm>> -> memref<20000xf32, #tpu.memory_space<hbm>>
        tpu.enqueue_dma source(%dma_start3A_799 : memref<20000xf32, #tpu.memory_space<hbm>>) target(%arg6 : memref<20000xf32, #tpu.memory_space<vmem>>) target_semaphore(%run_scoped3A : memref<!tpu.dma_semaphore, #tpu.memory_space<semaphore_mem>>)
        %dma_wait3A = arith.constant 0 : i32
        %dma_wait3A_800 = tpu.memref_slice %arg2[%add3A_382, %scan3A_771, %dma_wait3A] : memref<128x5x20000xf32, #tpu.memory_space<hbm>> -> memref<1x1x20000xf32, #tpu.memory_space<hbm>>
        %dma_wait3A_801 = tpu.memref_squeeze %dma_wait3A_800 : memref<1x1x20000xf32, #tpu.memory_space<hbm>> -> memref<20000xf32, #tpu.memory_space<hbm>>
        %dma_wait3A_802 = arith.constant 0 : i32
        %dma_wait3A_803 = tpu.memref_slice %arg2[%add3A_382, %scan3A_771, %dma_wait3A_802] : memref<128x5x20000xf32, #tpu.memory_space<hbm>> -> memref<1x1x20000xf32, #tpu.memory_space<hbm>>
        %dma_wait3A_804 = tpu.memref_squeeze %dma_wait3A_803 : memref<1x1x20000xf32, #tpu.memory_space<hbm>> -> memref<20000xf32, #tpu.memory_space<hbm>>
        tpu.wait_dma2 semaphore(%run_scoped3A : memref<!tpu.dma_semaphore, #tpu.memory_space<semaphore_mem>>) src(%dma_wait3A_804 : memref<20000xf32, #tpu.memory_space<hbm>>) dst(%arg6 : memref<20000xf32, #tpu.memory_space<vmem>>)
        tpu.yield
      }) : () -> ()
      %scan3A_773 = arith.constant 0 : i32
      %scan3A_774 = arith.constant 1248 : i32
      %scan3A_775 = arith.addi %scan3A_773, %scan3A_774 : i32
      %scan3A_776 = arith.constant 4 : i32
      %scan3A_777 = scf.for %scan3A_795 = %scan3A_773 to %scan3A_775 step %scan3A_776 iter_args(%scan3A_796 = %scan3A_772) -> (vector<16xf32>)  : i32 {
        %mul3A_797 = arith.constant 16 : i32
        %mul3A_798 = arith.muli %scan3A_795, %mul3A_797 : i32
        %get3A_799 = arith.index_cast %mul3A_798 : i32 to index
        %get3A_800 = tpu.vector_load %arg6[%get3A_799] {strides = array<i32>} : memref<20000xf32, #tpu.memory_space<vmem>>, vector<16xf32>,
        %get3A_801 = vector.shape_cast %get3A_800 : vector<16xf32> to vector<16xf32>
        %max3A_802 = arith.maximumf %scan3A_796, %get3A_801 : vector<16xf32>
        %scan3A_803 = arith.constant 1 : i32
        %scan3A_804 = arith.addi %scan3A_795, %scan3A_803 : i32
        %mul3A_805 = arith.constant 16 : i32
        %mul3A_806 = arith.muli %scan3A_804, %mul3A_805 : i32
        %get3A_807 = arith.index_cast %mul3A_806 : i32 to index
        %get3A_808 = tpu.vector_load %arg6[%get3A_807] {strides = array<i32>} : memref<20000xf32, #tpu.memory_space<vmem>>, vector<16xf32>,
        %get3A_809 = vector.shape_cast %get3A_808 : vector<16xf32> to vector<16xf32>
        %max3A_810 = arith.maximumf %max3A_802, %get3A_809 : vector<16xf32>
        %scan3A_811 = arith.constant 2 : i32
        %scan3A_812 = arith.addi %scan3A_795, %scan3A_811 : i32
        %mul3A_813 = arith.constant 16 : i32
        %mul3A_814 = arith.muli %scan3A_812, %mul3A_813 : i32
        %get3A_815 = arith.index_cast %mul3A_814 : i32 to index
        %get3A_816 = tpu.vector_load %arg6[%get3A_815] {strides = array<i32>} : memref<20000xf32, #tpu.memory_space<vmem>>, vector<16xf32>,
        %get3A_817 = vector.shape_cast %get3A_816 : vector<16xf32> to vector<16xf32>
        %max3A_818 = arith.maximumf %max3A_810, %get3A_817 : vector<16xf32>
        %scan3A_819 = arith.constant 3 : i32
        %scan3A_820 = arith.addi %scan3A_795, %scan3A_819 : i32
        %mul3A_821 = arith.constant 16 : i32
        %mul3A_822 = arith.muli %scan3A_820, %mul3A_821 : i32
        %get3A_823 = arith.index_cast %mul3A_822 : i32 to index
        %get3A_824 = tpu.vector_load %arg6[%get3A_823] {strides = array<i32>} : memref<20000xf32, #tpu.memory_space<vmem>>, vector<16xf32>,
        %get3A_825 = vector.shape_cast %get3A_824 : vector<16xf32> to vector<16xf32>
        %max3A_826 = arith.maximumf %max3A_818, %get3A_825 : vector<16xf32>
        scf.yield %max3A_826 : vector<16xf32>
      }
      %scan3A_778 = arith.constant 1248 : i32
      %scan3A_779 = arith.addi %scan3A_773, %scan3A_778 : i32
      %mul3A_780 = arith.constant 16 : i32
      %mul3A_781 = arith.muli %scan3A_779, %mul3A_780 : i32
      %get3A_782 = arith.index_cast %mul3A_781 : i32 to index
      %get3A_783 = tpu.vector_load %arg6[%get3A_782] {strides = array<i32>} : memref<20000xf32, #tpu.memory_space<vmem>>, vector<16xf32>,
      %get3A_784 = vector.shape_cast %get3A_783 : vector<16xf32> to vector<16xf32>
      %max3A_785 = arith.maximumf %scan3A_777, %get3A_784 : vector<16xf32>
      %scan3A_786 = arith.constant 1249 : i32
      %scan3A_787 = arith.addi %scan3A_773, %scan3A_786 : i32
      %mul3A_788 = arith.constant 16 : i32
      %mul3A_789 = arith.muli %scan3A_787, %mul3A_788 : i32
      %get3A_790 = arith.index_cast %mul3A_789 : i32 to index
      %get3A_791 = tpu.vector_load %arg6[%get3A_790] {strides = array<i32>} : memref<20000xf32, #tpu.memory_space<vmem>>, vector<16xf32>,
      %get3A_792 = vector.shape_cast %get3A_791 : vector<16xf32> to vector<16xf32>
      %max3A_793 = arith.maximumf %max3A_785, %get3A_792 : vector<16xf32>
      %scan3A_794 = arith.constant 1250 : i32
      scf.yield %max3A_793 : vector<16xf32>
    }
    %scan3A_393 = arith.constant 5 : i32
    %swap3A_394 = arith.constant 0 : index
    %swap3A_395 = tpu.vector_load %arg10[%swap3A_394] {strides = array<i32>} : memref<32xf32, #tpu.memory_space<vmem>>, vector<16xf32>,
    %swap3A_396 = vector.shape_cast %swap3A_395 : vector<16xf32> to vector<16xf32>
    %swap3A_397 = vector.shape_cast %scan3A_392 : vector<16xf32> to vector<16xf32>
    tpu.vector_store %arg10[%swap3A_394], %swap3A_397 {strides = array<i32>} : memref<32xf32, #tpu.memory_space<vmem>>, vector<16xf32>,
    %swap3A_398 = arith.constant 16 : index
    %swap3A_399 = tpu.vector_load %arg10[%swap3A_398] {strides = array<i32>} : memref<32xf32, #tpu.memory_space<vmem>>, vector<16xf32>,
    %swap3A_400 = vector.shape_cast %swap3A_399 : vector<16xf32> to vector<16xf32>
    %swap3A_401 = vector.shape_cast %scan3A_392 : vector<16xf32> to vector<16xf32>
    tpu.vector_store %arg10[%swap3A_398], %swap3A_401 {strides = array<i32>} : memref<32xf32, #tpu.memory_space<vmem>>, vector<16xf32>,
    %get3A_402 = arith.constant 8 : index
    %get3A_403 = tpu.vector_load %arg10[%get3A_402] {strides = array<i32>} : memref<32xf32, #tpu.memory_space<vmem>>, vector<16xf32>,
    %get3A_404 = vector.shape_cast %get3A_403 : vector<16xf32> to vector<16xf32>
    %max3A_405 = arith.maximumf %scan3A_392, %get3A_404 : vector<16xf32>
    %swap3A_406 = arith.constant 0 : index
    %swap3A_407 = tpu.vector_load %arg10[%swap3A_406] {strides = array<i32>} : memref<32xf32, #tpu.memory_space<vmem>>, vector<16xf32>,
    %swap3A_408 = vector.shape_cast %swap3A_407 : vector<16xf32> to vector<16xf32>
    %swap3A_409 = vector.shape_cast %max3A_405 : vector<16xf32> to vector<16xf32>
    tpu.vector_store %arg10[%swap3A_406], %swap3A_409 {strides = array<i32>} : memref<32xf32, #tpu.memory_space<vmem>>, vector<16xf32>,
    %swap3A_410 = arith.constant 16 : index
    %swap3A_411 = tpu.vector_load %arg10[%swap3A_410] {strides = array<i32>} : memref<32xf32, #tpu.memory_space<vmem>>, vector<16xf32>,
    %swap3A_412 = vector.shape_cast %swap3A_411 : vector<16xf32> to vector<16xf32>
    %swap3A_413 = vector.shape_cast %max3A_405 : vector<16xf32> to vector<16xf32>
    tpu.vector_store %arg10[%swap3A_410], %swap3A_413 {strides = array<i32>} : memref<32xf32, #tpu.memory_space<vmem>>, vector<16xf32>,
    %get3A_414 = arith.constant 4 : index
    %get3A_415 = tpu.vector_load %arg10[%get3A_414] {strides = array<i32>} : memref<32xf32, #tpu.memory_space<vmem>>, vector<16xf32>,
    %get3A_416 = vector.shape_cast %get3A_415 : vector<16xf32> to vector<16xf32>
    %max3A_417 = arith.maximumf %max3A_405, %get3A_416 : vector<16xf32>
    %swap3A_418 = arith.constant 0 : index
    %swap3A_419 = tpu.vector_load %arg10[%swap3A_418] {strides = array<i32>} : memref<32xf32, #tpu.memory_space<vmem>>, vector<16xf32>,
    %swap3A_420 = vector.shape_cast %swap3A_419 : vector<16xf32> to vector<16xf32>
    %swap3A_421 = vector.shape_cast %max3A_417 : vector<16xf32> to vector<16xf32>
    tpu.vector_store %arg10[%swap3A_418], %swap3A_421 {strides = array<i32>} : memref<32xf32, #tpu.memory_space<vmem>>, vector<16xf32>,
    %swap3A_422 = arith.constant 16 : index
    %swap3A_423 = tpu.vector_load %arg10[%swap3A_422] {strides = array<i32>} : memref<32xf32, #tpu.memory_space<vmem>>, vector<16xf32>,
    %swap3A_424 = vector.shape_cast %swap3A_423 : vector<16xf32> to vector<16xf32>
    %swap3A_425 = vector.shape_cast %max3A_417 : vector<16xf32> to vector<16xf32>
    tpu.vector_store %arg10[%swap3A_422], %swap3A_425 {strides = array<i32>} : memref<32xf32, #tpu.memory_space<vmem>>, vector<16xf32>,
    %get3A_426 = arith.constant 2 : index
    %get3A_427 = tpu.vector_load %arg10[%get3A_426] {strides = array<i32>} : memref<32xf32, #tpu.memory_space<vmem>>, vector<16xf32>,
    %get3A_428 = vector.shape_cast %get3A_427 : vector<16xf32> to vector<16xf32>
    %max3A_429 = arith.maximumf %max3A_417, %get3A_428 : vector<16xf32>
    %swap3A_430 = arith.constant 0 : index
    %swap3A_431 = tpu.vector_load %arg10[%swap3A_430] {strides = array<i32>} : memref<32xf32, #tpu.memory_space<vmem>>, vector<16xf32>,
    %swap3A_432 = vector.shape_cast %swap3A_431 : vector<16xf32> to vector<16xf32>
    %swap3A_433 = vector.shape_cast %max3A_429 : vector<16xf32> to vector<16xf32>
    tpu.vector_store %arg10[%swap3A_430], %swap3A_433 {strides = array<i32>} : memref<32xf32, #tpu.memory_space<vmem>>, vector<16xf32>,
    %swap3A_434 = arith.constant 16 : index
    %swap3A_435 = tpu.vector_load %arg10[%swap3A_434] {strides = array<i32>} : memref<32xf32, #tpu.memory_space<vmem>>, vector<16xf32>,
    %swap3A_436 = vector.shape_cast %swap3A_435 : vector<16xf32> to vector<16xf32>
    %swap3A_437 = vector.shape_cast %max3A_429 : vector<16xf32> to vector<16xf32>
    tpu.vector_store %arg10[%swap3A_434], %swap3A_437 {strides = array<i32>} : memref<32xf32, #tpu.memory_space<vmem>>, vector<16xf32>,
    %get3A_438 = arith.constant 1 : index
    %get3A_439 = tpu.vector_load %arg10[%get3A_438] {strides = array<i32>} : memref<32xf32, #tpu.memory_space<vmem>>, vector<16xf32>,
    %get3A_440 = vector.shape_cast %get3A_439 : vector<16xf32> to vector<16xf32>
    %max3A_441 = arith.maximumf %max3A_429, %get3A_440 : vector<16xf32>
    %div3A_442 = arith.divf %max3A_441, %get3A_385 : vector<16xf32>
    %broadcast_in_dim3A_443 = arith.constant 0xFF800000 : f32
    %broadcast_in_dim3A_444 = vector.broadcast %broadcast_in_dim3A_443 : f32 to vector<16xf32>
    %broadcast_in_dim3A_445 = arith.constant 0 : i32
    %broadcast_in_dim3A_446 = vector.broadcast %broadcast_in_dim3A_445 : i32 to vector<16xi32>
    %scan3A_447 = arith.constant 0 : i32
    %scan3A_448 = arith.constant 5 : i32
    %scan3A_449 = arith.addi %scan3A_447, %scan3A_448 : i32
    %scan3A_450 = arith.constant 1 : i32
    %scan3A_451:2 = scf.for %scan3A_771 = %scan3A_447 to %scan3A_449 step %scan3A_450 iter_args(%scan3A_772 = %broadcast_in_dim3A_444, %scan3A_773 = %broadcast_in_dim3A_446) -> (vector<16xf32>, vector<16xi32>)  : i32 {
      "tpu.region"() ({
        %run_scoped3A = tpu.sem_alloc : memref<!tpu.dma_semaphore, #tpu.memory_space<semaphore_mem>>
        %dma_start3A = arith.constant 0 : i32
        %dma_start3A_826 = tpu.memref_slice %arg2[%add3A_382, %scan3A_771, %dma_start3A] : memref<128x5x20000xf32, #tpu.memory_space<hbm>> -> memref<1x1x20000xf32, #tpu.memory_space<hbm>>
        %dma_start3A_827 = tpu.memref_squeeze %dma_start3A_826 : memref<1x1x20000xf32, #tpu.memory_space<hbm>> -> memref<20000xf32, #tpu.memory_space<hbm>>
        %dma_start3A_828 = arith.constant 0 : i32
        %dma_start3A_829 = tpu.memref_slice %arg2[%add3A_382, %scan3A_771, %dma_start3A_828] : memref<128x5x20000xf32, #tpu.memory_space<hbm>> -> memref<1x1x20000xf32, #tpu.memory_space<hbm>>
        %dma_start3A_830 = tpu.memref_squeeze %dma_start3A_829 : memref<1x1x20000xf32, #tpu.memory_space<hbm>> -> memref<20000xf32, #tpu.memory_space<hbm>>
        tpu.enqueue_dma source(%dma_start3A_830 : memref<20000xf32, #tpu.memory_space<hbm>>) target(%arg6 : memref<20000xf32, #tpu.memory_space<vmem>>) target_semaphore(%run_scoped3A : memref<!tpu.dma_semaphore, #tpu.memory_space<semaphore_mem>>)
        %dma_wait3A = arith.constant 0 : i32
        %dma_wait3A_831 = tpu.memref_slice %arg2[%add3A_382, %scan3A_771, %dma_wait3A] : memref<128x5x20000xf32, #tpu.memory_space<hbm>> -> memref<1x1x20000xf32, #tpu.memory_space<hbm>>
        %dma_wait3A_832 = tpu.memref_squeeze %dma_wait3A_831 : memref<1x1x20000xf32, #tpu.memory_space<hbm>> -> memref<20000xf32, #tpu.memory_space<hbm>>
        %dma_wait3A_833 = arith.constant 0 : i32
        %dma_wait3A_834 = tpu.memref_slice %arg2[%add3A_382, %scan3A_771, %dma_wait3A_833] : memref<128x5x20000xf32, #tpu.memory_space<hbm>> -> memref<1x1x20000xf32, #tpu.memory_space<hbm>>
        %dma_wait3A_835 = tpu.memref_squeeze %dma_wait3A_834 : memref<1x1x20000xf32, #tpu.memory_space<hbm>> -> memref<20000xf32, #tpu.memory_space<hbm>>
        tpu.wait_dma2 semaphore(%run_scoped3A : memref<!tpu.dma_semaphore, #tpu.memory_space<semaphore_mem>>) src(%dma_wait3A_835 : memref<20000xf32, #tpu.memory_space<hbm>>) dst(%arg6 : memref<20000xf32, #tpu.memory_space<vmem>>)
        tpu.yield
      }) : () -> ()
      "tpu.region"() ({
        %run_scoped3A = tpu.sem_alloc : memref<!tpu.dma_semaphore, #tpu.memory_space<semaphore_mem>>
        %dma_start3A = arith.constant 0 : i32
        %dma_start3A_826 = tpu.memref_slice %arg4[%add3A_382, %scan3A_771, %dma_start3A] : memref<128x5x20000xf32, #tpu.memory_space<hbm>> -> memref<1x1x20000xf32, #tpu.memory_space<hbm>>
        %dma_start3A_827 = tpu.memref_squeeze %dma_start3A_826 : memref<1x1x20000xf32, #tpu.memory_space<hbm>> -> memref<20000xf32, #tpu.memory_space<hbm>>
        %dma_start3A_828 = arith.constant 0 : i32
        %dma_start3A_829 = tpu.memref_slice %arg4[%add3A_382, %scan3A_771, %dma_start3A_828] : memref<128x5x20000xf32, #tpu.memory_space<hbm>> -> memref<1x1x20000xf32, #tpu.memory_space<hbm>>
        %dma_start3A_830 = tpu.memref_squeeze %dma_start3A_829 : memref<1x1x20000xf32, #tpu.memory_space<hbm>> -> memref<20000xf32, #tpu.memory_space<hbm>>
        tpu.enqueue_dma source(%dma_start3A_830 : memref<20000xf32, #tpu.memory_space<hbm>>) target(%arg7 : memref<20000xf32, #tpu.memory_space<vmem>>) target_semaphore(%run_scoped3A : memref<!tpu.dma_semaphore, #tpu.memory_space<semaphore_mem>>)
        %dma_wait3A = arith.constant 0 : i32
        %dma_wait3A_831 = tpu.memref_slice %arg4[%add3A_382, %scan3A_771, %dma_wait3A] : memref<128x5x20000xf32, #tpu.memory_space<hbm>> -> memref<1x1x20000xf32, #tpu.memory_space<hbm>>
        %dma_wait3A_832 = tpu.memref_squeeze %dma_wait3A_831 : memref<1x1x20000xf32, #tpu.memory_space<hbm>> -> memref<20000xf32, #tpu.memory_space<hbm>>
        %dma_wait3A_833 = arith.constant 0 : i32
        %dma_wait3A_834 = tpu.memref_slice %arg4[%add3A_382, %scan3A_771, %dma_wait3A_833] : memref<128x5x20000xf32, #tpu.memory_space<hbm>> -> memref<1x1x20000xf32, #tpu.memory_space<hbm>>
        %dma_wait3A_835 = tpu.memref_squeeze %dma_wait3A_834 : memref<1x1x20000xf32, #tpu.memory_space<hbm>> -> memref<20000xf32, #tpu.memory_space<hbm>>
        tpu.wait_dma2 semaphore(%run_scoped3A : memref<!tpu.dma_semaphore, #tpu.memory_space<semaphore_mem>>) src(%dma_wait3A_835 : memref<20000xf32, #tpu.memory_space<hbm>>) dst(%arg7 : memref<20000xf32, #tpu.memory_space<vmem>>)
        tpu.yield
      }) : () -> ()
      %mul3A_774 = arith.constant 20000 : i32
      %mul3A_775 = arith.muli %scan3A_771, %mul3A_774 : i32
      %scan3A_776 = arith.constant 0 : i32
      %scan3A_777 = arith.constant 1248 : i32
      %scan3A_778 = arith.addi %scan3A_776, %scan3A_777 : i32
      %scan3A_779 = arith.constant 4 : i32
      %scan3A_780:2 = scf.for %scan3A_826 = %scan3A_776 to %scan3A_778 step %scan3A_779 iter_args(%scan3A_827 = %scan3A_772, %scan3A_828 = %scan3A_773) -> (vector<16xf32>, vector<16xi32>)  : i32 {
        %mul3A_829 = arith.constant 16 : i32
        %mul3A_830 = arith.muli %scan3A_826, %mul3A_829 : i32
        %get3A_831 = arith.index_cast %mul3A_830 : i32 to index
        %get3A_832 = tpu.vector_load %arg6[%get3A_831] {strides = array<i32>} : memref<20000xf32, #tpu.memory_space<vmem>>, vector<16xf32>,
        %get3A_833 = vector.shape_cast %get3A_832 : vector<16xf32> to vector<16xf32>
        %div3A_834 = arith.divf %get3A_833, %get3A_385 : vector<16xf32>
        %sub3A_835 = arith.subf %div3A_834, %div3A_442 : vector<16xf32>
        %exp3A_836 = math.exp %sub3A_835 : vector<16xf32>
        %get3A_837 = arith.index_cast %mul3A_830 : i32 to index
        %get3A_838 = tpu.vector_load %arg7[%get3A_837] {strides = array<i32>} : memref<20000xf32, #tpu.memory_space<vmem>>, vector<16xf32>,
        %get3A_839 = vector.shape_cast %get3A_838 : vector<16xf32> to vector<16xf32>
        %max3A_840 = arith.constant 1.000000e-10 : f32
        %max3A_841 = vector.broadcast %max3A_840 : f32 to vector<16xf32>
        %max3A_842 = arith.maximumf %get3A_839, %max3A_841 : vector<16xf32>
        %div3A_843 = arith.divf %exp3A_836, %max3A_842 : vector<16xf32>
        %add3A_844 = arith.addi %mul3A_775, %mul3A_830 : i32
        %add3A_845 = vector.broadcast %add3A_844 : i32 to vector<16xi32>
        %add3A_846 = arith.addi %add3A_845, %iota3A : vector<16xi32>
        %gt3A_847 = arith.cmpf ogt, %div3A_843, %scan3A_827 : vector<16xf32>
        %select_n3A_848 = arith.select %gt3A_847, %div3A_843, %scan3A_827 : vector<16xi1>, vector<16xf32>
        %select_n3A_849 = arith.select %gt3A_847, %add3A_846, %scan3A_828 : vector<16xi1>, vector<16xi32>
        %scan3A_850 = arith.constant 1 : i32
        %scan3A_851 = arith.addi %scan3A_826, %scan3A_850 : i32
        %mul3A_852 = arith.constant 16 : i32
        %mul3A_853 = arith.muli %scan3A_851, %mul3A_852 : i32
        %get3A_854 = arith.index_cast %mul3A_853 : i32 to index
        %get3A_855 = tpu.vector_load %arg6[%get3A_854] {strides = array<i32>} : memref<20000xf32, #tpu.memory_space<vmem>>, vector<16xf32>,
        %get3A_856 = vector.shape_cast %get3A_855 : vector<16xf32> to vector<16xf32>
        %div3A_857 = arith.divf %get3A_856, %get3A_385 : vector<16xf32>
        %sub3A_858 = arith.subf %div3A_857, %div3A_442 : vector<16xf32>
        %exp3A_859 = math.exp %sub3A_858 : vector<16xf32>
        %get3A_860 = arith.index_cast %mul3A_853 : i32 to index
        %get3A_861 = tpu.vector_load %arg7[%get3A_860] {strides = array<i32>} : memref<20000xf32, #tpu.memory_space<vmem>>, vector<16xf32>,
        %get3A_862 = vector.shape_cast %get3A_861 : vector<16xf32> to vector<16xf32>
        %max3A_863 = arith.constant 1.000000e-10 : f32
        %max3A_864 = vector.broadcast %max3A_863 : f32 to vector<16xf32>
        %max3A_865 = arith.maximumf %get3A_862, %max3A_864 : vector<16xf32>
        %div3A_866 = arith.divf %exp3A_859, %max3A_865 : vector<16xf32>
        %add3A_867 = arith.addi %mul3A_775, %mul3A_853 : i32
        %add3A_868 = vector.broadcast %add3A_867 : i32 to vector<16xi32>
        %add3A_869 = arith.addi %add3A_868, %iota3A : vector<16xi32>
        %gt3A_870 = arith.cmpf ogt, %div3A_866, %select_n3A_848 : vector<16xf32>
        %select_n3A_871 = arith.select %gt3A_870, %div3A_866, %select_n3A_848 : vector<16xi1>, vector<16xf32>
        %select_n3A_872 = arith.select %gt3A_870, %add3A_869, %select_n3A_849 : vector<16xi1>, vector<16xi32>
        %scan3A_873 = arith.constant 2 : i32
        %scan3A_874 = arith.addi %scan3A_826, %scan3A_873 : i32
        %mul3A_875 = arith.constant 16 : i32
        %mul3A_876 = arith.muli %scan3A_874, %mul3A_875 : i32
        %get3A_877 = arith.index_cast %mul3A_876 : i32 to index
        %get3A_878 = tpu.vector_load %arg6[%get3A_877] {strides = array<i32>} : memref<20000xf32, #tpu.memory_space<vmem>>, vector<16xf32>,
        %get3A_879 = vector.shape_cast %get3A_878 : vector<16xf32> to vector<16xf32>
        %div3A_880 = arith.divf %get3A_879, %get3A_385 : vector<16xf32>
        %sub3A_881 = arith.subf %div3A_880, %div3A_442 : vector<16xf32>
        %exp3A_882 = math.exp %sub3A_881 : vector<16xf32>
        %get3A_883 = arith.index_cast %mul3A_876 : i32 to index
        %get3A_884 = tpu.vector_load %arg7[%get3A_883] {strides = array<i32>} : memref<20000xf32, #tpu.memory_space<vmem>>, vector<16xf32>,
        %get3A_885 = vector.shape_cast %get3A_884 : vector<16xf32> to vector<16xf32>
        %max3A_886 = arith.constant 1.000000e-10 : f32
        %max3A_887 = vector.broadcast %max3A_886 : f32 to vector<16xf32>
        %max3A_888 = arith.maximumf %get3A_885, %max3A_887 : vector<16xf32>
        %div3A_889 = arith.divf %exp3A_882, %max3A_888 : vector<16xf32>
        %add3A_890 = arith.addi %mul3A_775, %mul3A_876 : i32
        %add3A_891 = vector.broadcast %add3A_890 : i32 to vector<16xi32>
        %add3A_892 = arith.addi %add3A_891, %iota3A : vector<16xi32>
        %gt3A_893 = arith.cmpf ogt, %div3A_889, %select_n3A_871 : vector<16xf32>
        %select_n3A_894 = arith.select %gt3A_893, %div3A_889, %select_n3A_871 : vector<16xi1>, vector<16xf32>
        %select_n3A_895 = arith.select %gt3A_893, %add3A_892, %select_n3A_872 : vector<16xi1>, vector<16xi32>
        %scan3A_896 = arith.constant 3 : i32
        %scan3A_897 = arith.addi %scan3A_826, %scan3A_896 : i32
        %mul3A_898 = arith.constant 16 : i32
        %mul3A_899 = arith.muli %scan3A_897, %mul3A_898 : i32
        %get3A_900 = arith.index_cast %mul3A_899 : i32 to index
        %get3A_901 = tpu.vector_load %arg6[%get3A_900] {strides = array<i32>} : memref<20000xf32, #tpu.memory_space<vmem>>, vector<16xf32>,
        %get3A_902 = vector.shape_cast %get3A_901 : vector<16xf32> to vector<16xf32>
        %div3A_903 = arith.divf %get3A_902, %get3A_385 : vector<16xf32>
        %sub3A_904 = arith.subf %div3A_903, %div3A_442 : vector<16xf32>
        %exp3A_905 = math.exp %sub3A_904 : vector<16xf32>
        %get3A_906 = arith.index_cast %mul3A_899 : i32 to index
        %get3A_907 = tpu.vector_load %arg7[%get3A_906] {strides = array<i32>} : memref<20000xf32, #tpu.memory_space<vmem>>, vector<16xf32>,
        %get3A_908 = vector.shape_cast %get3A_907 : vector<16xf32> to vector<16xf32>
        %max3A_909 = arith.constant 1.000000e-10 : f32
        %max3A_910 = vector.broadcast %max3A_909 : f32 to vector<16xf32>
        %max3A_911 = arith.maximumf %get3A_908, %max3A_910 : vector<16xf32>
        %div3A_912 = arith.divf %exp3A_905, %max3A_911 : vector<16xf32>
        %add3A_913 = arith.addi %mul3A_775, %mul3A_899 : i32
        %add3A_914 = vector.broadcast %add3A_913 : i32 to vector<16xi32>
        %add3A_915 = arith.addi %add3A_914, %iota3A : vector<16xi32>
        %gt3A_916 = arith.cmpf ogt, %div3A_912, %select_n3A_894 : vector<16xf32>
        %select_n3A_917 = arith.select %gt3A_916, %div3A_912, %select_n3A_894 : vector<16xi1>, vector<16xf32>
        %select_n3A_918 = arith.select %gt3A_916, %add3A_915, %select_n3A_895 : vector<16xi1>, vector<16xi32>
        scf.yield %select_n3A_917, %select_n3A_918 : vector<16xf32>, vector<16xi32>
      }
      %scan3A_781 = arith.constant 1248 : i32
      %scan3A_782 = arith.addi %scan3A_776, %scan3A_781 : i32
      %mul3A_783 = arith.constant 16 : i32
      %mul3A_784 = arith.muli %scan3A_782, %mul3A_783 : i32
      %get3A_785 = arith.index_cast %mul3A_784 : i32 to index
      %get3A_786 = tpu.vector_load %arg6[%get3A_785] {strides = array<i32>} : memref<20000xf32, #tpu.memory_space<vmem>>, vector<16xf32>,
      %get3A_787 = vector.shape_cast %get3A_786 : vector<16xf32> to vector<16xf32>
      %div3A_788 = arith.divf %get3A_787, %get3A_385 : vector<16xf32>
      %sub3A = arith.subf %div3A_788, %div3A_442 : vector<16xf32>
      %exp3A = math.exp %sub3A : vector<16xf32>
      %get3A_789 = arith.index_cast %mul3A_784 : i32 to index
      %get3A_790 = tpu.vector_load %arg7[%get3A_789] {strides = array<i32>} : memref<20000xf32, #tpu.memory_space<vmem>>, vector<16xf32>,
      %get3A_791 = vector.shape_cast %get3A_790 : vector<16xf32> to vector<16xf32>
      %max3A_792 = arith.constant 1.000000e-10 : f32
      %max3A_793 = vector.broadcast %max3A_792 : f32 to vector<16xf32>
      %max3A_794 = arith.maximumf %get3A_791, %max3A_793 : vector<16xf32>
      %div3A_795 = arith.divf %exp3A, %max3A_794 : vector<16xf32>
      %add3A_796 = arith.addi %mul3A_775, %mul3A_784 : i32
      %add3A_797 = vector.broadcast %add3A_796 : i32 to vector<16xi32>
      %add3A_798 = arith.addi %add3A_797, %iota3A : vector<16xi32>
      %gt3A_799 = arith.cmpf ogt, %div3A_795, %scan3A_780#0 : vector<16xf32>
      %select_n3A_800 = arith.select %gt3A_799, %div3A_795, %scan3A_780#0 : vector<16xi1>, vector<16xf32>
      %select_n3A_801 = arith.select %gt3A_799, %add3A_798, %scan3A_780#1 : vector<16xi1>, vector<16xi32>
      %scan3A_802 = arith.constant 1249 : i32
      %scan3A_803 = arith.addi %scan3A_776, %scan3A_802 : i32
      %mul3A_804 = arith.constant 16 : i32
      %mul3A_805 = arith.muli %scan3A_803, %mul3A_804 : i32
      %get3A_806 = arith.index_cast %mul3A_805 : i32 to index
      %get3A_807 = tpu.vector_load %arg6[%get3A_806] {strides = array<i32>} : memref<20000xf32, #tpu.memory_space<vmem>>, vector<16xf32>,
      %get3A_808 = vector.shape_cast %get3A_807 : vector<16xf32> to vector<16xf32>
      %div3A_809 = arith.divf %get3A_808, %get3A_385 : vector<16xf32>
      %sub3A_810 = arith.subf %div3A_809, %div3A_442 : vector<16xf32>
      %exp3A_811 = math.exp %sub3A_810 : vector<16xf32>
      %get3A_812 = arith.index_cast %mul3A_805 : i32 to index
      %get3A_813 = tpu.vector_load %arg7[%get3A_812] {strides = array<i32>} : memref<20000xf32, #tpu.memory_space<vmem>>, vector<16xf32>,
      %get3A_814 = vector.shape_cast %get3A_813 : vector<16xf32> to vector<16xf32>
      %max3A_815 = arith.constant 1.000000e-10 : f32
      %max3A_816 = vector.broadcast %max3A_815 : f32 to vector<16xf32>
      %max3A_817 = arith.maximumf %get3A_814, %max3A_816 : vector<16xf32>
      %div3A_818 = arith.divf %exp3A_811, %max3A_817 : vector<16xf32>
      %add3A_819 = arith.addi %mul3A_775, %mul3A_805 : i32
      %add3A_820 = vector.broadcast %add3A_819 : i32 to vector<16xi32>
      %add3A_821 = arith.addi %add3A_820, %iota3A : vector<16xi32>
      %gt3A_822 = arith.cmpf ogt, %div3A_818, %select_n3A_800 : vector<16xf32>
      %select_n3A_823 = arith.select %gt3A_822, %div3A_818, %select_n3A_800 : vector<16xi1>, vector<16xf32>
      %select_n3A_824 = arith.select %gt3A_822, %add3A_821, %select_n3A_801 : vector<16xi1>, vector<16xi32>
      %scan3A_825 = arith.constant 1250 : i32
      scf.yield %select_n3A_823, %select_n3A_824 : vector<16xf32>, vector<16xi32>
    }
    %scan3A_452 = arith.constant 5 : i32
    %swap3A_453 = arith.constant 0 : index
    %swap3A_454 = tpu.vector_load %arg10[%swap3A_453] {strides = array<i32>} : memref<32xf32, #tpu.memory_space<vmem>>, vector<16xf32>,
    %swap3A_455 = vector.shape_cast %swap3A_454 : vector<16xf32> to vector<16xf32>
    %swap3A_456 = vector.shape_cast %scan3A_451#0 : vector<16xf32> to vector<16xf32>
    tpu.vector_store %arg10[%swap3A_453], %swap3A_456 {strides = array<i32>} : memref<32xf32, #tpu.memory_space<vmem>>, vector<16xf32>,
    %swap3A_457 = arith.constant 16 : index
    %swap3A_458 = tpu.vector_load %arg10[%swap3A_457] {strides = array<i32>} : memref<32xf32, #tpu.memory_space<vmem>>, vector<16xf32>,
    %swap3A_459 = vector.shape_cast %swap3A_458 : vector<16xf32> to vector<16xf32>
    %swap3A_460 = vector.shape_cast %scan3A_451#0 : vector<16xf32> to vector<16xf32>
    tpu.vector_store %arg10[%swap3A_457], %swap3A_460 {strides = array<i32>} : memref<32xf32, #tpu.memory_space<vmem>>, vector<16xf32>,
    %get3A_461 = arith.constant 8 : index
    %get3A_462 = tpu.vector_load %arg10[%get3A_461] {strides = array<i32>} : memref<32xf32, #tpu.memory_space<vmem>>, vector<16xf32>,
    %get3A_463 = vector.shape_cast %get3A_462 : vector<16xf32> to vector<16xf32>
    %swap3A_464 = arith.constant 0 : index
    %swap3A_465 = tpu.vector_load %arg11[%swap3A_464] {strides = array<i32>} : memref<32xi32, #tpu.memory_space<vmem>>, vector<16xi32>,
    %swap3A_466 = vector.shape_cast %swap3A_465 : vector<16xi32> to vector<16xi32>
    %swap3A_467 = vector.shape_cast %scan3A_451#1 : vector<16xi32> to vector<16xi32>
    tpu.vector_store %arg11[%swap3A_464], %swap3A_467 {strides = array<i32>} : memref<32xi32, #tpu.memory_space<vmem>>, vector<16xi32>,
    %swap3A_468 = arith.constant 16 : index
    %swap3A_469 = tpu.vector_load %arg11[%swap3A_468] {strides = array<i32>} : memref<32xi32, #tpu.memory_space<vmem>>, vector<16xi32>,
    %swap3A_470 = vector.shape_cast %swap3A_469 : vector<16xi32> to vector<16xi32>
    %swap3A_471 = vector.shape_cast %scan3A_451#1 : vector<16xi32> to vector<16xi32>
    tpu.vector_store %arg11[%swap3A_468], %swap3A_471 {strides = array<i32>} : memref<32xi32, #tpu.memory_space<vmem>>, vector<16xi32>,
    %get3A_472 = arith.constant 8 : index
    %get3A_473 = tpu.vector_load %arg11[%get3A_472] {strides = array<i32>} : memref<32xi32, #tpu.memory_space<vmem>>, vector<16xi32>,
    %get3A_474 = vector.shape_cast %get3A_473 : vector<16xi32> to vector<16xi32>
    %gt3A_475 = arith.cmpf ogt, %get3A_463, %scan3A_451#0 : vector<16xf32>
    %eq3A_476 = arith.cmpf oeq, %get3A_463, %scan3A_451#0 : vector<16xf32>
    %lt3A_477 = arith.cmpi slt, %get3A_474, %scan3A_451#1 : vector<16xi32>
    %and3A_478 = arith.andi %eq3A_476, %lt3A_477 : vector<16xi1>
    %or3A_479 = arith.ori %gt3A_475, %and3A_478 : vector<16xi1>
    %select_n3A_480 = arith.select %or3A_479, %get3A_463, %scan3A_451#0 : vector<16xi1>, vector<16xf32>
    %select_n3A_481 = arith.select %or3A_479, %get3A_474, %scan3A_451#1 : vector<16xi1>, vector<16xi32>
    %swap3A_482 = arith.constant 0 : index
    %swap3A_483 = tpu.vector_load %arg10[%swap3A_482] {strides = array<i32>} : memref<32xf32, #tpu.memory_space<vmem>>, vector<16xf32>,
    %swap3A_484 = vector.shape_cast %swap3A_483 : vector<16xf32> to vector<16xf32>
    %swap3A_485 = vector.shape_cast %select_n3A_480 : vector<16xf32> to vector<16xf32>
    tpu.vector_store %arg10[%swap3A_482], %swap3A_485 {strides = array<i32>} : memref<32xf32, #tpu.memory_space<vmem>>, vector<16xf32>,
    %swap3A_486 = arith.constant 16 : index
    %swap3A_487 = tpu.vector_load %arg10[%swap3A_486] {strides = array<i32>} : memref<32xf32, #tpu.memory_space<vmem>>, vector<16xf32>,
    %swap3A_488 = vector.shape_cast %swap3A_487 : vector<16xf32> to vector<16xf32>
    %swap3A_489 = vector.shape_cast %select_n3A_480 : vector<16xf32> to vector<16xf32>
    tpu.vector_store %arg10[%swap3A_486], %swap3A_489 {strides = array<i32>} : memref<32xf32, #tpu.memory_space<vmem>>, vector<16xf32>,
    %get3A_490 = arith.constant 4 : index
    %get3A_491 = tpu.vector_load %arg10[%get3A_490] {strides = array<i32>} : memref<32xf32, #tpu.memory_space<vmem>>, vector<16xf32>,
    %get3A_492 = vector.shape_cast %get3A_491 : vector<16xf32> to vector<16xf32>
    %swap3A_493 = arith.constant 0 : index
    %swap3A_494 = tpu.vector_load %arg11[%swap3A_493] {strides = array<i32>} : memref<32xi32, #tpu.memory_space<vmem>>, vector<16xi32>,
    %swap3A_495 = vector.shape_cast %swap3A_494 : vector<16xi32> to vector<16xi32>
    %swap3A_496 = vector.shape_cast %select_n3A_481 : vector<16xi32> to vector<16xi32>
    tpu.vector_store %arg11[%swap3A_493], %swap3A_496 {strides = array<i32>} : memref<32xi32, #tpu.memory_space<vmem>>, vector<16xi32>,
    %swap3A_497 = arith.constant 16 : index
    %swap3A_498 = tpu.vector_load %arg11[%swap3A_497] {strides = array<i32>} : memref<32xi32, #tpu.memory_space<vmem>>, vector<16xi32>,
    %swap3A_499 = vector.shape_cast %swap3A_498 : vector<16xi32> to vector<16xi32>
    %swap3A_500 = vector.shape_cast %select_n3A_481 : vector<16xi32> to vector<16xi32>
    tpu.vector_store %arg11[%swap3A_497], %swap3A_500 {strides = array<i32>} : memref<32xi32, #tpu.memory_space<vmem>>, vector<16xi32>,
    %get3A_501 = arith.constant 4 : index
    %get3A_502 = tpu.vector_load %arg11[%get3A_501] {strides = array<i32>} : memref<32xi32, #tpu.memory_space<vmem>>, vector<16xi32>,
    %get3A_503 = vector.shape_cast %get3A_502 : vector<16xi32> to vector<16xi32>
    %gt3A_504 = arith.cmpf ogt, %get3A_492, %select_n3A_480 : vector<16xf32>
    %eq3A_505 = arith.cmpf oeq, %get3A_492, %select_n3A_480 : vector<16xf32>
    %lt3A_506 = arith.cmpi slt, %get3A_503, %select_n3A_481 : vector<16xi32>
    %and3A_507 = arith.andi %eq3A_505, %lt3A_506 : vector<16xi1>
    %or3A_508 = arith.ori %gt3A_504, %and3A_507 : vector<16xi1>
    %select_n3A_509 = arith.select %or3A_508, %get3A_492, %select_n3A_480 : vector<16xi1>, vector<16xf32>
    %select_n3A_510 = arith.select %or3A_508, %get3A_503, %select_n3A_481 : vector<16xi1>, vector<16xi32>
    %swap3A_511 = arith.constant 0 : index
    %swap3A_512 = tpu.vector_load %arg10[%swap3A_511] {strides = array<i32>} : memref<32xf32, #tpu.memory_space<vmem>>, vector<16xf32>,
    %swap3A_513 = vector.shape_cast %swap3A_512 : vector<16xf32> to vector<16xf32>
    %swap3A_514 = vector.shape_cast %select_n3A_509 : vector<16xf32> to vector<16xf32>
    tpu.vector_store %arg10[%swap3A_511], %swap3A_514 {strides = array<i32>} : memref<32xf32, #tpu.memory_space<vmem>>, vector<16xf32>,
    %swap3A_515 = arith.constant 16 : index
    %swap3A_516 = tpu.vector_load %arg10[%swap3A_515] {strides = array<i32>} : memref<32xf32, #tpu.memory_space<vmem>>, vector<16xf32>,
    %swap3A_517 = vector.shape_cast %swap3A_516 : vector<16xf32> to vector<16xf32>
    %swap3A_518 = vector.shape_cast %select_n3A_509 : vector<16xf32> to vector<16xf32>
    tpu.vector_store %arg10[%swap3A_515], %swap3A_518 {strides = array<i32>} : memref<32xf32, #tpu.memory_space<vmem>>, vector<16xf32>,
    %get3A_519 = arith.constant 2 : index
    %get3A_520 = tpu.vector_load %arg10[%get3A_519] {strides = array<i32>} : memref<32xf32, #tpu.memory_space<vmem>>, vector<16xf32>,
    %get3A_521 = vector.shape_cast %get3A_520 : vector<16xf32> to vector<16xf32>
    %swap3A_522 = arith.constant 0 : index
    %swap3A_523 = tpu.vector_load %arg11[%swap3A_522] {strides = array<i32>} : memref<32xi32, #tpu.memory_space<vmem>>, vector<16xi32>,
    %swap3A_524 = vector.shape_cast %swap3A_523 : vector<16xi32> to vector<16xi32>
    %swap3A_525 = vector.shape_cast %select_n3A_510 : vector<16xi32> to vector<16xi32>
    tpu.vector_store %arg11[%swap3A_522], %swap3A_525 {strides = array<i32>} : memref<32xi32, #tpu.memory_space<vmem>>, vector<16xi32>,
    %swap3A_526 = arith.constant 16 : index
    %swap3A_527 = tpu.vector_load %arg11[%swap3A_526] {strides = array<i32>} : memref<32xi32, #tpu.memory_space<vmem>>, vector<16xi32>,
    %swap3A_528 = vector.shape_cast %swap3A_527 : vector<16xi32> to vector<16xi32>
    %swap3A_529 = vector.shape_cast %select_n3A_510 : vector<16xi32> to vector<16xi32>
    tpu.vector_store %arg11[%swap3A_526], %swap3A_529 {strides = array<i32>} : memref<32xi32, #tpu.memory_space<vmem>>, vector<16xi32>,
    %get3A_530 = arith.constant 2 : index
    %get3A_531 = tpu.vector_load %arg11[%get3A_530] {strides = array<i32>} : memref<32xi32, #tpu.memory_space<vmem>>, vector<16xi32>,
    %get3A_532 = vector.shape_cast %get3A_531 : vector<16xi32> to vector<16xi32>
    %gt3A_533 = arith.cmpf ogt, %get3A_521, %select_n3A_509 : vector<16xf32>
    %eq3A_534 = arith.cmpf oeq, %get3A_521, %select_n3A_509 : vector<16xf32>
    %lt3A_535 = arith.cmpi slt, %get3A_532, %select_n3A_510 : vector<16xi32>
    %and3A_536 = arith.andi %eq3A_534, %lt3A_535 : vector<16xi1>
    %or3A_537 = arith.ori %gt3A_533, %and3A_536 : vector<16xi1>
    %select_n3A_538 = arith.select %or3A_537, %get3A_521, %select_n3A_509 : vector<16xi1>, vector<16xf32>
    %select_n3A_539 = arith.select %or3A_537, %get3A_532, %select_n3A_510 : vector<16xi1>, vector<16xi32>
    %swap3A_540 = arith.constant 0 : index
    %swap3A_541 = tpu.vector_load %arg10[%swap3A_540] {strides = array<i32>} : memref<32xf32, #tpu.memory_space<vmem>>, vector<16xf32>,
    %swap3A_542 = vector.shape_cast %swap3A_541 : vector<16xf32> to vector<16xf32>
    %swap3A_543 = vector.shape_cast %select_n3A_538 : vector<16xf32> to vector<16xf32>
    tpu.vector_store %arg10[%swap3A_540], %swap3A_543 {strides = array<i32>} : memref<32xf32, #tpu.memory_space<vmem>>, vector<16xf32>,
    %swap3A_544 = arith.constant 16 : index
    %swap3A_545 = tpu.vector_load %arg10[%swap3A_544] {strides = array<i32>} : memref<32xf32, #tpu.memory_space<vmem>>, vector<16xf32>,
    %swap3A_546 = vector.shape_cast %swap3A_545 : vector<16xf32> to vector<16xf32>
    %swap3A_547 = vector.shape_cast %select_n3A_538 : vector<16xf32> to vector<16xf32>
    tpu.vector_store %arg10[%swap3A_544], %swap3A_547 {strides = array<i32>} : memref<32xf32, #tpu.memory_space<vmem>>, vector<16xf32>,
    %get3A_548 = arith.constant 1 : index
    %get3A_549 = tpu.vector_load %arg10[%get3A_548] {strides = array<i32>} : memref<32xf32, #tpu.memory_space<vmem>>, vector<16xf32>,
    %get3A_550 = vector.shape_cast %get3A_549 : vector<16xf32> to vector<16xf32>
    %swap3A_551 = arith.constant 0 : index
    %swap3A_552 = tpu.vector_load %arg11[%swap3A_551] {strides = array<i32>} : memref<32xi32, #tpu.memory_space<vmem>>, vector<16xi32>,
    %swap3A_553 = vector.shape_cast %swap3A_552 : vector<16xi32> to vector<16xi32>
    %swap3A_554 = vector.shape_cast %select_n3A_539 : vector<16xi32> to vector<16xi32>
    tpu.vector_store %arg11[%swap3A_551], %swap3A_554 {strides = array<i32>} : memref<32xi32, #tpu.memory_space<vmem>>, vector<16xi32>,
    %swap3A_555 = arith.constant 16 : index
    %swap3A_556 = tpu.vector_load %arg11[%swap3A_555] {strides = array<i32>} : memref<32xi32, #tpu.memory_space<vmem>>, vector<16xi32>,
    %swap3A_557 = vector.shape_cast %swap3A_556 : vector<16xi32> to vector<16xi32>
    %swap3A_558 = vector.shape_cast %select_n3A_539 : vector<16xi32> to vector<16xi32>
    tpu.vector_store %arg11[%swap3A_555], %swap3A_558 {strides = array<i32>} : memref<32xi32, #tpu.memory_space<vmem>>, vector<16xi32>,
    %get3A_559 = arith.constant 1 : index
    %get3A_560 = tpu.vector_load %arg11[%get3A_559] {strides = array<i32>} : memref<32xi32, #tpu.memory_space<vmem>>, vector<16xi32>,
    %get3A_561 = vector.shape_cast %get3A_560 : vector<16xi32> to vector<16xi32>
    %gt3A_562 = arith.cmpf ogt, %get3A_550, %select_n3A_538 : vector<16xf32>
    %eq3A_563 = arith.cmpf oeq, %get3A_550, %select_n3A_538 : vector<16xf32>
    %lt3A_564 = arith.cmpi slt, %get3A_561, %select_n3A_539 : vector<16xi32>
    %and3A_565 = arith.andi %eq3A_563, %lt3A_564 : vector<16xi1>
    %or3A_566 = arith.ori %gt3A_562, %and3A_565 : vector<16xi1>
    %select_n3A_567 = arith.select %or3A_566, %get3A_550, %select_n3A_538 : vector<16xi1>, vector<16xf32>
    %select_n3A_568 = arith.select %or3A_566, %get3A_561, %select_n3A_539 : vector<16xi1>, vector<16xi32>
    %eq3A_569 = arith.constant 2 : i32
    %eq3A_570 = vector.broadcast %eq3A_569 : i32 to vector<16xi32>
    %eq3A_571 = arith.cmpi eq, %iota3A, %eq3A_570 : vector<16xi32>
    %select_n3A_572 = arith.select %eq3A_571, %select_n3A_568, %select_n3A_378 : vector<16xi1>, vector<16xi32>
    %mul3A_573 = arith.constant 4 : i32
    %mul3A_574 = arith.muli %add3A, %mul3A_573 : i32
    %add3A_575 = arith.constant 3 : i32
    %add3A_576 = arith.addi %mul3A_574, %add3A_575 : i32
    "tpu.region"() ({
      %run_scoped3A = tpu.sem_alloc : memref<!tpu.dma_semaphore, #tpu.memory_space<semaphore_mem>>
      %dma_start3A = arith.constant 0 : i32
      %dma_start3A_771 = tpu.memref_slice %arg3[%add3A_576, %dma_start3A] : memref<128x16xf32, #tpu.memory_space<hbm>> -> memref<1x16xf32, #tpu.memory_space<hbm>>
      %dma_start3A_772 = tpu.memref_squeeze %dma_start3A_771 : memref<1x16xf32, #tpu.memory_space<hbm>> -> memref<16xf32, #tpu.memory_space<hbm>>
      %dma_start3A_773 = arith.constant 0 : i32
      %dma_start3A_774 = tpu.memref_slice %arg3[%add3A_576, %dma_start3A_773] : memref<128x16xf32, #tpu.memory_space<hbm>> -> memref<1x16xf32, #tpu.memory_space<hbm>>
      %dma_start3A_775 = tpu.memref_squeeze %dma_start3A_774 : memref<1x16xf32, #tpu.memory_space<hbm>> -> memref<16xf32, #tpu.memory_space<hbm>>
      tpu.enqueue_dma source(%dma_start3A_775 : memref<16xf32, #tpu.memory_space<hbm>>) target(%arg8 : memref<16xf32, #tpu.memory_space<vmem>>) target_semaphore(%run_scoped3A : memref<!tpu.dma_semaphore, #tpu.memory_space<semaphore_mem>>)
      %dma_wait3A = arith.constant 0 : i32
      %dma_wait3A_776 = tpu.memref_slice %arg3[%add3A_576, %dma_wait3A] : memref<128x16xf32, #tpu.memory_space<hbm>> -> memref<1x16xf32, #tpu.memory_space<hbm>>
      %dma_wait3A_777 = tpu.memref_squeeze %dma_wait3A_776 : memref<1x16xf32, #tpu.memory_space<hbm>> -> memref<16xf32, #tpu.memory_space<hbm>>
      %dma_wait3A_778 = arith.constant 0 : i32
      %dma_wait3A_779 = tpu.memref_slice %arg3[%add3A_576, %dma_wait3A_778] : memref<128x16xf32, #tpu.memory_space<hbm>> -> memref<1x16xf32, #tpu.memory_space<hbm>>
      %dma_wait3A_780 = tpu.memref_squeeze %dma_wait3A_779 : memref<1x16xf32, #tpu.memory_space<hbm>> -> memref<16xf32, #tpu.memory_space<hbm>>
      tpu.wait_dma2 semaphore(%run_scoped3A : memref<!tpu.dma_semaphore, #tpu.memory_space<semaphore_mem>>) src(%dma_wait3A_780 : memref<16xf32, #tpu.memory_space<hbm>>) dst(%arg8 : memref<16xf32, #tpu.memory_space<vmem>>)
      tpu.yield
    }) : () -> ()
    %get3A_577 = arith.constant 0 : index
    %get3A_578 = tpu.vector_load %arg8[%get3A_577] {strides = array<i32>} : memref<16xf32, #tpu.memory_space<vmem>>, vector<16xf32>,
    %get3A_579 = vector.shape_cast %get3A_578 : vector<16xf32> to vector<16xf32>
    %broadcast_in_dim3A_580 = arith.constant 0xFF800000 : f32
    %broadcast_in_dim3A_581 = vector.broadcast %broadcast_in_dim3A_580 : f32 to vector<16xf32>
    %scan3A_582 = arith.constant 0 : i32
    %scan3A_583 = arith.constant 5 : i32
    %scan3A_584 = arith.addi %scan3A_582, %scan3A_583 : i32
    %scan3A_585 = arith.constant 1 : i32
    %scan3A_586 = scf.for %scan3A_771 = %scan3A_582 to %scan3A_584 step %scan3A_585 iter_args(%scan3A_772 = %broadcast_in_dim3A_581) -> (vector<16xf32>)  : i32 {
      "tpu.region"() ({
        %run_scoped3A = tpu.sem_alloc : memref<!tpu.dma_semaphore, #tpu.memory_space<semaphore_mem>>
        %dma_start3A = arith.constant 0 : i32
        %dma_start3A_795 = tpu.memref_slice %arg2[%add3A_576, %scan3A_771, %dma_start3A] : memref<128x5x20000xf32, #tpu.memory_space<hbm>> -> memref<1x1x20000xf32, #tpu.memory_space<hbm>>
        %dma_start3A_796 = tpu.memref_squeeze %dma_start3A_795 : memref<1x1x20000xf32, #tpu.memory_space<hbm>> -> memref<20000xf32, #tpu.memory_space<hbm>>
        %dma_start3A_797 = arith.constant 0 : i32
        %dma_start3A_798 = tpu.memref_slice %arg2[%add3A_576, %scan3A_771, %dma_start3A_797] : memref<128x5x20000xf32, #tpu.memory_space<hbm>> -> memref<1x1x20000xf32, #tpu.memory_space<hbm>>
        %dma_start3A_799 = tpu.memref_squeeze %dma_start3A_798 : memref<1x1x20000xf32, #tpu.memory_space<hbm>> -> memref<20000xf32, #tpu.memory_space<hbm>>
        tpu.enqueue_dma source(%dma_start3A_799 : memref<20000xf32, #tpu.memory_space<hbm>>) target(%arg6 : memref<20000xf32, #tpu.memory_space<vmem>>) target_semaphore(%run_scoped3A : memref<!tpu.dma_semaphore, #tpu.memory_space<semaphore_mem>>)
        %dma_wait3A = arith.constant 0 : i32
        %dma_wait3A_800 = tpu.memref_slice %arg2[%add3A_576, %scan3A_771, %dma_wait3A] : memref<128x5x20000xf32, #tpu.memory_space<hbm>> -> memref<1x1x20000xf32, #tpu.memory_space<hbm>>
        %dma_wait3A_801 = tpu.memref_squeeze %dma_wait3A_800 : memref<1x1x20000xf32, #tpu.memory_space<hbm>> -> memref<20000xf32, #tpu.memory_space<hbm>>
        %dma_wait3A_802 = arith.constant 0 : i32
        %dma_wait3A_803 = tpu.memref_slice %arg2[%add3A_576, %scan3A_771, %dma_wait3A_802] : memref<128x5x20000xf32, #tpu.memory_space<hbm>> -> memref<1x1x20000xf32, #tpu.memory_space<hbm>>
        %dma_wait3A_804 = tpu.memref_squeeze %dma_wait3A_803 : memref<1x1x20000xf32, #tpu.memory_space<hbm>> -> memref<20000xf32, #tpu.memory_space<hbm>>
        tpu.wait_dma2 semaphore(%run_scoped3A : memref<!tpu.dma_semaphore, #tpu.memory_space<semaphore_mem>>) src(%dma_wait3A_804 : memref<20000xf32, #tpu.memory_space<hbm>>) dst(%arg6 : memref<20000xf32, #tpu.memory_space<vmem>>)
        tpu.yield
      }) : () -> ()
      %scan3A_773 = arith.constant 0 : i32
      %scan3A_774 = arith.constant 1248 : i32
      %scan3A_775 = arith.addi %scan3A_773, %scan3A_774 : i32
      %scan3A_776 = arith.constant 4 : i32
      %scan3A_777 = scf.for %scan3A_795 = %scan3A_773 to %scan3A_775 step %scan3A_776 iter_args(%scan3A_796 = %scan3A_772) -> (vector<16xf32>)  : i32 {
        %mul3A_797 = arith.constant 16 : i32
        %mul3A_798 = arith.muli %scan3A_795, %mul3A_797 : i32
        %get3A_799 = arith.index_cast %mul3A_798 : i32 to index
        %get3A_800 = tpu.vector_load %arg6[%get3A_799] {strides = array<i32>} : memref<20000xf32, #tpu.memory_space<vmem>>, vector<16xf32>,
        %get3A_801 = vector.shape_cast %get3A_800 : vector<16xf32> to vector<16xf32>
        %max3A_802 = arith.maximumf %scan3A_796, %get3A_801 : vector<16xf32>
        %scan3A_803 = arith.constant 1 : i32
        %scan3A_804 = arith.addi %scan3A_795, %scan3A_803 : i32
        %mul3A_805 = arith.constant 16 : i32
        %mul3A_806 = arith.muli %scan3A_804, %mul3A_805 : i32
        %get3A_807 = arith.index_cast %mul3A_806 : i32 to index
        %get3A_808 = tpu.vector_load %arg6[%get3A_807] {strides = array<i32>} : memref<20000xf32, #tpu.memory_space<vmem>>, vector<16xf32>,
        %get3A_809 = vector.shape_cast %get3A_808 : vector<16xf32> to vector<16xf32>
        %max3A_810 = arith.maximumf %max3A_802, %get3A_809 : vector<16xf32>
        %scan3A_811 = arith.constant 2 : i32
        %scan3A_812 = arith.addi %scan3A_795, %scan3A_811 : i32
        %mul3A_813 = arith.constant 16 : i32
        %mul3A_814 = arith.muli %scan3A_812, %mul3A_813 : i32
        %get3A_815 = arith.index_cast %mul3A_814 : i32 to index
        %get3A_816 = tpu.vector_load %arg6[%get3A_815] {strides = array<i32>} : memref<20000xf32, #tpu.memory_space<vmem>>, vector<16xf32>,
        %get3A_817 = vector.shape_cast %get3A_816 : vector<16xf32> to vector<16xf32>
        %max3A_818 = arith.maximumf %max3A_810, %get3A_817 : vector<16xf32>
        %scan3A_819 = arith.constant 3 : i32
        %scan3A_820 = arith.addi %scan3A_795, %scan3A_819 : i32
        %mul3A_821 = arith.constant 16 : i32
        %mul3A_822 = arith.muli %scan3A_820, %mul3A_821 : i32
        %get3A_823 = arith.index_cast %mul3A_822 : i32 to index
        %get3A_824 = tpu.vector_load %arg6[%get3A_823] {strides = array<i32>} : memref<20000xf32, #tpu.memory_space<vmem>>, vector<16xf32>,
        %get3A_825 = vector.shape_cast %get3A_824 : vector<16xf32> to vector<16xf32>
        %max3A_826 = arith.maximumf %max3A_818, %get3A_825 : vector<16xf32>
        scf.yield %max3A_826 : vector<16xf32>
      }
      %scan3A_778 = arith.constant 1248 : i32
      %scan3A_779 = arith.addi %scan3A_773, %scan3A_778 : i32
      %mul3A_780 = arith.constant 16 : i32
      %mul3A_781 = arith.muli %scan3A_779, %mul3A_780 : i32
      %get3A_782 = arith.index_cast %mul3A_781 : i32 to index
      %get3A_783 = tpu.vector_load %arg6[%get3A_782] {strides = array<i32>} : memref<20000xf32, #tpu.memory_space<vmem>>, vector<16xf32>,
      %get3A_784 = vector.shape_cast %get3A_783 : vector<16xf32> to vector<16xf32>
      %max3A_785 = arith.maximumf %scan3A_777, %get3A_784 : vector<16xf32>
      %scan3A_786 = arith.constant 1249 : i32
      %scan3A_787 = arith.addi %scan3A_773, %scan3A_786 : i32
      %mul3A_788 = arith.constant 16 : i32
      %mul3A_789 = arith.muli %scan3A_787, %mul3A_788 : i32
      %get3A_790 = arith.index_cast %mul3A_789 : i32 to index
      %get3A_791 = tpu.vector_load %arg6[%get3A_790] {strides = array<i32>} : memref<20000xf32, #tpu.memory_space<vmem>>, vector<16xf32>,
      %get3A_792 = vector.shape_cast %get3A_791 : vector<16xf32> to vector<16xf32>
      %max3A_793 = arith.maximumf %max3A_785, %get3A_792 : vector<16xf32>
      %scan3A_794 = arith.constant 1250 : i32
      scf.yield %max3A_793 : vector<16xf32>
    }
    %scan3A_587 = arith.constant 5 : i32
    %swap3A_588 = arith.constant 0 : index
    %swap3A_589 = tpu.vector_load %arg10[%swap3A_588] {strides = array<i32>} : memref<32xf32, #tpu.memory_space<vmem>>, vector<16xf32>,
    %swap3A_590 = vector.shape_cast %swap3A_589 : vector<16xf32> to vector<16xf32>
    %swap3A_591 = vector.shape_cast %scan3A_586 : vector<16xf32> to vector<16xf32>
    tpu.vector_store %arg10[%swap3A_588], %swap3A_591 {strides = array<i32>} : memref<32xf32, #tpu.memory_space<vmem>>, vector<16xf32>,
    %swap3A_592 = arith.constant 16 : index
    %swap3A_593 = tpu.vector_load %arg10[%swap3A_592] {strides = array<i32>} : memref<32xf32, #tpu.memory_space<vmem>>, vector<16xf32>,
    %swap3A_594 = vector.shape_cast %swap3A_593 : vector<16xf32> to vector<16xf32>
    %swap3A_595 = vector.shape_cast %scan3A_586 : vector<16xf32> to vector<16xf32>
    tpu.vector_store %arg10[%swap3A_592], %swap3A_595 {strides = array<i32>} : memref<32xf32, #tpu.memory_space<vmem>>, vector<16xf32>,
    %get3A_596 = arith.constant 8 : index
    %get3A_597 = tpu.vector_load %arg10[%get3A_596] {strides = array<i32>} : memref<32xf32, #tpu.memory_space<vmem>>, vector<16xf32>,
    %get3A_598 = vector.shape_cast %get3A_597 : vector<16xf32> to vector<16xf32>
    %max3A_599 = arith.maximumf %scan3A_586, %get3A_598 : vector<16xf32>
    %swap3A_600 = arith.constant 0 : index
    %swap3A_601 = tpu.vector_load %arg10[%swap3A_600] {strides = array<i32>} : memref<32xf32, #tpu.memory_space<vmem>>, vector<16xf32>,
    %swap3A_602 = vector.shape_cast %swap3A_601 : vector<16xf32> to vector<16xf32>
    %swap3A_603 = vector.shape_cast %max3A_599 : vector<16xf32> to vector<16xf32>
    tpu.vector_store %arg10[%swap3A_600], %swap3A_603 {strides = array<i32>} : memref<32xf32, #tpu.memory_space<vmem>>, vector<16xf32>,
    %swap3A_604 = arith.constant 16 : index
    %swap3A_605 = tpu.vector_load %arg10[%swap3A_604] {strides = array<i32>} : memref<32xf32, #tpu.memory_space<vmem>>, vector<16xf32>,
    %swap3A_606 = vector.shape_cast %swap3A_605 : vector<16xf32> to vector<16xf32>
    %swap3A_607 = vector.shape_cast %max3A_599 : vector<16xf32> to vector<16xf32>
    tpu.vector_store %arg10[%swap3A_604], %swap3A_607 {strides = array<i32>} : memref<32xf32, #tpu.memory_space<vmem>>, vector<16xf32>,
    %get3A_608 = arith.constant 4 : index
    %get3A_609 = tpu.vector_load %arg10[%get3A_608] {strides = array<i32>} : memref<32xf32, #tpu.memory_space<vmem>>, vector<16xf32>,
    %get3A_610 = vector.shape_cast %get3A_609 : vector<16xf32> to vector<16xf32>
    %max3A_611 = arith.maximumf %max3A_599, %get3A_610 : vector<16xf32>
    %swap3A_612 = arith.constant 0 : index
    %swap3A_613 = tpu.vector_load %arg10[%swap3A_612] {strides = array<i32>} : memref<32xf32, #tpu.memory_space<vmem>>, vector<16xf32>,
    %swap3A_614 = vector.shape_cast %swap3A_613 : vector<16xf32> to vector<16xf32>
    %swap3A_615 = vector.shape_cast %max3A_611 : vector<16xf32> to vector<16xf32>
    tpu.vector_store %arg10[%swap3A_612], %swap3A_615 {strides = array<i32>} : memref<32xf32, #tpu.memory_space<vmem>>, vector<16xf32>,
    %swap3A_616 = arith.constant 16 : index
    %swap3A_617 = tpu.vector_load %arg10[%swap3A_616] {strides = array<i32>} : memref<32xf32, #tpu.memory_space<vmem>>, vector<16xf32>,
    %swap3A_618 = vector.shape_cast %swap3A_617 : vector<16xf32> to vector<16xf32>
    %swap3A_619 = vector.shape_cast %max3A_611 : vector<16xf32> to vector<16xf32>
    tpu.vector_store %arg10[%swap3A_616], %swap3A_619 {strides = array<i32>} : memref<32xf32, #tpu.memory_space<vmem>>, vector<16xf32>,
    %get3A_620 = arith.constant 2 : index
    %get3A_621 = tpu.vector_load %arg10[%get3A_620] {strides = array<i32>} : memref<32xf32, #tpu.memory_space<vmem>>, vector<16xf32>,
    %get3A_622 = vector.shape_cast %get3A_621 : vector<16xf32> to vector<16xf32>
    %max3A_623 = arith.maximumf %max3A_611, %get3A_622 : vector<16xf32>
    %swap3A_624 = arith.constant 0 : index
    %swap3A_625 = tpu.vector_load %arg10[%swap3A_624] {strides = array<i32>} : memref<32xf32, #tpu.memory_space<vmem>>, vector<16xf32>,
    %swap3A_626 = vector.shape_cast %swap3A_625 : vector<16xf32> to vector<16xf32>
    %swap3A_627 = vector.shape_cast %max3A_623 : vector<16xf32> to vector<16xf32>
    tpu.vector_store %arg10[%swap3A_624], %swap3A_627 {strides = array<i32>} : memref<32xf32, #tpu.memory_space<vmem>>, vector<16xf32>,
    %swap3A_628 = arith.constant 16 : index
    %swap3A_629 = tpu.vector_load %arg10[%swap3A_628] {strides = array<i32>} : memref<32xf32, #tpu.memory_space<vmem>>, vector<16xf32>,
    %swap3A_630 = vector.shape_cast %swap3A_629 : vector<16xf32> to vector<16xf32>
    %swap3A_631 = vector.shape_cast %max3A_623 : vector<16xf32> to vector<16xf32>
    tpu.vector_store %arg10[%swap3A_628], %swap3A_631 {strides = array<i32>} : memref<32xf32, #tpu.memory_space<vmem>>, vector<16xf32>,
    %get3A_632 = arith.constant 1 : index
    %get3A_633 = tpu.vector_load %arg10[%get3A_632] {strides = array<i32>} : memref<32xf32, #tpu.memory_space<vmem>>, vector<16xf32>,
    %get3A_634 = vector.shape_cast %get3A_633 : vector<16xf32> to vector<16xf32>
    %max3A_635 = arith.maximumf %max3A_623, %get3A_634 : vector<16xf32>
    %div3A_636 = arith.divf %max3A_635, %get3A_579 : vector<16xf32>
    %broadcast_in_dim3A_637 = arith.constant 0xFF800000 : f32
    %broadcast_in_dim3A_638 = vector.broadcast %broadcast_in_dim3A_637 : f32 to vector<16xf32>
    %broadcast_in_dim3A_639 = arith.constant 0 : i32
    %broadcast_in_dim3A_640 = vector.broadcast %broadcast_in_dim3A_639 : i32 to vector<16xi32>
    %scan3A_641 = arith.constant 0 : i32
    %scan3A_642 = arith.constant 5 : i32
    %scan3A_643 = arith.addi %scan3A_641, %scan3A_642 : i32
    %scan3A_644 = arith.constant 1 : i32
    %scan3A_645:2 = scf.for %scan3A_771 = %scan3A_641 to %scan3A_643 step %scan3A_644 iter_args(%scan3A_772 = %broadcast_in_dim3A_638, %scan3A_773 = %broadcast_in_dim3A_640) -> (vector<16xf32>, vector<16xi32>)  : i32 {
      "tpu.region"() ({
        %run_scoped3A = tpu.sem_alloc : memref<!tpu.dma_semaphore, #tpu.memory_space<semaphore_mem>>
        %dma_start3A = arith.constant 0 : i32
        %dma_start3A_826 = tpu.memref_slice %arg2[%add3A_576, %scan3A_771, %dma_start3A] : memref<128x5x20000xf32, #tpu.memory_space<hbm>> -> memref<1x1x20000xf32, #tpu.memory_space<hbm>>
        %dma_start3A_827 = tpu.memref_squeeze %dma_start3A_826 : memref<1x1x20000xf32, #tpu.memory_space<hbm>> -> memref<20000xf32, #tpu.memory_space<hbm>>
        %dma_start3A_828 = arith.constant 0 : i32
        %dma_start3A_829 = tpu.memref_slice %arg2[%add3A_576, %scan3A_771, %dma_start3A_828] : memref<128x5x20000xf32, #tpu.memory_space<hbm>> -> memref<1x1x20000xf32, #tpu.memory_space<hbm>>
        %dma_start3A_830 = tpu.memref_squeeze %dma_start3A_829 : memref<1x1x20000xf32, #tpu.memory_space<hbm>> -> memref<20000xf32, #tpu.memory_space<hbm>>
        tpu.enqueue_dma source(%dma_start3A_830 : memref<20000xf32, #tpu.memory_space<hbm>>) target(%arg6 : memref<20000xf32, #tpu.memory_space<vmem>>) target_semaphore(%run_scoped3A : memref<!tpu.dma_semaphore, #tpu.memory_space<semaphore_mem>>)
        %dma_wait3A = arith.constant 0 : i32
        %dma_wait3A_831 = tpu.memref_slice %arg2[%add3A_576, %scan3A_771, %dma_wait3A] : memref<128x5x20000xf32, #tpu.memory_space<hbm>> -> memref<1x1x20000xf32, #tpu.memory_space<hbm>>
        %dma_wait3A_832 = tpu.memref_squeeze %dma_wait3A_831 : memref<1x1x20000xf32, #tpu.memory_space<hbm>> -> memref<20000xf32, #tpu.memory_space<hbm>>
        %dma_wait3A_833 = arith.constant 0 : i32
        %dma_wait3A_834 = tpu.memref_slice %arg2[%add3A_576, %scan3A_771, %dma_wait3A_833] : memref<128x5x20000xf32, #tpu.memory_space<hbm>> -> memref<1x1x20000xf32, #tpu.memory_space<hbm>>
        %dma_wait3A_835 = tpu.memref_squeeze %dma_wait3A_834 : memref<1x1x20000xf32, #tpu.memory_space<hbm>> -> memref<20000xf32, #tpu.memory_space<hbm>>
        tpu.wait_dma2 semaphore(%run_scoped3A : memref<!tpu.dma_semaphore, #tpu.memory_space<semaphore_mem>>) src(%dma_wait3A_835 : memref<20000xf32, #tpu.memory_space<hbm>>) dst(%arg6 : memref<20000xf32, #tpu.memory_space<vmem>>)
        tpu.yield
      }) : () -> ()
      "tpu.region"() ({
        %run_scoped3A = tpu.sem_alloc : memref<!tpu.dma_semaphore, #tpu.memory_space<semaphore_mem>>
        %dma_start3A = arith.constant 0 : i32
        %dma_start3A_826 = tpu.memref_slice %arg4[%add3A_576, %scan3A_771, %dma_start3A] : memref<128x5x20000xf32, #tpu.memory_space<hbm>> -> memref<1x1x20000xf32, #tpu.memory_space<hbm>>
        %dma_start3A_827 = tpu.memref_squeeze %dma_start3A_826 : memref<1x1x20000xf32, #tpu.memory_space<hbm>> -> memref<20000xf32, #tpu.memory_space<hbm>>
        %dma_start3A_828 = arith.constant 0 : i32
        %dma_start3A_829 = tpu.memref_slice %arg4[%add3A_576, %scan3A_771, %dma_start3A_828] : memref<128x5x20000xf32, #tpu.memory_space<hbm>> -> memref<1x1x20000xf32, #tpu.memory_space<hbm>>
        %dma_start3A_830 = tpu.memref_squeeze %dma_start3A_829 : memref<1x1x20000xf32, #tpu.memory_space<hbm>> -> memref<20000xf32, #tpu.memory_space<hbm>>
        tpu.enqueue_dma source(%dma_start3A_830 : memref<20000xf32, #tpu.memory_space<hbm>>) target(%arg7 : memref<20000xf32, #tpu.memory_space<vmem>>) target_semaphore(%run_scoped3A : memref<!tpu.dma_semaphore, #tpu.memory_space<semaphore_mem>>)
        %dma_wait3A = arith.constant 0 : i32
        %dma_wait3A_831 = tpu.memref_slice %arg4[%add3A_576, %scan3A_771, %dma_wait3A] : memref<128x5x20000xf32, #tpu.memory_space<hbm>> -> memref<1x1x20000xf32, #tpu.memory_space<hbm>>
        %dma_wait3A_832 = tpu.memref_squeeze %dma_wait3A_831 : memref<1x1x20000xf32, #tpu.memory_space<hbm>> -> memref<20000xf32, #tpu.memory_space<hbm>>
        %dma_wait3A_833 = arith.constant 0 : i32
        %dma_wait3A_834 = tpu.memref_slice %arg4[%add3A_576, %scan3A_771, %dma_wait3A_833] : memref<128x5x20000xf32, #tpu.memory_space<hbm>> -> memref<1x1x20000xf32, #tpu.memory_space<hbm>>
        %dma_wait3A_835 = tpu.memref_squeeze %dma_wait3A_834 : memref<1x1x20000xf32, #tpu.memory_space<hbm>> -> memref<20000xf32, #tpu.memory_space<hbm>>
        tpu.wait_dma2 semaphore(%run_scoped3A : memref<!tpu.dma_semaphore, #tpu.memory_space<semaphore_mem>>) src(%dma_wait3A_835 : memref<20000xf32, #tpu.memory_space<hbm>>) dst(%arg7 : memref<20000xf32, #tpu.memory_space<vmem>>)
        tpu.yield
      }) : () -> ()
      %mul3A_774 = arith.constant 20000 : i32
      %mul3A_775 = arith.muli %scan3A_771, %mul3A_774 : i32
      %scan3A_776 = arith.constant 0 : i32
      %scan3A_777 = arith.constant 1248 : i32
      %scan3A_778 = arith.addi %scan3A_776, %scan3A_777 : i32
      %scan3A_779 = arith.constant 4 : i32
      %scan3A_780:2 = scf.for %scan3A_826 = %scan3A_776 to %scan3A_778 step %scan3A_779 iter_args(%scan3A_827 = %scan3A_772, %scan3A_828 = %scan3A_773) -> (vector<16xf32>, vector<16xi32>)  : i32 {
        %mul3A_829 = arith.constant 16 : i32
        %mul3A_830 = arith.muli %scan3A_826, %mul3A_829 : i32
        %get3A_831 = arith.index_cast %mul3A_830 : i32 to index
        %get3A_832 = tpu.vector_load %arg6[%get3A_831] {strides = array<i32>} : memref<20000xf32, #tpu.memory_space<vmem>>, vector<16xf32>,
        %get3A_833 = vector.shape_cast %get3A_832 : vector<16xf32> to vector<16xf32>
        %div3A_834 = arith.divf %get3A_833, %get3A_579 : vector<16xf32>
        %sub3A_835 = arith.subf %div3A_834, %div3A_636 : vector<16xf32>
        %exp3A_836 = math.exp %sub3A_835 : vector<16xf32>
        %get3A_837 = arith.index_cast %mul3A_830 : i32 to index
        %get3A_838 = tpu.vector_load %arg7[%get3A_837] {strides = array<i32>} : memref<20000xf32, #tpu.memory_space<vmem>>, vector<16xf32>,
        %get3A_839 = vector.shape_cast %get3A_838 : vector<16xf32> to vector<16xf32>
        %max3A_840 = arith.constant 1.000000e-10 : f32
        %max3A_841 = vector.broadcast %max3A_840 : f32 to vector<16xf32>
        %max3A_842 = arith.maximumf %get3A_839, %max3A_841 : vector<16xf32>
        %div3A_843 = arith.divf %exp3A_836, %max3A_842 : vector<16xf32>
        %add3A_844 = arith.addi %mul3A_775, %mul3A_830 : i32
        %add3A_845 = vector.broadcast %add3A_844 : i32 to vector<16xi32>
        %add3A_846 = arith.addi %add3A_845, %iota3A : vector<16xi32>
        %gt3A_847 = arith.cmpf ogt, %div3A_843, %scan3A_827 : vector<16xf32>
        %select_n3A_848 = arith.select %gt3A_847, %div3A_843, %scan3A_827 : vector<16xi1>, vector<16xf32>
        %select_n3A_849 = arith.select %gt3A_847, %add3A_846, %scan3A_828 : vector<16xi1>, vector<16xi32>
        %scan3A_850 = arith.constant 1 : i32
        %scan3A_851 = arith.addi %scan3A_826, %scan3A_850 : i32
        %mul3A_852 = arith.constant 16 : i32
        %mul3A_853 = arith.muli %scan3A_851, %mul3A_852 : i32
        %get3A_854 = arith.index_cast %mul3A_853 : i32 to index
        %get3A_855 = tpu.vector_load %arg6[%get3A_854] {strides = array<i32>} : memref<20000xf32, #tpu.memory_space<vmem>>, vector<16xf32>,
        %get3A_856 = vector.shape_cast %get3A_855 : vector<16xf32> to vector<16xf32>
        %div3A_857 = arith.divf %get3A_856, %get3A_579 : vector<16xf32>
        %sub3A_858 = arith.subf %div3A_857, %div3A_636 : vector<16xf32>
        %exp3A_859 = math.exp %sub3A_858 : vector<16xf32>
        %get3A_860 = arith.index_cast %mul3A_853 : i32 to index
        %get3A_861 = tpu.vector_load %arg7[%get3A_860] {strides = array<i32>} : memref<20000xf32, #tpu.memory_space<vmem>>, vector<16xf32>,
        %get3A_862 = vector.shape_cast %get3A_861 : vector<16xf32> to vector<16xf32>
        %max3A_863 = arith.constant 1.000000e-10 : f32
        %max3A_864 = vector.broadcast %max3A_863 : f32 to vector<16xf32>
        %max3A_865 = arith.maximumf %get3A_862, %max3A_864 : vector<16xf32>
        %div3A_866 = arith.divf %exp3A_859, %max3A_865 : vector<16xf32>
        %add3A_867 = arith.addi %mul3A_775, %mul3A_853 : i32
        %add3A_868 = vector.broadcast %add3A_867 : i32 to vector<16xi32>
        %add3A_869 = arith.addi %add3A_868, %iota3A : vector<16xi32>
        %gt3A_870 = arith.cmpf ogt, %div3A_866, %select_n3A_848 : vector<16xf32>
        %select_n3A_871 = arith.select %gt3A_870, %div3A_866, %select_n3A_848 : vector<16xi1>, vector<16xf32>
        %select_n3A_872 = arith.select %gt3A_870, %add3A_869, %select_n3A_849 : vector<16xi1>, vector<16xi32>
        %scan3A_873 = arith.constant 2 : i32
        %scan3A_874 = arith.addi %scan3A_826, %scan3A_873 : i32
        %mul3A_875 = arith.constant 16 : i32
        %mul3A_876 = arith.muli %scan3A_874, %mul3A_875 : i32
        %get3A_877 = arith.index_cast %mul3A_876 : i32 to index
        %get3A_878 = tpu.vector_load %arg6[%get3A_877] {strides = array<i32>} : memref<20000xf32, #tpu.memory_space<vmem>>, vector<16xf32>,
        %get3A_879 = vector.shape_cast %get3A_878 : vector<16xf32> to vector<16xf32>
        %div3A_880 = arith.divf %get3A_879, %get3A_579 : vector<16xf32>
        %sub3A_881 = arith.subf %div3A_880, %div3A_636 : vector<16xf32>
        %exp3A_882 = math.exp %sub3A_881 : vector<16xf32>
        %get3A_883 = arith.index_cast %mul3A_876 : i32 to index
        %get3A_884 = tpu.vector_load %arg7[%get3A_883] {strides = array<i32>} : memref<20000xf32, #tpu.memory_space<vmem>>, vector<16xf32>,
        %get3A_885 = vector.shape_cast %get3A_884 : vector<16xf32> to vector<16xf32>
        %max3A_886 = arith.constant 1.000000e-10 : f32
        %max3A_887 = vector.broadcast %max3A_886 : f32 to vector<16xf32>
        %max3A_888 = arith.maximumf %get3A_885, %max3A_887 : vector<16xf32>
        %div3A_889 = arith.divf %exp3A_882, %max3A_888 : vector<16xf32>
        %add3A_890 = arith.addi %mul3A_775, %mul3A_876 : i32
        %add3A_891 = vector.broadcast %add3A_890 : i32 to vector<16xi32>
        %add3A_892 = arith.addi %add3A_891, %iota3A : vector<16xi32>
        %gt3A_893 = arith.cmpf ogt, %div3A_889, %select_n3A_871 : vector<16xf32>
        %select_n3A_894 = arith.select %gt3A_893, %div3A_889, %select_n3A_871 : vector<16xi1>, vector<16xf32>
        %select_n3A_895 = arith.select %gt3A_893, %add3A_892, %select_n3A_872 : vector<16xi1>, vector<16xi32>
        %scan3A_896 = arith.constant 3 : i32
        %scan3A_897 = arith.addi %scan3A_826, %scan3A_896 : i32
        %mul3A_898 = arith.constant 16 : i32
        %mul3A_899 = arith.muli %scan3A_897, %mul3A_898 : i32
        %get3A_900 = arith.index_cast %mul3A_899 : i32 to index
        %get3A_901 = tpu.vector_load %arg6[%get3A_900] {strides = array<i32>} : memref<20000xf32, #tpu.memory_space<vmem>>, vector<16xf32>,
        %get3A_902 = vector.shape_cast %get3A_901 : vector<16xf32> to vector<16xf32>
        %div3A_903 = arith.divf %get3A_902, %get3A_579 : vector<16xf32>
        %sub3A_904 = arith.subf %div3A_903, %div3A_636 : vector<16xf32>
        %exp3A_905 = math.exp %sub3A_904 : vector<16xf32>
        %get3A_906 = arith.index_cast %mul3A_899 : i32 to index
        %get3A_907 = tpu.vector_load %arg7[%get3A_906] {strides = array<i32>} : memref<20000xf32, #tpu.memory_space<vmem>>, vector<16xf32>,
        %get3A_908 = vector.shape_cast %get3A_907 : vector<16xf32> to vector<16xf32>
        %max3A_909 = arith.constant 1.000000e-10 : f32
        %max3A_910 = vector.broadcast %max3A_909 : f32 to vector<16xf32>
        %max3A_911 = arith.maximumf %get3A_908, %max3A_910 : vector<16xf32>
        %div3A_912 = arith.divf %exp3A_905, %max3A_911 : vector<16xf32>
        %add3A_913 = arith.addi %mul3A_775, %mul3A_899 : i32
        %add3A_914 = vector.broadcast %add3A_913 : i32 to vector<16xi32>
        %add3A_915 = arith.addi %add3A_914, %iota3A : vector<16xi32>
        %gt3A_916 = arith.cmpf ogt, %div3A_912, %select_n3A_894 : vector<16xf32>
        %select_n3A_917 = arith.select %gt3A_916, %div3A_912, %select_n3A_894 : vector<16xi1>, vector<16xf32>
        %select_n3A_918 = arith.select %gt3A_916, %add3A_915, %select_n3A_895 : vector<16xi1>, vector<16xi32>
        scf.yield %select_n3A_917, %select_n3A_918 : vector<16xf32>, vector<16xi32>
      }
      %scan3A_781 = arith.constant 1248 : i32
      %scan3A_782 = arith.addi %scan3A_776, %scan3A_781 : i32
      %mul3A_783 = arith.constant 16 : i32
      %mul3A_784 = arith.muli %scan3A_782, %mul3A_783 : i32
      %get3A_785 = arith.index_cast %mul3A_784 : i32 to index
      %get3A_786 = tpu.vector_load %arg6[%get3A_785] {strides = array<i32>} : memref<20000xf32, #tpu.memory_space<vmem>>, vector<16xf32>,
      %get3A_787 = vector.shape_cast %get3A_786 : vector<16xf32> to vector<16xf32>
      %div3A_788 = arith.divf %get3A_787, %get3A_579 : vector<16xf32>
      %sub3A = arith.subf %div3A_788, %div3A_636 : vector<16xf32>
      %exp3A = math.exp %sub3A : vector<16xf32>
      %get3A_789 = arith.index_cast %mul3A_784 : i32 to index
      %get3A_790 = tpu.vector_load %arg7[%get3A_789] {strides = array<i32>} : memref<20000xf32, #tpu.memory_space<vmem>>, vector<16xf32>,
      %get3A_791 = vector.shape_cast %get3A_790 : vector<16xf32> to vector<16xf32>
      %max3A_792 = arith.constant 1.000000e-10 : f32
      %max3A_793 = vector.broadcast %max3A_792 : f32 to vector<16xf32>
      %max3A_794 = arith.maximumf %get3A_791, %max3A_793 : vector<16xf32>
      %div3A_795 = arith.divf %exp3A, %max3A_794 : vector<16xf32>
      %add3A_796 = arith.addi %mul3A_775, %mul3A_784 : i32
      %add3A_797 = vector.broadcast %add3A_796 : i32 to vector<16xi32>
      %add3A_798 = arith.addi %add3A_797, %iota3A : vector<16xi32>
      %gt3A_799 = arith.cmpf ogt, %div3A_795, %scan3A_780#0 : vector<16xf32>
      %select_n3A_800 = arith.select %gt3A_799, %div3A_795, %scan3A_780#0 : vector<16xi1>, vector<16xf32>
      %select_n3A_801 = arith.select %gt3A_799, %add3A_798, %scan3A_780#1 : vector<16xi1>, vector<16xi32>
      %scan3A_802 = arith.constant 1249 : i32
      %scan3A_803 = arith.addi %scan3A_776, %scan3A_802 : i32
      %mul3A_804 = arith.constant 16 : i32
      %mul3A_805 = arith.muli %scan3A_803, %mul3A_804 : i32
      %get3A_806 = arith.index_cast %mul3A_805 : i32 to index
      %get3A_807 = tpu.vector_load %arg6[%get3A_806] {strides = array<i32>} : memref<20000xf32, #tpu.memory_space<vmem>>, vector<16xf32>,
      %get3A_808 = vector.shape_cast %get3A_807 : vector<16xf32> to vector<16xf32>
      %div3A_809 = arith.divf %get3A_808, %get3A_579 : vector<16xf32>
      %sub3A_810 = arith.subf %div3A_809, %div3A_636 : vector<16xf32>
      %exp3A_811 = math.exp %sub3A_810 : vector<16xf32>
      %get3A_812 = arith.index_cast %mul3A_805 : i32 to index
      %get3A_813 = tpu.vector_load %arg7[%get3A_812] {strides = array<i32>} : memref<20000xf32, #tpu.memory_space<vmem>>, vector<16xf32>,
      %get3A_814 = vector.shape_cast %get3A_813 : vector<16xf32> to vector<16xf32>
      %max3A_815 = arith.constant 1.000000e-10 : f32
      %max3A_816 = vector.broadcast %max3A_815 : f32 to vector<16xf32>
      %max3A_817 = arith.maximumf %get3A_814, %max3A_816 : vector<16xf32>
      %div3A_818 = arith.divf %exp3A_811, %max3A_817 : vector<16xf32>
      %add3A_819 = arith.addi %mul3A_775, %mul3A_805 : i32
      %add3A_820 = vector.broadcast %add3A_819 : i32 to vector<16xi32>
      %add3A_821 = arith.addi %add3A_820, %iota3A : vector<16xi32>
      %gt3A_822 = arith.cmpf ogt, %div3A_818, %select_n3A_800 : vector<16xf32>
      %select_n3A_823 = arith.select %gt3A_822, %div3A_818, %select_n3A_800 : vector<16xi1>, vector<16xf32>
      %select_n3A_824 = arith.select %gt3A_822, %add3A_821, %select_n3A_801 : vector<16xi1>, vector<16xi32>
      %scan3A_825 = arith.constant 1250 : i32
      scf.yield %select_n3A_823, %select_n3A_824 : vector<16xf32>, vector<16xi32>
    }
    %scan3A_646 = arith.constant 5 : i32
    %swap3A_647 = arith.constant 0 : index
    %swap3A_648 = tpu.vector_load %arg10[%swap3A_647] {strides = array<i32>} : memref<32xf32, #tpu.memory_space<vmem>>, vector<16xf32>,
    %swap3A_649 = vector.shape_cast %swap3A_648 : vector<16xf32> to vector<16xf32>
    %swap3A_650 = vector.shape_cast %scan3A_645#0 : vector<16xf32> to vector<16xf32>
    tpu.vector_store %arg10[%swap3A_647], %swap3A_650 {strides = array<i32>} : memref<32xf32, #tpu.memory_space<vmem>>, vector<16xf32>,
    %swap3A_651 = arith.constant 16 : index
    %swap3A_652 = tpu.vector_load %arg10[%swap3A_651] {strides = array<i32>} : memref<32xf32, #tpu.memory_space<vmem>>, vector<16xf32>,
    %swap3A_653 = vector.shape_cast %swap3A_652 : vector<16xf32> to vector<16xf32>
    %swap3A_654 = vector.shape_cast %scan3A_645#0 : vector<16xf32> to vector<16xf32>
    tpu.vector_store %arg10[%swap3A_651], %swap3A_654 {strides = array<i32>} : memref<32xf32, #tpu.memory_space<vmem>>, vector<16xf32>,
    %get3A_655 = arith.constant 8 : index
    %get3A_656 = tpu.vector_load %arg10[%get3A_655] {strides = array<i32>} : memref<32xf32, #tpu.memory_space<vmem>>, vector<16xf32>,
    %get3A_657 = vector.shape_cast %get3A_656 : vector<16xf32> to vector<16xf32>
    %swap3A_658 = arith.constant 0 : index
    %swap3A_659 = tpu.vector_load %arg11[%swap3A_658] {strides = array<i32>} : memref<32xi32, #tpu.memory_space<vmem>>, vector<16xi32>,
    %swap3A_660 = vector.shape_cast %swap3A_659 : vector<16xi32> to vector<16xi32>
    %swap3A_661 = vector.shape_cast %scan3A_645#1 : vector<16xi32> to vector<16xi32>
    tpu.vector_store %arg11[%swap3A_658], %swap3A_661 {strides = array<i32>} : memref<32xi32, #tpu.memory_space<vmem>>, vector<16xi32>,
    %swap3A_662 = arith.constant 16 : index
    %swap3A_663 = tpu.vector_load %arg11[%swap3A_662] {strides = array<i32>} : memref<32xi32, #tpu.memory_space<vmem>>, vector<16xi32>,
    %swap3A_664 = vector.shape_cast %swap3A_663 : vector<16xi32> to vector<16xi32>
    %swap3A_665 = vector.shape_cast %scan3A_645#1 : vector<16xi32> to vector<16xi32>
    tpu.vector_store %arg11[%swap3A_662], %swap3A_665 {strides = array<i32>} : memref<32xi32, #tpu.memory_space<vmem>>, vector<16xi32>,
    %get3A_666 = arith.constant 8 : index
    %get3A_667 = tpu.vector_load %arg11[%get3A_666] {strides = array<i32>} : memref<32xi32, #tpu.memory_space<vmem>>, vector<16xi32>,
    %get3A_668 = vector.shape_cast %get3A_667 : vector<16xi32> to vector<16xi32>
    %gt3A_669 = arith.cmpf ogt, %get3A_657, %scan3A_645#0 : vector<16xf32>
    %eq3A_670 = arith.cmpf oeq, %get3A_657, %scan3A_645#0 : vector<16xf32>
    %lt3A_671 = arith.cmpi slt, %get3A_668, %scan3A_645#1 : vector<16xi32>
    %and3A_672 = arith.andi %eq3A_670, %lt3A_671 : vector<16xi1>
    %or3A_673 = arith.ori %gt3A_669, %and3A_672 : vector<16xi1>
    %select_n3A_674 = arith.select %or3A_673, %get3A_657, %scan3A_645#0 : vector<16xi1>, vector<16xf32>
    %select_n3A_675 = arith.select %or3A_673, %get3A_668, %scan3A_645#1 : vector<16xi1>, vector<16xi32>
    %swap3A_676 = arith.constant 0 : index
    %swap3A_677 = tpu.vector_load %arg10[%swap3A_676] {strides = array<i32>} : memref<32xf32, #tpu.memory_space<vmem>>, vector<16xf32>,
    %swap3A_678 = vector.shape_cast %swap3A_677 : vector<16xf32> to vector<16xf32>
    %swap3A_679 = vector.shape_cast %select_n3A_674 : vector<16xf32> to vector<16xf32>
    tpu.vector_store %arg10[%swap3A_676], %swap3A_679 {strides = array<i32>} : memref<32xf32, #tpu.memory_space<vmem>>, vector<16xf32>,
    %swap3A_680 = arith.constant 16 : index
    %swap3A_681 = tpu.vector_load %arg10[%swap3A_680] {strides = array<i32>} : memref<32xf32, #tpu.memory_space<vmem>>, vector<16xf32>,
    %swap3A_682 = vector.shape_cast %swap3A_681 : vector<16xf32> to vector<16xf32>
    %swap3A_683 = vector.shape_cast %select_n3A_674 : vector<16xf32> to vector<16xf32>
    tpu.vector_store %arg10[%swap3A_680], %swap3A_683 {strides = array<i32>} : memref<32xf32, #tpu.memory_space<vmem>>, vector<16xf32>,
    %get3A_684 = arith.constant 4 : index
    %get3A_685 = tpu.vector_load %arg10[%get3A_684] {strides = array<i32>} : memref<32xf32, #tpu.memory_space<vmem>>, vector<16xf32>,
    %get3A_686 = vector.shape_cast %get3A_685 : vector<16xf32> to vector<16xf32>
    %swap3A_687 = arith.constant 0 : index
    %swap3A_688 = tpu.vector_load %arg11[%swap3A_687] {strides = array<i32>} : memref<32xi32, #tpu.memory_space<vmem>>, vector<16xi32>,
    %swap3A_689 = vector.shape_cast %swap3A_688 : vector<16xi32> to vector<16xi32>
    %swap3A_690 = vector.shape_cast %select_n3A_675 : vector<16xi32> to vector<16xi32>
    tpu.vector_store %arg11[%swap3A_687], %swap3A_690 {strides = array<i32>} : memref<32xi32, #tpu.memory_space<vmem>>, vector<16xi32>,
    %swap3A_691 = arith.constant 16 : index
    %swap3A_692 = tpu.vector_load %arg11[%swap3A_691] {strides = array<i32>} : memref<32xi32, #tpu.memory_space<vmem>>, vector<16xi32>,
    %swap3A_693 = vector.shape_cast %swap3A_692 : vector<16xi32> to vector<16xi32>
    %swap3A_694 = vector.shape_cast %select_n3A_675 : vector<16xi32> to vector<16xi32>
    tpu.vector_store %arg11[%swap3A_691], %swap3A_694 {strides = array<i32>} : memref<32xi32, #tpu.memory_space<vmem>>, vector<16xi32>,
    %get3A_695 = arith.constant 4 : index
    %get3A_696 = tpu.vector_load %arg11[%get3A_695] {strides = array<i32>} : memref<32xi32, #tpu.memory_space<vmem>>, vector<16xi32>,
    %get3A_697 = vector.shape_cast %get3A_696 : vector<16xi32> to vector<16xi32>
    %gt3A_698 = arith.cmpf ogt, %get3A_686, %select_n3A_674 : vector<16xf32>
    %eq3A_699 = arith.cmpf oeq, %get3A_686, %select_n3A_674 : vector<16xf32>
    %lt3A_700 = arith.cmpi slt, %get3A_697, %select_n3A_675 : vector<16xi32>
    %and3A_701 = arith.andi %eq3A_699, %lt3A_700 : vector<16xi1>
    %or3A_702 = arith.ori %gt3A_698, %and3A_701 : vector<16xi1>
    %select_n3A_703 = arith.select %or3A_702, %get3A_686, %select_n3A_674 : vector<16xi1>, vector<16xf32>
    %select_n3A_704 = arith.select %or3A_702, %get3A_697, %select_n3A_675 : vector<16xi1>, vector<16xi32>
    %swap3A_705 = arith.constant 0 : index
    %swap3A_706 = tpu.vector_load %arg10[%swap3A_705] {strides = array<i32>} : memref<32xf32, #tpu.memory_space<vmem>>, vector<16xf32>,
    %swap3A_707 = vector.shape_cast %swap3A_706 : vector<16xf32> to vector<16xf32>
    %swap3A_708 = vector.shape_cast %select_n3A_703 : vector<16xf32> to vector<16xf32>
    tpu.vector_store %arg10[%swap3A_705], %swap3A_708 {strides = array<i32>} : memref<32xf32, #tpu.memory_space<vmem>>, vector<16xf32>,
    %swap3A_709 = arith.constant 16 : index
    %swap3A_710 = tpu.vector_load %arg10[%swap3A_709] {strides = array<i32>} : memref<32xf32, #tpu.memory_space<vmem>>, vector<16xf32>,
    %swap3A_711 = vector.shape_cast %swap3A_710 : vector<16xf32> to vector<16xf32>
    %swap3A_712 = vector.shape_cast %select_n3A_703 : vector<16xf32> to vector<16xf32>
    tpu.vector_store %arg10[%swap3A_709], %swap3A_712 {strides = array<i32>} : memref<32xf32, #tpu.memory_space<vmem>>, vector<16xf32>,
    %get3A_713 = arith.constant 2 : index
    %get3A_714 = tpu.vector_load %arg10[%get3A_713] {strides = array<i32>} : memref<32xf32, #tpu.memory_space<vmem>>, vector<16xf32>,
    %get3A_715 = vector.shape_cast %get3A_714 : vector<16xf32> to vector<16xf32>
    %swap3A_716 = arith.constant 0 : index
    %swap3A_717 = tpu.vector_load %arg11[%swap3A_716] {strides = array<i32>} : memref<32xi32, #tpu.memory_space<vmem>>, vector<16xi32>,
    %swap3A_718 = vector.shape_cast %swap3A_717 : vector<16xi32> to vector<16xi32>
    %swap3A_719 = vector.shape_cast %select_n3A_704 : vector<16xi32> to vector<16xi32>
    tpu.vector_store %arg11[%swap3A_716], %swap3A_719 {strides = array<i32>} : memref<32xi32, #tpu.memory_space<vmem>>, vector<16xi32>,
    %swap3A_720 = arith.constant 16 : index
    %swap3A_721 = tpu.vector_load %arg11[%swap3A_720] {strides = array<i32>} : memref<32xi32, #tpu.memory_space<vmem>>, vector<16xi32>,
    %swap3A_722 = vector.shape_cast %swap3A_721 : vector<16xi32> to vector<16xi32>
    %swap3A_723 = vector.shape_cast %select_n3A_704 : vector<16xi32> to vector<16xi32>
    tpu.vector_store %arg11[%swap3A_720], %swap3A_723 {strides = array<i32>} : memref<32xi32, #tpu.memory_space<vmem>>, vector<16xi32>,
    %get3A_724 = arith.constant 2 : index
    %get3A_725 = tpu.vector_load %arg11[%get3A_724] {strides = array<i32>} : memref<32xi32, #tpu.memory_space<vmem>>, vector<16xi32>,
    %get3A_726 = vector.shape_cast %get3A_725 : vector<16xi32> to vector<16xi32>
    %gt3A_727 = arith.cmpf ogt, %get3A_715, %select_n3A_703 : vector<16xf32>
    %eq3A_728 = arith.cmpf oeq, %get3A_715, %select_n3A_703 : vector<16xf32>
    %lt3A_729 = arith.cmpi slt, %get3A_726, %select_n3A_704 : vector<16xi32>
    %and3A_730 = arith.andi %eq3A_728, %lt3A_729 : vector<16xi1>
    %or3A_731 = arith.ori %gt3A_727, %and3A_730 : vector<16xi1>
    %select_n3A_732 = arith.select %or3A_731, %get3A_715, %select_n3A_703 : vector<16xi1>, vector<16xf32>
    %select_n3A_733 = arith.select %or3A_731, %get3A_726, %select_n3A_704 : vector<16xi1>, vector<16xi32>
    %swap3A_734 = arith.constant 0 : index
    %swap3A_735 = tpu.vector_load %arg10[%swap3A_734] {strides = array<i32>} : memref<32xf32, #tpu.memory_space<vmem>>, vector<16xf32>,
    %swap3A_736 = vector.shape_cast %swap3A_735 : vector<16xf32> to vector<16xf32>
    %swap3A_737 = vector.shape_cast %select_n3A_732 : vector<16xf32> to vector<16xf32>
    tpu.vector_store %arg10[%swap3A_734], %swap3A_737 {strides = array<i32>} : memref<32xf32, #tpu.memory_space<vmem>>, vector<16xf32>,
    %swap3A_738 = arith.constant 16 : index
    %swap3A_739 = tpu.vector_load %arg10[%swap3A_738] {strides = array<i32>} : memref<32xf32, #tpu.memory_space<vmem>>, vector<16xf32>,
    %swap3A_740 = vector.shape_cast %swap3A_739 : vector<16xf32> to vector<16xf32>
    %swap3A_741 = vector.shape_cast %select_n3A_732 : vector<16xf32> to vector<16xf32>
    tpu.vector_store %arg10[%swap3A_738], %swap3A_741 {strides = array<i32>} : memref<32xf32, #tpu.memory_space<vmem>>, vector<16xf32>,
    %get3A_742 = arith.constant 1 : index
    %get3A_743 = tpu.vector_load %arg10[%get3A_742] {strides = array<i32>} : memref<32xf32, #tpu.memory_space<vmem>>, vector<16xf32>,
    %get3A_744 = vector.shape_cast %get3A_743 : vector<16xf32> to vector<16xf32>
    %swap3A_745 = arith.constant 0 : index
    %swap3A_746 = tpu.vector_load %arg11[%swap3A_745] {strides = array<i32>} : memref<32xi32, #tpu.memory_space<vmem>>, vector<16xi32>,
    %swap3A_747 = vector.shape_cast %swap3A_746 : vector<16xi32> to vector<16xi32>
    %swap3A_748 = vector.shape_cast %select_n3A_733 : vector<16xi32> to vector<16xi32>
    tpu.vector_store %arg11[%swap3A_745], %swap3A_748 {strides = array<i32>} : memref<32xi32, #tpu.memory_space<vmem>>, vector<16xi32>,
    %swap3A_749 = arith.constant 16 : index
    %swap3A_750 = tpu.vector_load %arg11[%swap3A_749] {strides = array<i32>} : memref<32xi32, #tpu.memory_space<vmem>>, vector<16xi32>,
    %swap3A_751 = vector.shape_cast %swap3A_750 : vector<16xi32> to vector<16xi32>
    %swap3A_752 = vector.shape_cast %select_n3A_733 : vector<16xi32> to vector<16xi32>
    tpu.vector_store %arg11[%swap3A_749], %swap3A_752 {strides = array<i32>} : memref<32xi32, #tpu.memory_space<vmem>>, vector<16xi32>,
    %get3A_753 = arith.constant 1 : index
    %get3A_754 = tpu.vector_load %arg11[%get3A_753] {strides = array<i32>} : memref<32xi32, #tpu.memory_space<vmem>>, vector<16xi32>,
    %get3A_755 = vector.shape_cast %get3A_754 : vector<16xi32> to vector<16xi32>
    %gt3A_756 = arith.cmpf ogt, %get3A_744, %select_n3A_732 : vector<16xf32>
    %eq3A_757 = arith.cmpf oeq, %get3A_744, %select_n3A_732 : vector<16xf32>
    %lt3A_758 = arith.cmpi slt, %get3A_755, %select_n3A_733 : vector<16xi32>
    %and3A_759 = arith.andi %eq3A_757, %lt3A_758 : vector<16xi1>
    %or3A_760 = arith.ori %gt3A_756, %and3A_759 : vector<16xi1>
    %select_n3A_761 = arith.select %or3A_760, %get3A_744, %select_n3A_732 : vector<16xi1>, vector<16xf32>
    %select_n3A_762 = arith.select %or3A_760, %get3A_755, %select_n3A_733 : vector<16xi1>, vector<16xi32>
    %eq3A_763 = arith.constant 3 : i32
    %eq3A_764 = vector.broadcast %eq3A_763 : i32 to vector<16xi32>
    %eq3A_765 = arith.cmpi eq, %iota3A, %eq3A_764 : vector<16xi32>
    %select_n3A_766 = arith.select %eq3A_765, %select_n3A_762, %select_n3A_572 : vector<16xi1>, vector<16xi32>
    %swap3A_767 = arith.constant 0 : index
    %swap3A_768 = tpu.vector_load %arg9[%swap3A_767] {strides = array<i32>} : memref<16xi32, #tpu.memory_space<vmem>>, vector<16xi32>,
    %swap3A_769 = vector.shape_cast %swap3A_768 : vector<16xi32> to vector<16xi32>
    %swap3A_770 = vector.shape_cast %select_n3A_766 : vector<16xi32> to vector<16xi32>
    tpu.vector_store %arg9[%swap3A_767], %swap3A_770 {strides = array<i32>} : memref<16xi32, #tpu.memory_space<vmem>>, vector<16xi32>,
    "tpu.region"() ({
      %run_scoped3A = tpu.sem_alloc : memref<!tpu.dma_semaphore, #tpu.memory_space<semaphore_mem>>
      %dma_start3A = arith.constant 0 : i32
      %dma_start3A_771 = tpu.memref_slice %arg5[%add3A, %dma_start3A] : memref<32x16xi32, #tpu.memory_space<hbm>> -> memref<1x16xi32, #tpu.memory_space<hbm>>
      %dma_start3A_772 = tpu.memref_squeeze %dma_start3A_771 : memref<1x16xi32, #tpu.memory_space<hbm>> -> memref<16xi32, #tpu.memory_space<hbm>>
      %dma_start3A_773 = arith.constant 0 : i32
      %dma_start3A_774 = tpu.memref_slice %arg5[%add3A, %dma_start3A_773] : memref<32x16xi32, #tpu.memory_space<hbm>> -> memref<1x16xi32, #tpu.memory_space<hbm>>
      %dma_start3A_775 = tpu.memref_squeeze %dma_start3A_774 : memref<1x16xi32, #tpu.memory_space<hbm>> -> memref<16xi32, #tpu.memory_space<hbm>>
      tpu.enqueue_dma source(%arg9 : memref<16xi32, #tpu.memory_space<vmem>>) target(%dma_start3A_775 : memref<16xi32, #tpu.memory_space<hbm>>) target_semaphore(%run_scoped3A : memref<!tpu.dma_semaphore, #tpu.memory_space<semaphore_mem>>)
      %dma_wait3A = arith.constant 0 : i32
      %dma_wait3A_776 = tpu.memref_slice %arg5[%add3A, %dma_wait3A] : memref<32x16xi32, #tpu.memory_space<hbm>> -> memref<1x16xi32, #tpu.memory_space<hbm>>
      %dma_wait3A_777 = tpu.memref_squeeze %dma_wait3A_776 : memref<1x16xi32, #tpu.memory_space<hbm>> -> memref<16xi32, #tpu.memory_space<hbm>>
      %dma_wait3A_778 = arith.constant 0 : i32
      %dma_wait3A_779 = tpu.memref_slice %arg5[%add3A, %dma_wait3A_778] : memref<32x16xi32, #tpu.memory_space<hbm>> -> memref<1x16xi32, #tpu.memory_space<hbm>>
      %dma_wait3A_780 = tpu.memref_squeeze %dma_wait3A_779 : memref<1x16xi32, #tpu.memory_space<hbm>> -> memref<16xi32, #tpu.memory_space<hbm>>
      tpu.wait_dma2 semaphore(%run_scoped3A : memref<!tpu.dma_semaphore, #tpu.memory_space<semaphore_mem>>) src(%arg9 : memref<16xi32, #tpu.memory_space<vmem>>) dst(%dma_wait3A_780 : memref<16xi32, #tpu.memory_space<hbm>>)
      tpu.yield
    }) : () -> ()
    return
  }
}

</mosaic_0001>

<sc_bundles>
// kernel: kernel.3.cloned.1.call-start
scs
__scs_entry_jumppad:
0x0: {  	(pc) =	sbr.rel $0x88, $3  }
0x1: {  	(tag) =	ssettag $0x0;
	lr =	simm.s32 $0x1  }
0x2: {  	[smem:$0x3F9E] =	sst lr;
	_ =	strace $0xD0000000  }
0x3: {  	_ = 	snop  }
0x4: {  	_ = 	snop  }
0x5: {  	_ = 	snop  }
0x6: {  	_ = 	snop  }
0x7: {  	_ = 	snop  }
__scs_overlays_trampoline_lowered:
0x8: {  	[smem:$0x3FAD] =	sst s0  }
0x9: {  	[smem:$0x3FAE] =	sst s1  }
0xa: {  	[smem:$0x3FAF] =	sst s2  }
0xb: {  	[smem:$0x3FB0] =	sst s3  }
0xc: {  	[smem:$0x3FB1] =	sst s4  }
0xd: {  	[smem:$0x3FB2] =	sst s5  }
0xe: {  	[smem:$0x3FB3] =	sst s6  }
0xf: {  	[smem:$0x3FB4] =	sst s7  }
0x10: {  	[smem:$0x3FB5] =	sst s8  }
0x11: {  	[smem:$0x3FB6] =	sst s9;
	s0 =	simm.s32 @!p0 $0x0  }
0x12: {  	s1 =	sld [smem:$0x3F9C];
	s0 =	simm.s32 @p0 $0x1  }
0x13: {  	[smem:$0x3FB7] =	sst s0;
	s0 =	simm.s32 @!p1 $0x0  }
0x14: {  	s2 =	sld [smem:$0x3F9B];
	s0 =	simm.s32 @p1 $0x1  }
0x15: {  	[smem:$0x3FB8] =	sst s0;
	s0 =	simm.s32 @!p2 $0x0  }
0x16: {  	s3 =	sld [smem:$0x3FDB];
	s0 =	simm.s32 @p2 $0x1  }
0x17: {  	s4 =	simm.s32 $0x1BF5;
	[smem:$0x3FBA] =	sst s0  }
0x18: {  	s0 =	sld [smem:$0x3F9D];
	_ =	swait.ge [sflag:s4], $0x0  }
0x19: {  	s7 =	sld [smem:$0x3F9E]  }
0x1a: {  	s8 =	sadd.s32 $0xFFFFE003, lr  }
0x1b: {  	s9 =	sadd.s32 $0xFFFFFEF7, lr;
	s5 =	simm.s32 $0xFFFFFFFF;
	p2 =	slt.u32 s8, $0xFFFFF086  }
0x1c: {  	p1 =	slt.u32 s9, $0xF7A;
	s5 =	simm.s32 @!p2 $0x0  }
0x1d: {  	s5 =	simm.s32 @p1 $0x1;
	p0 =	seq.s32 s7, s2  }
0x1e: {  	s7 =	smul.u32 @!p0 $0xF7A, s2;
	p2 =	seq.s32 @!p0 s5, $0x0  }
0x1f: {  	s9 =	smul.u32 $0xF7A, s1;
	s8 =	simm.s32 @!p0 $0x1BF5;
	p2 =	por !p2, p0  }
0x20: {  	[sflag:s8] =	ssyncset.s32 @!p0 $0xFFFFF086;
	s6 =	sadd.s32 @!p0 s3, s7;
	s7 =	simm.s32 @!p0 $0x108  }
0x21: {  	s3 =	sadd.s32 s3, s9;
	s6 =	sadd.s32 @!p0 $0x88, s6;
	s7 =	simm.s32 @p2 $0x1082  }
0x22: {  	[simem:s7], [sflag:s8] =	dma.local @!p0 [hbm:s6], $0xF7A  }
0x23: {  	s9 =	sor.u32 $0xD0000000, s2;
	s6 =	simm.s32 $0x108;
	_ =	swait.ge @!p0 [sflag:s8], $0x0  }
0x24: {  	s3 =	sadd.s32 $0x88, s3;
	s6 =	simm.s32 @!p1 $0x1082;
	[sflag:s4] =	ssyncset.s32 $0xFFFFF086  }
0x25: {  	[simem:s6], [sflag:s4] =	dma.local [hbm:s3], $0xF7A  }
0x26: {  	[smem:$0x3F9E] =	sst s1;
	(tag) =	ssettag s2;
	_ =	strace s9  }
0x27: {  	s1 =	sld [smem:$0x3FAE]  }
0x28: {  	s2 =	sld [smem:$0x3FAF]  }
0x29: {  	s4 =	sld [smem:$0x3FB1]  }
0x2a: {  	p0 =	seq.s32 s5, $0x0;
	s5 =	sld [smem:$0x3FB2]  }
0x2b: {  	s6 =	sld [smem:$0x3FB3]  }
0x2c: {  	s7 =	sld [smem:$0x3FB4]  }
0x2d: {  	s3 =	simm.s32 $0x108;
	s8 =	sld [smem:$0x3FB5]  }
0x2e: {  	s3 =	simm.s32 @!p0 $0x1082;
	s9 =	sld [smem:$0x3FB6]  }
0x2f: {  	lr =	sadd.s32 s0, s3;
	s0 =	sld [smem:$0x3FAD]  }
0x30: {  	s3 =	sld [smem:$0x3FB0]  }
0x31: {  	[smem:$0x3FB9] =	sst s10  }
0x32: {  	s10 =	sld [smem:$0x3FB7];
	_ =	sdelay $0x3  }
0x33: {  	p0 =	seq.s32 s10, $0x1;
	s10 =	sld [smem:$0x3FB9];
	_ =	sdelay $0x3  }
0x34: {  	[smem:$0x3FB9] =	sst s10  }
0x35: {  	s10 =	sld [smem:$0x3FB8];
	_ =	sdelay $0x3  }
0x36: {  	p1 =	seq.s32 s10, $0x1;
	s10 =	sld [smem:$0x3FB9];
	_ =	sdelay $0x3  }
0x37: {  	[smem:$0x3FB9] =	sst s10  }
0x38: {  	s10 =	sld [smem:$0x3FBA]  }
0x39: {  	_ = 	snop;
	(pc) =	sbr.ind lr, $3  }
0x3a: {  	_ = 	snop  }
0x3b: {  	_ = 	snop  }
0x3c: {  	p2 =	seq.s32 s10, $0x1;
	s10 =	sld [smem:$0x3FB9]  }
0x3d: {  	_ =	shalt  }
0x3e: {  	_ =	shalt  }
0x3f: {  	_ =	shalt  }
0x40: {  	_ =	shalt  }
0x41: {  	_ =	shalt  }
0x42: {  	_ =	shalt  }
0x43: {  	_ =	shalt  }
0x44: {  	_ =	shalt  }
0x45: {  	_ =	shalt  }
0x46: {  	_ =	shalt  }
0x47: {  	_ =	shalt  }
0x48: {  	_ =	shalt  }
0x49: {  	_ =	shalt  }
0x4a: {  	_ =	shalt  }
0x4b: {  	_ =	shalt  }
0x4c: {  	_ =	shalt  }
0x4d: {  	_ =	shalt  }
0x4e: {  	_ =	shalt  }
0x4f: {  	_ =	shalt  }
0x50: {  	_ =	shalt  }
0x51: {  	_ =	shalt  }
0x52: {  	_ =	shalt  }
0x53: {  	_ =	shalt  }
0x54: {  	_ =	shalt  }
0x55: {  	_ =	shalt  }
0x56: {  	_ =	shalt  }
0x57: {  	_ =	shalt  }
0x58: {  	_ =	shalt  }
0x59: {  	_ =	shalt  }
0x5a: {  	_ =	shalt  }
0x5b: {  	_ =	shalt  }
0x5c: {  	_ =	shalt  }
0x5d: {  	_ =	shalt  }
0x5e: {  	_ =	shalt  }
0x5f: {  	_ =	shalt  }
0x60: {  	_ =	shalt  }
0x61: {  	_ =	shalt  }
0x62: {  	_ =	shalt  }
0x63: {  	_ =	shalt  }
0x64: {  	_ =	shalt  }
0x65: {  	_ =	shalt  }
0x66: {  	_ =	shalt  }
0x67: {  	_ =	shalt  }
0x68: {  	_ =	shalt  }
0x69: {  	_ =	shalt  }
0x6a: {  	_ =	shalt  }
0x6b: {  	_ =	shalt  }
0x6c: {  	_ =	shalt  }
0x6d: {  	_ =	shalt  }
0x6e: {  	_ =	shalt  }
0x6f: {  	_ =	shalt  }
0x70: {  	_ =	shalt  }
0x71: {  	_ =	shalt  }
0x72: {  	_ =	shalt  }
0x73: {  	_ =	shalt  }
0x74: {  	_ =	shalt  }
0x75: {  	_ =	shalt  }
0x76: {  	_ =	shalt  }
0x77: {  	_ =	shalt  }
0x78: {  	_ =	shalt  }
0x79: {  	_ =	shalt  }
0x7a: {  	_ =	shalt  }
0x7b: {  	_ =	shalt  }
0x7c: {  	_ =	shalt  }
0x7d: {  	_ =	shalt  }
0x7e: {  	_ =	shalt  }
0x7f: {  	_ =	shalt  }
0x80: {  	_ =	shalt  }
0x81: {  	_ =	shalt  }
0x82: {  	_ =	shalt  }
0x83: {  	_ =	shalt  }
0x84: {  	_ =	shalt  }
0x85: {  	_ =	shalt  }
0x86: {  	_ =	shalt  }
0x87: {  	_ =	shalt  }
.Lfunc_end0:
.L_simem_size_0:
called_computation_lowered:
.L_overlay_start_0:
0x88: {  	s2 =	sld [smem:$0x3FD9]  }
0x89: {  	s3 =	sld [smem:$0x3FFE];
	_ =	sdelay $0x1  }
0x8a: {  	s1 =	srdreg.scid  }
0x8b: {  	s0 =	sand.u32 $0x1, s1  }
0x8c: {  	s16 =	sshll.u32 s0, $0xA;
	s2 =	sadd.s32 s3, s2  }
0x8d: {  	s2 =	sadd.s32 s2, s16  }
0x8e: {  	[smem:$0x3FC5] =	sst s2  }
0x8f: {  	_ = 	snop  }
0x90: {  	(tm) =	ssettm $0x1  }
0x91: {  	s17 =	sld [smem:$0x3FFB];
	_ =	sdelay $0x3  }
0x92: {  	_ =	strace s17  }
0x93: {  	s2 =	sld [smem:$0x3FFC];
	_ =	sdelay $0x3  }
0x94: {  	_ =	strace s2  }
0x95: {  	s2 =	sld [smem:$0x3FFD];
	_ =	sdelay $0x3  }
0x96: {  	_ =	strace s2  }
0x97: {  	_ =	strace $0x8FFFFFFF  }
0x98: {  	s18 =	sld [smem:$0x3FDB];
	_ =	sdelay $0x1  }
0x99: {  	s19 =	simm.s32 $_scs_section_size  }
0x9a: {  	s4 =	simm.s32 $_size__tile_overlayer_lowered;
	s5 =	simm.s32 $_tile_overlayer_lowered  }
0x9b: {  	s22 =	simm.s32 $0x1BFF;
	s21 =	sshll.u32 s5, $0x1;
	s2 =	sadd.s32 s19, s18  }
0x9c: {  	s6 =	simm.s32 $0x0;
	s20 =	sshll.u32 s4, $0x1;
	s4 =	sadd.s32 s21, s2  }
0x9d: {  	[timem:s6], [sflag:s22] =	dma.local [hbm:s4], s20  }
0x9e: {  	_ =	swait.ge [sflag:s22], s20  }
0x9f: {  	s3 =	ssub.s32 $0x0, s20;
	[sflag:s22] =	ssyncset.done $0x0  }
0xa0: {  	[sflag:s22] =	ssyncadd.s32 s3;
	_ =	sdelay $0x1  }
0xa1: {  	s23 =	simm.s32 $0x1B8B  }
0xa2: {  	_ =	swait.ge [sflag:s23], $0x1  }
0xa3: {  	[sflag:s23] =	ssyncset.done $0x0  }
0xa4: {  	s25 =	simm.s32 $0x1B8E;
	s24 =	sld [smem:$0x3FFE];
	[sflag:s23] =	ssyncadd.s32 $0xFFFFFFFF  }
0xa5: {  	s26 =	simm.s32 $execute0_lowered;
	[smem:$0x3FD2] =	sst s25  }
0xa6: {  	s4 =	sshll.u32 s26, $0x1;
	_ =	strace $0x80000046;
	[dreg:$0x1] =	wrdreg $0xFFFFFFFF  }
0xa7: {  	s28 =	simm.s32 $_size_execute0_lowered;
	s2 =	sadd.s32 s2, s4;
	[dreg:$0x0] =	wrdreg $0x0  }
0xa8: {  	s4 =	sshll.u32 s28, $0x1;
	[dreg:$0x2] =	wrdreg s2  }
0xa9: {  	[dreg:$0x3] =	wrdreg s4  }
0xaa: {  	[dreg:$0x4] =	wrdreg $0xC0  }
0xab: {  	_ =	task [dreg:s6], $0x5FFFF  }
0xac: {  	[dreg:$0x1] =	wrdreg $0xFFFFFFFF  }
0xad: {  	[dreg:$0x0] =	wrdreg $0x60  }
0xae: {  	[dreg:$0x2] =	wrdreg s24  }
0xaf: {  	[dreg:$0x3] =	wrdreg $0x9  }
0xb0: {  	_ =	task.clear_ibuf [dreg:s6], $0x4FFFF;
	_ =	strace $0x90000046  }
0xb1: {  	s29 =	simm.s32 $0x9;
	_ =	strace $0x80000048  }
0xb2: {  	_ =	swait.ge [sflag:s29], $0x1  }
0xb3: {  	[sflag:s29] =	ssyncadd.s32 $0xFFFFFFFF  }
0xb4: {  	_ =	strace $0x90000048  }
0xb5: {  	_ =	sfence  }
0xb6: {  	s30 =	sld [smem:$0x0];
	_ =	sdelay $0x2  }
0xb7: {  	s31 =	sshll.u32 s1, $0xD;
	s1 =	sshrl.u32 s1, $0x2  }
0xb8: {  	s3 =	sand.u32 $0x4000, s31;
	s1 =	sadd.s32 s1, s30  }
0xb9: {  	s0 =	sor.u32 s3, s0;
	s1 =	sshll.u32 s1, $0x11  }
0xba: {  	s0 =	sor.u32 s1, s0  }
0xbb: {  	s0 =	sadd.s32 $0x8F2B, s0  }
0xbc: {  	[sflag:s0] =	ssyncadd.remote.s32 $0x1  }
0xbd: {  	_ =	sfence.sel $0xFFFF  }
0xbe: {  	[dreg:$0x0] =	wrdreg $0xFFFFFFFF;
	(pc) =	sbr.abs _section_cstart, $3  }
0xbf: {  	[dreg:$0x1] =	wrdreg $0xFFFFFFFF  }
0xc0: {  	_ =	task.clear_ibuf [dreg:s6], $0x2FFFF;
	_ =	strace $0x9FFFFFFF  }
0xc1: {  	(tm) =	ssettm $0x7FFFFFFF  }
tec
execute0_lowered:
.L_overlay_start_1:
0x0: {  	(tag) =	ssettag $0x1  }
0x1: {  	s0 =	rddreg [dreg:$0x0];
	s2 =	simm.s32 $0x0;
	s1 =	srdreg.scid  }
0x2: {  	s8 =	stileid.u32;
	[smem:$0x7FF] =	sst s2  }
0x3: {  	s3 =	sadd.s32 $0x600, s0;
	s1 =	sand.u32 $0x1, s1;
	s7 =	sadd.s32 $0x4E8600, s0  }
0x4: {  	s5 =	sshll.u32 s8, $0x1;
	s4 =	sadd.s32 $0x274600, s0;
	s8 =	sshll.u32 s8, $0xA  }
0x5: {  	_ =	strace $0x80000047;
	s5 =	sor.u32 s1, s5;
	s9 =	sshll.u32 s1, $0x9  }
0x6: {  	s1 =	ssub.s32 $0x2, s1;
	s6 =	sshll.u32 s5, $0x4;
	s26 =	sor.u32 s9, s8  }
0x7: {  	s28 =	sshrl.u32 s1, $0x1;
	s10 =	sshll.u32 s5, $0x2;
	s0 =	sadd.s32 s6, s0  }
0x8: {  	s6 =	sshrl.u32 s26, $0x3;
	s1 =	ssub.s32 s1, s28;
	s29 =	sor.u32 $0x1, s10  }
0x9: {  	s10 =	sor.u32 $0x2, s10;
	s6 =	sadd.s32 s7, s6;
	s11 =	sshll.u32 s29, $0x7  }
0xa: {  	s12 =	sshll.u32 s10, $0x7;
	s10 =	smul.u32 $0x27400, s10;
	s0 =	sadd.s32 $0x4E8E00, s0  }
0xb: {  	s15 =	smax.u32 s1, $0x1;
	[dreg:$0x2] =	wrdreg s6;
	s6 =	smul.u32 $0x9D000, s5  }
0xc: {  	s11 =	sand.u32 $0x280, s11;
	s5 =	sshllo.u32 s5, $0x2;
	[dreg:$0x6] =	wrdreg s0  }
0xd: {  	s12 =	sand.u32 $0x300, s12;
	[dreg:$0x7] =	wrdreg s15;
	s11 =	sor.u32 s8, s11  }
0xe: {  	s13 =	sshll.u32 s5, $0x7;
	s12 =	sor.u32 s8, s12;
	s24 =	sshrl.u32 s10, $0x3  }
0xf: {  	s11 =	sshrl.u32 s11, $0x3;
	s13 =	sand.u32 $0x380, s13;
	s30 =	sshrl.u32 s12, $0x3  }
0x10: {  	s14 =	sshrl.u32 s6, $0x3;
	s24 =	sadd.s32 s3, s24;
	s11 =	sadd.s32 s7, s11  }
0x11: {  	s31 =	sor.u32 s8, s13;
	s28 =	sadd.s32 $0x10, s24;
	[dreg:$0x3] =	wrdreg s11  }
0x12: {  	s8 =	smul.u32 $0x27400, s29;
	s29 =	sadd.s32 $0x20, s24;
	[dreg:$0x10] =	wrdreg s28  }
0x13: {  	s14 =	sadd.s32 s3, s14;
	s11 =	sadd.s32 s7, s30;
	[dreg:$0x11] =	wrdreg s29  }
0x14: {  	s9 =	simm.s32 $0x9D00;
	s16 =	sadd.s32 $0x10, s14;
	[dreg:$0x4] =	wrdreg s11  }
0x15: {  	s15 =	simm.s32 $0x400;
	s18 =	sadd.s32 $0x20, s14;
	[dreg:$0x8] =	wrdreg s16  }
0x16: {  	s12 =	smul.u32 $0x27400, s5;
	s19 =	sadd.s32 $0x30, s14;
	[dreg:$0x9] =	wrdreg s18  }
0x17: {  	s13 =	sshrl.u32 s31, $0x3;
	s20 =	sadd.s32 $0x40, s14;
	[dreg:$0xa] =	wrdreg s19  }
0x18: {  	s25 =	sshrl.u32 s12, $0x3;
	s30 =	sadd.s32 $0x30, s24;
	[dreg:$0xb] =	wrdreg s20  }
0x19: {  	s31 =	sadd.s32 $0x40, s24;
	s7 =	sadd.s32 s7, s13;
	[dreg:$0x12] =	wrdreg s30  }
0x1a: {  	s17 =	sshrl.u32 s8, $0x3;
	s25 =	sadd.s32 s3, s25;
	[dreg:$0x13] =	wrdreg s31  }
0x1b: {  	s11 =	simm.s32 $0x1;
	s13 =	simm.s32 $0x80;
	s19 =	sadd.s32 s3, s17  }
0x1c: {  	s16 =	simm.s32 $0x4E80;
	[dreg:$0x5] =	wrdreg s7;
	s21 =	sadd.s32 $0x10, s19  }
0x1d: {  	s0 =	sadd.s32 $0x10, s25;
	s22 =	sadd.s32 $0x20, s19;
	[dreg:$0xc] =	wrdreg s21  }
0x1e: {  	s1 =	sadd.s32 $0x20, s25;
	s23 =	sadd.s32 $0x30, s19;
	[dreg:$0xd] =	wrdreg s22  }
0x1f: {  	v0 =	vlaneseq.u32;
	s5 =	sadd.s32 $0x30, s25;
	s26 =	sadd.s32 $0x40, s19;
	[dreg:$0xe] =	wrdreg s23  }
0x20: {  	vm0 =	vcmask $0x310;
	vm1 =	vcmask $0x710;
	vm2 =	vcmask $0xB10;
	s7 =	sadd.s32 $0x40, s25;
	s17 =	simm.s32 $0x0;
	[dreg:$0xf] =	wrdreg s26  }
.LBB2_1:
0x21: {  	s18 =	rddreg [dreg:$0x2]  }
0x22: {  	[tilespmem:s9], [sflag:$0x1] =	stream.linear.gather [hbm4b:s18+s2], $0x80, $0x38;
	[tilespmem:$0x9F00] =	vst v63  }
0x23: {  	_ =	swait.ge [sflag:s11], $0x80  }
0x24: {  	[sflag:s11] =	ssyncset.done $0x0  }
0x25: {  	[sflag:s11] =	ssyncadd.s32 $0xFFFFFF80  }
0x26: {  	v1 =	vld [tilespmem:$0x9D00];
	[tilespmem:s2], [sflag:$0x1] =	stream.strided.gather [hbm4b:s14+s13], $0x4E80, s15, s13, $0x38  }
0x27: {  	_ =	swait.ge [sflag:s11], $0x4E80  }
0x28: {  	[sflag:s11] =	ssyncset.done $0x0  }
0x29: {  	s20 =	simm.s32 $0x20;
	[sflag:s11] =	ssyncadd.s32 $0xFFFFB180  }
0x2a: {  	v3 =	vld [tilespmem:s20+$0xFFFFFFE0]  }
0x2b: {  	v4 =	vld [tilespmem:s20+$0xFFFFFFF0]  }
0x2c: {  	v6 =	vld [tilespmem:s20+$0x0];
	_ =	sdelay $0x1  }
0x2d: {  	v7 =	vimm.f32 $-Inf;
	s18 =	simm.s32 $0x60;
	v5 =	vld [tilespmem:s20+$0x10]  }
0x2e: {  	v2 =	vld [tilespmem:s18+$0x0];
	v7 =	vmax.f32 v7, v3  }
0x2f: {  	v3 =	vld [tilespmem:s18+$0xFFFFFFE0];
	v7 =	vmax.f32 v7, v4  }
0x30: {  	s21 =	simm.s32 $0xA0;
	s20 =	simm.s32 $0x4;
	v4 =	vld [tilespmem:s18+$0xFFFFFFF0];
	v6 =	vmax.f32 v7, v6  }
.LBB2_2:
0x31: {  	s20 =	sadd.s32 $0x4, s20  }
0x32: {  	v7 =	vld [tilespmem:s21+$0x0];
	v6 =	vmax.f32 v6, v5;
	p0 =	slt.u32 s20, $0x4DC  }
.Ltmp0:
0x33: {  	v5 =	vld [tilespmem:s18+$0x10];
	s18 =	smov.u32 s21;
	(pc) =	sbr.rel @p0 .LBB2_2-.Ltmp0, $4  }
0x34: {  	_ = 	snop  }
0x35: {  	v6 =	vmax.f32 v6, v3  }
0x36: {  	v3 =	vld [tilespmem:s21+$0xFFFFFFE0];
	v6 =	vmax.f32 v6, v4  }
0x37: {  	s21 =	sadd.s32 $0x40, s21;
	v4 =	vld [tilespmem:s18+$0xFFFFFFF0];
	v6 =	vmax.f32 v6, v2;
	v2 =	vmov v7  }
0x38: {  	v7 =	vld [tilespmem:s18+$0x10]  }
0x39: {  	v8 =	vld [tilespmem:$0x4E00];
	s31 =	rddreg [dreg:$0x8]  }
0x3a: {  	v9 =	vld [tilespmem:$0x4E10];
	[tilespmem:s2], [sflag:$0x1] =	stream.strided.gather [hbm4b:s31+s13], $0x4E80, s15, s13, $0x38  }
0x3b: {  	_ =	swait.ge [sflag:s11], $0x4E80  }
0x3c: {  	v5 =	vmax.f32 v6, v5;
	[sflag:s11] =	ssyncset.done $0x0  }
0x3d: {  	s20 =	simm.s32 $0x20;
	v3 =	vmax.f32 v5, v3;
	[sflag:s11] =	ssyncadd.s32 $0xFFFFB180  }
0x3e: {  	v3 =	vmax.f32 v3, v4;
	v4 =	vld [tilespmem:s20+$0xFFFFFFE0]  }
0x3f: {  	v2 =	vmax.f32 v3, v2;
	v6 =	vld [tilespmem:s20+$0xFFFFFFF0]  }
0x40: {  	v2 =	vmax.f32 v2, v7;
	v7 =	vld [tilespmem:s20+$0x0]  }
0x41: {  	v2 =	vmax.f32 v2, v8  }
0x42: {  	s18 =	simm.s32 $0x60;
	v5 =	vld [tilespmem:s20+$0x10];
	v3 =	vmax.f32 v2, v9  }
0x43: {  	v2 =	vld [tilespmem:s18+$0x0];
	v4 =	vmax.f32 v3, v4  }
0x44: {  	v3 =	vld [tilespmem:s18+$0xFFFFFFE0];
	v6 =	vmax.f32 v4, v6  }
0x45: {  	s21 =	simm.s32 $0xA0;
	s20 =	simm.s32 $0x4;
	v4 =	vld [tilespmem:s18+$0xFFFFFFF0];
	v6 =	vmax.f32 v6, v7  }
.LBB2_4:
0x46: {  	s20 =	sadd.s32 $0x4, s20  }
0x47: {  	v7 =	vld [tilespmem:s21+$0x0];
	v6 =	vmax.f32 v6, v5;
	p0 =	slt.u32 s20, $0x4DC  }
.Ltmp1:
0x48: {  	v5 =	vld [tilespmem:s18+$0x10];
	s18 =	smov.u32 s21;
	(pc) =	sbr.rel @p0 .LBB2_4-.Ltmp1, $4  }
0x49: {  	_ = 	snop  }
0x4a: {  	v6 =	vmax.f32 v6, v3  }
0x4b: {  	v3 =	vld [tilespmem:s21+$0xFFFFFFE0];
	v6 =	vmax.f32 v6, v4  }
0x4c: {  	s21 =	sadd.s32 $0x40, s21;
	v4 =	vld [tilespmem:s18+$0xFFFFFFF0];
	v6 =	vmax.f32 v6, v2;
	v2 =	vmov v7  }
0x4d: {  	v7 =	vld [tilespmem:s18+$0x10]  }
0x4e: {  	v8 =	vld [tilespmem:$0x4E00];
	s31 =	rddreg [dreg:$0x9]  }
0x4f: {  	v9 =	vld [tilespmem:$0x4E10];
	[tilespmem:s2], [sflag:$0x1] =	stream.strided.gather [hbm4b:s31+s13], $0x4E80, s15, s13, $0x38  }
0x50: {  	_ =	swait.ge [sflag:s11], $0x4E80  }
0x51: {  	v5 =	vmax.f32 v6, v5;
	[sflag:s11] =	ssyncset.done $0x0  }
0x52: {  	s20 =	simm.s32 $0x20;
	v3 =	vmax.f32 v5, v3;
	[sflag:s11] =	ssyncadd.s32 $0xFFFFB180  }
0x53: {  	v3 =	vmax.f32 v3, v4;
	v4 =	vld [tilespmem:s20+$0xFFFFFFE0]  }
0x54: {  	v2 =	vmax.f32 v3, v2;
	v6 =	vld [tilespmem:s20+$0xFFFFFFF0]  }
0x55: {  	v2 =	vmax.f32 v2, v7;
	v7 =	vld [tilespmem:s20+$0x0]  }
0x56: {  	v2 =	vmax.f32 v2, v8  }
0x57: {  	s18 =	simm.s32 $0x60;
	v5 =	vld [tilespmem:s20+$0x10];
	v3 =	vmax.f32 v2, v9  }
0x58: {  	v2 =	vld [tilespmem:s18+$0x0];
	v4 =	vmax.f32 v3, v4  }
0x59: {  	v3 =	vld [tilespmem:s18+$0xFFFFFFE0];
	v6 =	vmax.f32 v4, v6  }
0x5a: {  	s21 =	simm.s32 $0xA0;
	s20 =	simm.s32 $0x4;
	v4 =	vld [tilespmem:s18+$0xFFFFFFF0];
	v6 =	vmax.f32 v6, v7  }
.LBB2_6:
0x5b: {  	s20 =	sadd.s32 $0x4, s20  }
0x5c: {  	v7 =	vld [tilespmem:s21+$0x0];
	v6 =	vmax.f32 v6, v5;
	p0 =	slt.u32 s20, $0x4DC  }
.Ltmp2:
0x5d: {  	v5 =	vld [tilespmem:s18+$0x10];
	s18 =	smov.u32 s21;
	(pc) =	sbr.rel @p0 .LBB2_6-.Ltmp2, $4  }
0x5e: {  	_ = 	snop  }
0x5f: {  	v6 =	vmax.f32 v6, v3  }
0x60: {  	v3 =	vld [tilespmem:s21+$0xFFFFFFE0];
	v6 =	vmax.f32 v6, v4  }
0x61: {  	s21 =	sadd.s32 $0x40, s21;
	v4 =	vld [tilespmem:s18+$0xFFFFFFF0];
	v6 =	vmax.f32 v6, v2;
	v2 =	vmov v7  }
0x62: {  	v7 =	vld [tilespmem:s18+$0x10]  }
0x63: {  	v8 =	vld [tilespmem:$0x4E00];
	s31 =	rddreg [dreg:$0xa]  }
0x64: {  	v9 =	vld [tilespmem:$0x4E10];
	[tilespmem:s2], [sflag:$0x1] =	stream.strided.gather [hbm4b:s31+s13], $0x4E80, s15, s13, $0x38  }
0x65: {  	_ =	swait.ge [sflag:s11], $0x4E80  }
0x66: {  	v5 =	vmax.f32 v6, v5;
	[sflag:s11] =	ssyncset.done $0x0  }
0x67: {  	s20 =	simm.s32 $0x20;
	v3 =	vmax.f32 v5, v3;
	[sflag:s11] =	ssyncadd.s32 $0xFFFFB180  }
0x68: {  	v3 =	vmax.f32 v3, v4;
	v4 =	vld [tilespmem:s20+$0xFFFFFFE0]  }
0x69: {  	v2 =	vmax.f32 v3, v2;
	v6 =	vld [tilespmem:s20+$0xFFFFFFF0]  }
0x6a: {  	v2 =	vmax.f32 v2, v7;
	v7 =	vld [tilespmem:s20+$0x0]  }
0x6b: {  	v2 =	vmax.f32 v2, v8  }
0x6c: {  	s18 =	simm.s32 $0x60;
	v5 =	vld [tilespmem:s20+$0x10];
	v3 =	vmax.f32 v2, v9  }
0x6d: {  	v2 =	vld [tilespmem:s18+$0x0];
	v4 =	vmax.f32 v3, v4  }
0x6e: {  	v3 =	vld [tilespmem:s18+$0xFFFFFFE0];
	v6 =	vmax.f32 v4, v6  }
0x6f: {  	s21 =	simm.s32 $0xA0;
	s20 =	simm.s32 $0x4;
	v4 =	vld [tilespmem:s18+$0xFFFFFFF0];
	v6 =	vmax.f32 v6, v7  }
.LBB2_8:
0x70: {  	s20 =	sadd.s32 $0x4, s20  }
0x71: {  	v7 =	vld [tilespmem:s21+$0x0];
	v6 =	vmax.f32 v6, v5;
	p0 =	slt.u32 s20, $0x4DC  }
.Ltmp3:
0x72: {  	v5 =	vld [tilespmem:s18+$0x10];
	s18 =	smov.u32 s21;
	(pc) =	sbr.rel @p0 .LBB2_8-.Ltmp3, $4  }
0x73: {  	_ = 	snop  }
0x74: {  	v6 =	vmax.f32 v6, v3  }
0x75: {  	v3 =	vld [tilespmem:s21+$0xFFFFFFE0];
	v6 =	vmax.f32 v6, v4  }
0x76: {  	s21 =	sadd.s32 $0x40, s21;
	v4 =	vld [tilespmem:s18+$0xFFFFFFF0];
	v6 =	vmax.f32 v6, v2;
	v2 =	vmov v7  }
0x77: {  	v7 =	vld [tilespmem:s18+$0x10]  }
0x78: {  	v8 =	vld [tilespmem:$0x4E00];
	s31 =	rddreg [dreg:$0xb]  }
0x79: {  	v9 =	vld [tilespmem:$0x4E10];
	[tilespmem:s2], [sflag:$0x1] =	stream.strided.gather [hbm4b:s31+s13], $0x4E80, s15, s13, $0x38  }
0x7a: {  	_ =	swait.ge [sflag:s11], $0x4E80  }
0x7b: {  	v5 =	vmax.f32 v6, v5;
	[sflag:s11] =	ssyncset.done $0x0  }
0x7c: {  	s20 =	simm.s32 $0x20;
	v3 =	vmax.f32 v5, v3;
	[sflag:s11] =	ssyncadd.s32 $0xFFFFB180  }
0x7d: {  	v3 =	vmax.f32 v3, v4;
	v5 =	vld [tilespmem:s20+$0xFFFFFFE0]  }
0x7e: {  	v2 =	vmax.f32 v3, v2;
	v6 =	vld [tilespmem:s20+$0xFFFFFFF0]  }
0x7f: {  	v2 =	vmax.f32 v2, v7;
	v7 =	vld [tilespmem:s20+$0x0]  }
0x80: {  	v2 =	vmax.f32 v2, v8  }
0x81: {  	s18 =	simm.s32 $0x60;
	v4 =	vld [tilespmem:s20+$0x10];
	v3 =	vmax.f32 v2, v9  }
0x82: {  	v2 =	vld [tilespmem:s18+$0x0];
	v5 =	vmax.f32 v3, v5  }
0x83: {  	v3 =	vld [tilespmem:s18+$0xFFFFFFE0];
	v6 =	vmax.f32 v5, v6  }
0x84: {  	s21 =	simm.s32 $0xA0;
	s20 =	simm.s32 $0x4;
	v5 =	vld [tilespmem:s18+$0xFFFFFFF0];
	v6 =	vmax.f32 v6, v7  }
.LBB2_10:
0x85: {  	s20 =	sadd.s32 $0x4, s20  }
0x86: {  	v7 =	vld [tilespmem:s21+$0x0];
	v6 =	vmax.f32 v6, v4;
	p0 =	slt.u32 s20, $0x4DC  }
.Ltmp4:
0x87: {  	v4 =	vld [tilespmem:s18+$0x10];
	s18 =	smov.u32 s21;
	(pc) =	sbr.rel @p0 .LBB2_10-.Ltmp4, $4  }
0x88: {  	_ = 	snop  }
0x89: {  	v6 =	vmax.f32 v6, v3  }
0x8a: {  	v3 =	vld [tilespmem:s21+$0xFFFFFFE0];
	v6 =	vmax.f32 v6, v5  }
0x8b: {  	s21 =	sadd.s32 $0x40, s21;
	v5 =	vld [tilespmem:s18+$0xFFFFFFF0];
	v6 =	vmax.f32 v6, v2;
	v2 =	vmov v7  }
0x8c: {  	_ = 	snop  }
0x8d: {  	v7 =	vld [tilespmem:s18+$0x10]  }
0x8e: {  	v4 =	vmax.f32 v6, v4;
	v6 =	vld [tilespmem:$0x4E00]  }
0x8f: {  	v3 =	vmax.f32 v4, v3;
	v4 =	vld [tilespmem:$0x4E10]  }
0x90: {  	v3 =	vmax.f32 v3, v5  }
0x91: {  	v2 =	vmax.f32 v3, v2  }
0x92: {  	v2 =	vmax.f32 v2, v7  }
0x93: {  	v2 =	vmax.f32 v2, v6  }
0x94: {  	v2 =	vmax.f32 v2, v4  }
0x95: {  	[tilespmem:$0x9E00] =	vst v2  }
0x96: {  	[tilespmem:$0x9E10] =	vst v2  }
0x97: {  	v3 =	vld [tilespmem:$0x9E08];
	_ =	sdelay $0x4  }
0x98: {  	v2 =	vmax.f32 v2, v3  }
0x99: {  	[tilespmem:$0x9E00] =	vst v2  }
0x9a: {  	[tilespmem:$0x9E10] =	vst v2  }
0x9b: {  	v3 =	vld [tilespmem:$0x9E04];
	_ =	sdelay $0x4  }
0x9c: {  	v2 =	vmax.f32 v2, v3  }
0x9d: {  	[tilespmem:$0x9E00] =	vst v2  }
0x9e: {  	[tilespmem:$0x9E10] =	vst v2  }
0x9f: {  	v3 =	vld [tilespmem:$0x9E02];
	_ =	sdelay $0x3  }
0xa0: {  	(erf) = vrcp.f32 v1  }
0xa1: {  	v1 =	vmax.f32 v2, v3  }
0xa2: {  	[tilespmem:$0x9E00] =	vst v1  }
0xa3: {  	[tilespmem:$0x9E10] =	vst v1  }
0xa4: {  	v2 =	vld [tilespmem:$0x9E01];
	_ =	sdelay $0x4  }
0xa5: {  	v2 =	vmax.f32 v1, v2;
	v1 =	vpop (erf)  }
0xa6: {  	v2 =	vmul.f32 v2, v1  }
0xa7: {  	s22 =	simm.s32 $0x0;
	s20 =	simm.s32 $0x0;
	v4 =	vimm.f32 $-Inf;
	v3 =	vimm.s32 $0x0  }
.LBB2_12:
0xa8: {  	s18 =	sshll.u32 s20, $0x7  }
0xa9: {  	s18 =	sadd.s32 s6, s18  }
0xaa: {  	s18 =	sshrl.u32 s18, $0x3  }
0xab: {  	s21 =	sadd.s32 s3, s18  }
0xac: {  	[tilespmem:s2], [sflag:$0x1] =	stream.strided.gather [hbm4b:s21+s13], $0x4E80, s15, s13, $0x38;
	[tilespmem:$0x9F00] =	vst v63  }
0xad: {  	_ =	swait.ge [sflag:s11], $0x4E80  }
0xae: {  	[sflag:s11] =	ssyncset.done $0x0  }
0xaf: {  	s18 =	sadd.s32 s4, s18;
	[sflag:s11] =	ssyncadd.s32 $0xFFFFB180  }
0xb0: {  	[tilespmem:s16], [sflag:$0x1] =	stream.strided.gather [hbm4b:s18+s13], $0x4E80, s15, s13, $0x38;
	[tilespmem:$0x9F00] =	vst v63  }
0xb1: {  	_ =	swait.ge [sflag:s11], $0x4E80  }
0xb2: {  	[sflag:s11] =	ssyncset.done $0x0  }
0xb3: {  	s23 =	simm.s32 $0x4EA0;
	[sflag:s11] =	ssyncadd.s32 $0xFFFFB180  }
0xb4: {  	s26 =	simm.s32 $0x20;
	v5 =	vld [tilespmem:s23+$0xFFFFFFF0]  }
0xb5: {  	v6 =	vld [tilespmem:s26+$0xFFFFFFE0]  }
0xb6: {  	v7 =	vld [tilespmem:s23+$0xFFFFFFE0]  }
0xb7: {  	v8 =	vld [tilespmem:s26+$0xFFFFFFF0]  }
0xb8: {  	v9 =	vld [tilespmem:s26+$0x0];
	_ =	sdelay $0x1  }
0xb9: {  	v10 =	vld [tilespmem:s26+$0x10];
	v6 =	vmul.f32 v6, v1  }
0xba: {  	v11 =	vld [tilespmem:s23+$0x10]  }
0xbb: {  	s29 =	simm.s32 $0x4EE0;
	v12 =	vld [tilespmem:s23+$0x0];
	v8 =	vmul.f32 v8, v1;
	v6 =	vsub.f32 v6, v2  }
0xbc: {  	v14 =	vld [tilespmem:s29+$0xFFFFFFF0];
	v5 =	vmax.f32 v5, $1.000000010e-10;
	v9 =	vmul.f32 v9, v1;
	v7 =	vmax.f32 v7, $1.000000010e-10  }
0xbd: {  	s23 =	simm.s32 $0x60;
	v16 =	vld [tilespmem:s29+$0xFFFFFFE0];
	(erf) = vrcp.f32 v5;
	v5 =	vsub.f32 v8, v2;
	v6 =	vmul.f32 $1.442695020e+00, v6  }
0xbe: {  	v15 =	vld [tilespmem:s23+$0x10];
	v10 =	vmul.f32 v10, v1;
	(erf) = vrcp.f32 v7  }
0xbf: {  	v17 =	vld [tilespmem:s23+$0x0];
	v7 =	vsub.f32 v9, v2;
	v5 =	vmul.f32 $1.442695020e+00, v5;
	(erf) = vpow2.f32 v6  }
0xc0: {  	v18 =	vld [tilespmem:s23+$0xFFFFFFF0];
	v9 =	vsub.f32 v10, v2  }
0xc1: {  	v8 =	vld [tilespmem:s29+$0x0];
	v7 =	vmul.f32 $1.442695020e+00, v7;
	v6 =	vmax.f32 v12, $1.000000010e-10;
	(erf) = vpow2.f32 v5  }
0xc2: {  	v13 =	vld [tilespmem:s29+$0x10];
	(erf) = vrcp.f32 v6  }
0xc3: {  	v9 =	vmul.f32 $1.442695020e+00, v9;
	v5 =	vmax.f32 v11, $1.000000010e-10;
	v11 =	vld [tilespmem:s23+$0xFFFFFFE0];
	(erf) = vpow2.f32 v7  }
0xc4: {  	v14 =	vmax.f32 v14, $1.000000010e-10;
	(erf) = vrcp.f32 v5  }
0xc5: {  	v21 =	vmax.f32 v16, $1.000000010e-10;
	v17 =	vmul.f32 v17, v1;
	(erf) = vpow2.f32 v9  }
0xc6: {  	s30 =	sadd.s32 $0x20, s22;
	v19 =	vmul.f32 v15, v1;
	v15 =	vmul.f32 v18, v1;
	v10 =	vmax.f32 v8, $1.000000010e-10;
	v12 =	vpop (erf)  }
0xc7: {  	s31 =	sadd.s32 $0x30, s22;
	s26 =	sadd.s32 $0x10, s22;
	v8 =	vmax.f32 v13, $1.000000010e-10;
	v6 =	vor.u32 s30, v0;
	v7 =	vor.u32 s22, v0;
	v13 =	vpop (erf)  }
0xc8: {  	v5 =	vor.u32 s31, v0;
	v9 =	vor.u32 s26, v0;
	v20 =	vmul.f32 v11, v1;
	v16 =	vpop (erf)  }
0xc9: {  	s28 =	simm.s32 $0x4F20;
	v11 =	vsub.f32 v19, v2;
	(erf) = vrcp.f32 v14;
	v14 =	vmul.f32 v16, v13  }
0xca: {  	s21 =	smul.u32 $0x4E20, s20;
	s18 =	smov.u32 s22;
	s26 =	simm.s32 $0x4;
	(erf) = vrcp.f32 v21;
	v16 =	vsub.f32 v20, v2;
	v13 =	vsub.f32 v17, v2;
	v17 =	vpop (erf)  }
.LBB2_13:
0xcb: {  	v18 =	vld [tilespmem:s28+$0x10];
	v15 =	vsub.f32 v15, v2;
	vm3 =	vgt.f32 v14, v4;
	v12 =	vmul.f32 v17, v12;
	v17 =	vpop (erf)  }
0xcc: {  	v19 =	vld [tilespmem:s28+$0x0];
	v16 =	vmul.f32 $1.442695020e+00, v16;
	v4 =	vsel vm3, v14, v4;
	v3 =	vsel vm3, v7, v3;
	v7 =	vpop (erf)  }
0xcd: {  	s23 =	sadd.s32 $0x40, s23;
	v14 =	vld [tilespmem:s28+$0xFFFFFFF0];
	v15 =	vmul.f32 $1.442695020e+00, v15;
	vm3 =	vgt.f32 v12, v4;
	v7 =	vmul.f32 v7, v17;
	v17 =	vpop (erf)  }
0xce: {  	v20 =	vld [tilespmem:s23+$0x10];
	(erf) = vpow2.f32 v16;
	v4 =	vsel vm3, v12, v4;
	v3 =	vsel vm3, v9, v3;
	v9 =	vpop (erf)  }
0xcf: {  	v13 =	vmul.f32 $1.442695020e+00, v13;
	v16 =	vld [tilespmem:s28+$0xFFFFFFE0];
	vm3 =	vgt.f32 v7, v4;
	v9 =	vmul.f32 v9, v17  }
0xd0: {  	v17 =	vld [tilespmem:s23+$0x0];
	(erf) = vpow2.f32 v15;
	v4 =	vsel vm3, v7, v4;
	v3 =	vsel vm3, v6, v3  }
0xd1: {  	v11 =	vmul.f32 $1.442695020e+00, v11;
	v15 =	vld [tilespmem:s23+$0xFFFFFFF0];
	(erf) = vrcp.f32 v10;
	vm3 =	vgt.f32 v9, v4  }
0xd2: {  	s26 =	sadd.s32 $0x4, s26;
	s18 =	sadd.s32 $0x40, s18;
	v21 =	vld [tilespmem:s23+$0xFFFFFFE0];
	v12 =	vpop (erf);
	(erf) = vpow2.f32 v13;
	v4 =	vsel vm3, v9, v4;
	v3 =	vsel vm3, v5, v3  }
0xd3: {  	p0 =	slt.u32 s26, $0x4DC;
	s29 =	sadd.s32 $0x20, s18;
	s30 =	sadd.s32 $0x30, s18;
	v7 =	vor.u32 s18, v0;
	v13 =	vpop (erf);
	(erf) = vrcp.f32 v8  }
0xd4: {  	s31 =	sadd.s32 $0x10, s18;
	v6 =	vor.u32 s29, v0;
	v5 =	vor.u32 s30, v0;
	(erf) = vpow2.f32 v11  }
.Ltmp5:
0xd5: {  	v10 =	vmax.f32 v19, $1.000000010e-10;
	v9 =	vor.u32 s31, v0;
	v8 =	vmax.f32 v18, $1.000000010e-10;
	(pc) =	sbr.rel @p0 .LBB2_13-.Ltmp5, $4  }
0xd6: {  	v14 =	vmax.f32 v14, $1.000000010e-10;
	v11 =	vmul.f32 v20, v1;
	v22 =	vmul.f32 v17, v1  }
0xd7: {  	v19 =	vmax.f32 v16, $1.000000010e-10;
	v15 =	vmul.f32 v15, v1;
	v18 =	vmul.f32 v21, v1;
	v16 =	vpop (erf)  }
0xd8: {  	v11 =	vsub.f32 v11, v2;
	(erf) = vrcp.f32 v14;
	v14 =	vmul.f32 v16, v13  }
0xd9: {  	s28 =	sadd.s32 $0x40, s28;
	v13 =	vsub.f32 v22, v2;
	v16 =	vsub.f32 v18, v2;
	(erf) = vrcp.f32 v19;
	v17 =	vpop (erf)  }
0xda: {  	v18 =	vld [tilespmem:$0x4E00]  }
0xdb: {  	v15 =	vsub.f32 v15, v2;
	v16 =	vmul.f32 $1.442695020e+00, v16  }
0xdc: {  	v19 =	vld [tilespmem:$0x4E10]  }
0xdd: {  	v15 =	vmul.f32 $1.442695020e+00, v15;
	(erf) = vpow2.f32 v16  }
0xde: {  	v12 =	vmul.f32 v17, v12;
	v13 =	vmul.f32 $1.442695020e+00, v13  }
0xdf: {  	vm3 =	vgt.f32 v14, v4;
	v44 =	vld [tilespmem:$0x9C80];
	(erf) = vpow2.f32 v15;
	v43 =	vmul.f32 v18, v1  }
0xe0: {  	v45 =	vpop (erf);
	v11 =	vmul.f32 $1.442695020e+00, v11;
	v4 =	vsel vm3, v14, v4;
	(erf) = vrcp.f32 v10  }
0xe1: {  	v49 =	vld [tilespmem:$0x9C90];
	v48 =	vpop (erf);
	v47 =	vmul.f32 v19, v1;
	(erf) = vpow2.f32 v13;
	v46 =	vsub.f32 v43, v2  }
0xe2: {  	vm4 =	vgt.f32 v12, v4;
	v50 =	vpop (erf);
	v15 =	vmul.f32 v48, v45;
	(erf) = vrcp.f32 v8  }
0xe3: {  	v51 =	vpop (erf);
	v16 =	vsub.f32 v47, v2;
	(erf) = vpow2.f32 v11;
	v10 =	vmul.f32 $1.442695020e+00, v46  }
0xe4: {  	v4 =	vsel vm4, v12, v4;
	v53 =	vmax.f32 v44, $1.000000010e-10;
	v52 =	vpop (erf);
	v8 =	vmul.f32 v51, v50  }
0xe5: {  	vm5 =	vgt.f32 v15, v4;
	v55 =	vpop (erf);
	v54 =	vmul.f32 $1.442695020e+00, v16;
	(erf) = vpow2.f32 v10  }
0xe6: {  	v13 =	vmax.f32 v49, $1.000000010e-10;
	v4 =	vsel vm5, v15, v4;
	(erf) = vrcp.f32 v53;
	v56 =	vpop (erf)  }
0xe7: {  	vm6 =	vgt.f32 v8, v4;
	(erf) = vpow2.f32 v54;
	v10 =	vmul.f32 v56, v55  }
0xe8: {  	v4 =	vsel vm6, v8, v4;
	v57 =	vpop (erf);
	(erf) = vrcp.f32 v13  }
0xe9: {  	v3 =	vsel vm3, v7, v3;
	v58 =	vpop (erf);
	v7 =	vmul.f32 v57, v52;
	vm3 =	vgt.f32 v10, v4  }
0xea: {  	v3 =	vsel vm4, v9, v3;
	v59 =	vpop (erf);
	v4 =	vsel vm3, v10, v4  }
0xeb: {  	s18 =	sadd.s32 $0x40, s18;
	v3 =	vsel vm5, v6, v3;
	v6 =	vmul.f32 v59, v58;
	v60 =	vpop (erf);
	vm13 =	vgt.f32 v7, v4  }
0xec: {  	s23 =	sadd.s32 $0x10, s18;
	v3 =	vsel vm6, v5, v3;
	v5 =	vpop (erf);
	v4 =	vsel vm13, v7, v4;
	v7 =	vor.u32 s18, v0  }
0xed: {  	v5 =	vmul.f32 v5, v60;
	v3 =	vsel vm3, v7, v3;
	v7 =	vor.u32 s23, v0  }
0xee: {  	vm14 =	vgt.f32 v6, v4;
	v61 =	vpop (erf)  }
0xef: {  	s20 =	sadd.s32 $0x1, s20;
	v4 =	vsel vm14, v6, v4;
	v6 =	vpop (erf)  }
0xf0: {  	s29 =	sadd.s32 $0x20, s18;
	p0 =	sne.s32 s20, $0x5;
	s18 =	sadd.s32 $0x30, s18;
	v3 =	vsel vm13, v7, v3;
	vm3 =	vgt.f32 v5, v4;
	v6 =	vmul.f32 v61, v6;
	v7 =	vpop (erf)  }
.Ltmp6:
0xf1: {  	v62 =	vor.u32 s29, v0;
	v63 =	vor.u32 s18, v0;
	v4 =	vsel vm3, v5, v4;
	v5 =	vpop (erf);
	(pc) =	sbr.rel @p0 .LBB2_12-.Ltmp6, $4  }
0xf2: {  	s30 =	sadd.s32 $0x4E00, s21;
	v3 =	vsel vm14, v62, v3;
	vm15 =	vgt.f32 v6, v4;
	v5 =	vmul.f32 v7, v5  }
0xf3: {  	s31 =	sadd.s32 $0x4E10, s21;
	v3 =	vsel vm3, v63, v3;
	v7 =	vor.u32 s30, v0;
	v4 =	vsel vm15, v6, v4  }
0xf4: {  	v3 =	vsel vm15, v7, v3;
	v6 =	vor.u32 s31, v0;
	vm3 =	vgt.f32 v5, v4  }
0xf5: {  	s22 =	sadd.s32 $0x4E20, s22;
	v4 =	vsel vm3, v5, v4;
	v3 =	vsel vm3, v6, v3  }
0xf6: {  	[tilespmem:$0x9E00] =	vst v4  }
0xf7: {  	[tilespmem:$0x9E10] =	vst v4  }
0xf8: {  	[tilespmem:$0x9E80] =	vst v3  }
0xf9: {  	[tilespmem:$0x9E90] =	vst v3;
	v1 =	vld [tilespmem:$0x9E08]  }
0xfa: {  	v2 =	vld [tilespmem:$0x9E88];
	_ =	sdelay $0x4  }
0xfb: {  	vm3 =	veq.f32 v1, v4;
	vm4 =	vlt.s32 v2, v3  }
0xfc: {  	vm5 =	vgt.f32 v1, v4;
	vm3 =	vmand vm3, vm4  }
0xfd: {  	vm3 =	vmor vm5, vm3  }
0xfe: {  	v1 =	vsel vm3, v1, v4  }
0xff: {  	[tilespmem:$0x9E00] =	vst v1  }
0x100: {  	v2 =	vsel vm3, v2, v3;
	[tilespmem:$0x9E10] =	vst v1  }
0x101: {  	[tilespmem:$0x9E80] =	vst v2  }
0x102: {  	[tilespmem:$0x9E90] =	vst v2;
	v3 =	vld [tilespmem:$0x9E04]  }
0x103: {  	v4 =	vld [tilespmem:$0x9E84];
	_ =	sdelay $0x4  }
0x104: {  	vm3 =	veq.f32 v3, v1;
	vm12 =	vlt.s32 v4, v2  }
0x105: {  	vm13 =	vgt.f32 v3, v1;
	vm3 =	vmand vm3, vm12  }
0x106: {  	vm3 =	vmor vm13, vm3  }
0x107: {  	v1 =	vsel vm3, v3, v1  }
0x108: {  	[tilespmem:$0x9E00] =	vst v1  }
0x109: {  	v2 =	vsel vm3, v4, v2;
	[tilespmem:$0x9E10] =	vst v1  }
0x10a: {  	[tilespmem:$0x9E80] =	vst v2  }
0x10b: {  	[tilespmem:$0x9E90] =	vst v2;
	v3 =	vld [tilespmem:$0x9E02]  }
0x10c: {  	v4 =	vld [tilespmem:$0x9E82];
	_ =	sdelay $0x4  }
0x10d: {  	vm3 =	veq.f32 v3, v1;
	vm14 =	vlt.s32 v4, v2  }
0x10e: {  	vm15 =	vgt.f32 v3, v1;
	vm3 =	vmand vm3, vm14  }
0x10f: {  	vm3 =	vmor vm15, vm3  }
0x110: {  	v3 =	vsel vm3, v3, v1  }
0x111: {  	[tilespmem:$0x9E00] =	vst v3  }
0x112: {  	v1 =	vsel vm3, v4, v2;
	[tilespmem:$0x9E10] =	vst v3  }
0x113: {  	[tilespmem:$0x9E80] =	vst v1  }
0x114: {  	s18 =	rddreg [dreg:$0x3];
	[tilespmem:$0x9E90] =	vst v1;
	v4 =	vld [tilespmem:$0x9E01]  }
0x115: {  	v2 =	vld [tilespmem:$0x9E81];
	[tilespmem:s9], [sflag:$0x1] =	stream.linear.gather [hbm4b:s18+s2], $0x80, $0x38  }
0x116: {  	_ =	swait.ge [sflag:s11], $0x80  }
0x117: {  	[sflag:s11] =	ssyncset.done $0x0  }
0x118: {  	[sflag:s11] =	ssyncadd.s32 $0xFFFFFF80  }
0x119: {  	v5 =	vld [tilespmem:$0x9D00];
	[tilespmem:s2], [sflag:$0x1] =	stream.strided.gather [hbm4b:s19+s13], $0x4E80, s15, s13, $0x38  }
0x11a: {  	_ =	swait.ge [sflag:s11], $0x4E80  }
0x11b: {  	[sflag:s11] =	ssyncset.done $0x0  }
0x11c: {  	s20 =	simm.s32 $0x20;
	[sflag:s11] =	ssyncadd.s32 $0xFFFFB180  }
0x11d: {  	v7 =	vld [tilespmem:s20+$0xFFFFFFE0]  }
0x11e: {  	v8 =	vld [tilespmem:s20+$0xFFFFFFF0]  }
0x11f: {  	v10 =	vld [tilespmem:s20+$0x0];
	_ =	sdelay $0x1  }
0x120: {  	v11 =	vimm.f32 $-Inf;
	s18 =	simm.s32 $0x60;
	v9 =	vld [tilespmem:s20+$0x10]  }
0x121: {  	v6 =	vld [tilespmem:s18+$0x0];
	v11 =	vmax.f32 v11, v7  }
0x122: {  	v7 =	vld [tilespmem:s18+$0xFFFFFFE0];
	v11 =	vmax.f32 v11, v8  }
0x123: {  	s21 =	simm.s32 $0xA0;
	s20 =	simm.s32 $0x4;
	v8 =	vld [tilespmem:s18+$0xFFFFFFF0];
	v10 =	vmax.f32 v11, v10  }
.LBB2_16:
0x124: {  	s20 =	sadd.s32 $0x4, s20  }
0x125: {  	v11 =	vld [tilespmem:s21+$0x0];
	v10 =	vmax.f32 v10, v9;
	p0 =	slt.u32 s20, $0x4DC  }
.Ltmp7:
0x126: {  	v9 =	vld [tilespmem:s18+$0x10];
	s18 =	smov.u32 s21;
	(pc) =	sbr.rel @p0 .LBB2_16-.Ltmp7, $4  }
0x127: {  	_ = 	snop  }
0x128: {  	v10 =	vmax.f32 v10, v7  }
0x129: {  	v7 =	vld [tilespmem:s21+$0xFFFFFFE0];
	v10 =	vmax.f32 v10, v8  }
0x12a: {  	s21 =	sadd.s32 $0x40, s21;
	v8 =	vld [tilespmem:s18+$0xFFFFFFF0];
	v10 =	vmax.f32 v10, v6;
	v6 =	vmov v11  }
0x12b: {  	v11 =	vld [tilespmem:s18+$0x10]  }
0x12c: {  	v12 =	vld [tilespmem:$0x4E00];
	s31 =	rddreg [dreg:$0xc]  }
0x12d: {  	v13 =	vld [tilespmem:$0x4E10];
	[tilespmem:s2], [sflag:$0x1] =	stream.strided.gather [hbm4b:s31+s13], $0x4E80, s15, s13, $0x38  }
0x12e: {  	_ =	swait.ge [sflag:s11], $0x4E80  }
0x12f: {  	v9 =	vmax.f32 v10, v9;
	[sflag:s11] =	ssyncset.done $0x0  }
0x130: {  	s20 =	simm.s32 $0x20;
	v7 =	vmax.f32 v9, v7;
	[sflag:s11] =	ssyncadd.s32 $0xFFFFB180  }
0x131: {  	v7 =	vmax.f32 v7, v8;
	v8 =	vld [tilespmem:s20+$0xFFFFFFE0]  }
0x132: {  	v6 =	vmax.f32 v7, v6;
	v10 =	vld [tilespmem:s20+$0xFFFFFFF0]  }
0x133: {  	v6 =	vmax.f32 v6, v11;
	v11 =	vld [tilespmem:s20+$0x0]  }
0x134: {  	v6 =	vmax.f32 v6, v12  }
0x135: {  	s18 =	simm.s32 $0x60;
	v9 =	vld [tilespmem:s20+$0x10];
	v7 =	vmax.f32 v6, v13  }
0x136: {  	v6 =	vld [tilespmem:s18+$0x0];
	v8 =	vmax.f32 v7, v8  }
0x137: {  	v7 =	vld [tilespmem:s18+$0xFFFFFFE0];
	v10 =	vmax.f32 v8, v10  }
0x138: {  	s21 =	simm.s32 $0xA0;
	s20 =	simm.s32 $0x4;
	v8 =	vld [tilespmem:s18+$0xFFFFFFF0];
	v10 =	vmax.f32 v10, v11  }
.LBB2_18:
0x139: {  	s20 =	sadd.s32 $0x4, s20  }
0x13a: {  	v11 =	vld [tilespmem:s21+$0x0];
	v10 =	vmax.f32 v10, v9;
	p0 =	slt.u32 s20, $0x4DC  }
.Ltmp8:
0x13b: {  	v9 =	vld [tilespmem:s18+$0x10];
	s18 =	smov.u32 s21;
	(pc) =	sbr.rel @p0 .LBB2_18-.Ltmp8, $4  }
0x13c: {  	_ = 	snop  }
0x13d: {  	v10 =	vmax.f32 v10, v7  }
0x13e: {  	v7 =	vld [tilespmem:s21+$0xFFFFFFE0];
	v10 =	vmax.f32 v10, v8  }
0x13f: {  	s21 =	sadd.s32 $0x40, s21;
	v8 =	vld [tilespmem:s18+$0xFFFFFFF0];
	v10 =	vmax.f32 v10, v6;
	v6 =	vmov v11  }
0x140: {  	v11 =	vld [tilespmem:s18+$0x10]  }
0x141: {  	v12 =	vld [tilespmem:$0x4E00];
	s31 =	rddreg [dreg:$0xd]  }
0x142: {  	v13 =	vld [tilespmem:$0x4E10];
	[tilespmem:s2], [sflag:$0x1] =	stream.strided.gather [hbm4b:s31+s13], $0x4E80, s15, s13, $0x38  }
0x143: {  	_ =	swait.ge [sflag:s11], $0x4E80  }
0x144: {  	v9 =	vmax.f32 v10, v9;
	[sflag:s11] =	ssyncset.done $0x0  }
0x145: {  	s20 =	simm.s32 $0x20;
	v7 =	vmax.f32 v9, v7;
	[sflag:s11] =	ssyncadd.s32 $0xFFFFB180  }
0x146: {  	v7 =	vmax.f32 v7, v8;
	v8 =	vld [tilespmem:s20+$0xFFFFFFE0]  }
0x147: {  	v6 =	vmax.f32 v7, v6;
	v10 =	vld [tilespmem:s20+$0xFFFFFFF0]  }
0x148: {  	v6 =	vmax.f32 v6, v11;
	v11 =	vld [tilespmem:s20+$0x0]  }
0x149: {  	v6 =	vmax.f32 v6, v12  }
0x14a: {  	s18 =	simm.s32 $0x60;
	v9 =	vld [tilespmem:s20+$0x10];
	v7 =	vmax.f32 v6, v13  }
0x14b: {  	v6 =	vld [tilespmem:s18+$0x0];
	v8 =	vmax.f32 v7, v8  }
0x14c: {  	v7 =	vld [tilespmem:s18+$0xFFFFFFE0];
	v10 =	vmax.f32 v8, v10  }
0x14d: {  	s21 =	simm.s32 $0xA0;
	s20 =	simm.s32 $0x4;
	v8 =	vld [tilespmem:s18+$0xFFFFFFF0];
	v10 =	vmax.f32 v10, v11  }
.LBB2_20:
0x14e: {  	s20 =	sadd.s32 $0x4, s20  }
0x14f: {  	v11 =	vld [tilespmem:s21+$0x0];
	v10 =	vmax.f32 v10, v9;
	p0 =	slt.u32 s20, $0x4DC  }
.Ltmp9:
0x150: {  	v9 =	vld [tilespmem:s18+$0x10];
	s18 =	smov.u32 s21;
	(pc) =	sbr.rel @p0 .LBB2_20-.Ltmp9, $4  }
0x151: {  	_ = 	snop  }
0x152: {  	v10 =	vmax.f32 v10, v7  }
0x153: {  	v7 =	vld [tilespmem:s21+$0xFFFFFFE0];
	v10 =	vmax.f32 v10, v8  }
0x154: {  	s21 =	sadd.s32 $0x40, s21;
	v8 =	vld [tilespmem:s18+$0xFFFFFFF0];
	v10 =	vmax.f32 v10, v6;
	v6 =	vmov v11  }
0x155: {  	v11 =	vld [tilespmem:s18+$0x10]  }
0x156: {  	v12 =	vld [tilespmem:$0x4E00];
	s31 =	rddreg [dreg:$0xe]  }
0x157: {  	v13 =	vld [tilespmem:$0x4E10];
	[tilespmem:s2], [sflag:$0x1] =	stream.strided.gather [hbm4b:s31+s13], $0x4E80, s15, s13, $0x38  }
0x158: {  	_ =	swait.ge [sflag:s11], $0x4E80  }
0x159: {  	v9 =	vmax.f32 v10, v9;
	[sflag:s11] =	ssyncset.done $0x0  }
0x15a: {  	s20 =	simm.s32 $0x20;
	v7 =	vmax.f32 v9, v7;
	[sflag:s11] =	ssyncadd.s32 $0xFFFFB180  }
0x15b: {  	v7 =	vmax.f32 v7, v8;
	v8 =	vld [tilespmem:s20+$0xFFFFFFE0]  }
0x15c: {  	v6 =	vmax.f32 v7, v6;
	v10 =	vld [tilespmem:s20+$0xFFFFFFF0]  }
0x15d: {  	v6 =	vmax.f32 v6, v11;
	v11 =	vld [tilespmem:s20+$0x0]  }
0x15e: {  	v6 =	vmax.f32 v6, v12  }
0x15f: {  	s18 =	simm.s32 $0x60;
	v9 =	vld [tilespmem:s20+$0x10];
	v7 =	vmax.f32 v6, v13  }
0x160: {  	v6 =	vld [tilespmem:s18+$0x0];
	v8 =	vmax.f32 v7, v8  }
0x161: {  	v7 =	vld [tilespmem:s18+$0xFFFFFFE0];
	v10 =	vmax.f32 v8, v10  }
0x162: {  	s21 =	simm.s32 $0xA0;
	s20 =	simm.s32 $0x4;
	v8 =	vld [tilespmem:s18+$0xFFFFFFF0];
	v10 =	vmax.f32 v10, v11  }
.LBB2_22:
0x163: {  	s20 =	sadd.s32 $0x4, s20  }
0x164: {  	v11 =	vld [tilespmem:s21+$0x0];
	v10 =	vmax.f32 v10, v9;
	p0 =	slt.u32 s20, $0x4DC  }
.Ltmp10:
0x165: {  	v9 =	vld [tilespmem:s18+$0x10];
	s18 =	smov.u32 s21;
	(pc) =	sbr.rel @p0 .LBB2_22-.Ltmp10, $4  }
0x166: {  	_ = 	snop  }
0x167: {  	v10 =	vmax.f32 v10, v7  }
0x168: {  	v7 =	vld [tilespmem:s21+$0xFFFFFFE0];
	v10 =	vmax.f32 v10, v8  }
0x169: {  	s21 =	sadd.s32 $0x40, s21;
	v8 =	vld [tilespmem:s18+$0xFFFFFFF0];
	v10 =	vmax.f32 v10, v6;
	v6 =	vmov v11  }
0x16a: {  	v11 =	vld [tilespmem:s18+$0x10]  }
0x16b: {  	v12 =	vld [tilespmem:$0x4E00];
	s31 =	rddreg [dreg:$0xf]  }
0x16c: {  	v13 =	vld [tilespmem:$0x4E10];
	[tilespmem:s2], [sflag:$0x1] =	stream.strided.gather [hbm4b:s31+s13], $0x4E80, s15, s13, $0x38  }
0x16d: {  	_ =	swait.ge [sflag:s11], $0x4E80  }
0x16e: {  	v9 =	vmax.f32 v10, v9;
	[sflag:s11] =	ssyncset.done $0x0  }
0x16f: {  	s20 =	simm.s32 $0x20;
	v7 =	vmax.f32 v9, v7;
	[sflag:s11] =	ssyncadd.s32 $0xFFFFB180  }
0x170: {  	v7 =	vmax.f32 v7, v8;
	v9 =	vld [tilespmem:s20+$0xFFFFFFE0]  }
0x171: {  	v6 =	vmax.f32 v7, v6;
	v10 =	vld [tilespmem:s20+$0xFFFFFFF0]  }
0x172: {  	v6 =	vmax.f32 v6, v11;
	v11 =	vld [tilespmem:s20+$0x0]  }
0x173: {  	v6 =	vmax.f32 v6, v12  }
0x174: {  	s18 =	simm.s32 $0x60;
	v8 =	vld [tilespmem:s20+$0x10];
	v7 =	vmax.f32 v6, v13  }
0x175: {  	v6 =	vld [tilespmem:s18+$0x0];
	v9 =	vmax.f32 v7, v9  }
0x176: {  	v7 =	vld [tilespmem:s18+$0xFFFFFFE0];
	v10 =	vmax.f32 v9, v10  }
0x177: {  	s21 =	simm.s32 $0xA0;
	s20 =	simm.s32 $0x4;
	v9 =	vld [tilespmem:s18+$0xFFFFFFF0];
	v10 =	vmax.f32 v10, v11  }
.LBB2_24:
0x178: {  	s20 =	sadd.s32 $0x4, s20  }
0x179: {  	v11 =	vld [tilespmem:s21+$0x0];
	v10 =	vmax.f32 v10, v8;
	p0 =	slt.u32 s20, $0x4DC  }
.Ltmp11:
0x17a: {  	v8 =	vld [tilespmem:s18+$0x10];
	s18 =	smov.u32 s21;
	(pc) =	sbr.rel @p0 .LBB2_24-.Ltmp11, $4  }
0x17b: {  	_ = 	snop  }
0x17c: {  	v10 =	vmax.f32 v10, v7  }
0x17d: {  	v7 =	vld [tilespmem:s21+$0xFFFFFFE0];
	v10 =	vmax.f32 v10, v9  }
0x17e: {  	s21 =	sadd.s32 $0x40, s21;
	v9 =	vld [tilespmem:s18+$0xFFFFFFF0];
	v10 =	vmax.f32 v10, v6;
	v6 =	vmov v11  }
0x17f: {  	_ = 	snop  }
0x180: {  	v11 =	vld [tilespmem:s18+$0x10]  }
0x181: {  	v8 =	vmax.f32 v10, v8;
	v10 =	vld [tilespmem:$0x4E00]  }
0x182: {  	v7 =	vmax.f32 v8, v7;
	v8 =	vld [tilespmem:$0x4E10]  }
0x183: {  	v7 =	vmax.f32 v7, v9  }
0x184: {  	v6 =	vmax.f32 v7, v6  }
0x185: {  	v6 =	vmax.f32 v6, v11  }
0x186: {  	v6 =	vmax.f32 v6, v10  }
0x187: {  	v6 =	vmax.f32 v6, v8  }
0x188: {  	[tilespmem:$0x9E00] =	vst v6  }
0x189: {  	[tilespmem:$0x9E10] =	vst v6  }
0x18a: {  	v7 =	vld [tilespmem:$0x9E08];
	_ =	sdelay $0x4  }
0x18b: {  	v6 =	vmax.f32 v6, v7  }
0x18c: {  	[tilespmem:$0x9E00] =	vst v6  }
0x18d: {  	[tilespmem:$0x9E10] =	vst v6  }
0x18e: {  	v7 =	vld [tilespmem:$0x9E04];
	_ =	sdelay $0x4  }
0x18f: {  	v6 =	vmax.f32 v6, v7  }
0x190: {  	[tilespmem:$0x9E00] =	vst v6  }
0x191: {  	[tilespmem:$0x9E10] =	vst v6  }
0x192: {  	v7 =	vld [tilespmem:$0x9E02];
	_ =	sdelay $0x3  }
0x193: {  	(erf) = vrcp.f32 v5  }
0x194: {  	v5 =	vmax.f32 v6, v7  }
0x195: {  	[tilespmem:$0x9E00] =	vst v5  }
0x196: {  	[tilespmem:$0x9E10] =	vst v5  }
0x197: {  	v6 =	vld [tilespmem:$0x9E01];
	_ =	sdelay $0x4  }
0x198: {  	v6 =	vmax.f32 v5, v6;
	v5 =	vpop (erf)  }
0x199: {  	v6 =	vmul.f32 v6, v5  }
0x19a: {  	s18 =	simm.s32 $0x0;
	s20 =	simm.s32 $0x0;
	v8 =	vimm.f32 $-Inf;
	v7 =	vimm.s32 $0x0  }
.LBB2_26:
0x19b: {  	s21 =	sshll.u32 s20, $0x7  }
0x19c: {  	s21 =	sadd.s32 s8, s21  }
0x19d: {  	s21 =	sshrl.u32 s21, $0x3  }
0x19e: {  	s22 =	sadd.s32 s3, s21  }
0x19f: {  	[tilespmem:s2], [sflag:$0x1] =	stream.strided.gather [hbm4b:s22+s13], $0x4E80, s15, s13, $0x38;
	[tilespmem:$0x9F00] =	vst v63  }
0x1a0: {  	_ =	swait.ge [sflag:s11], $0x4E80  }
0x1a1: {  	[sflag:s11] =	ssyncset.done $0x0  }
0x1a2: {  	s21 =	sadd.s32 s4, s21;
	[sflag:s11] =	ssyncadd.s32 $0xFFFFB180  }
0x1a3: {  	[tilespmem:s16], [sflag:$0x1] =	stream.strided.gather [hbm4b:s21+s13], $0x4E80, s15, s13, $0x38;
	[tilespmem:$0x9F00] =	vst v63  }
0x1a4: {  	_ =	swait.ge [sflag:s11], $0x4E80  }
0x1a5: {  	[sflag:s11] =	ssyncset.done $0x0  }
0x1a6: {  	s23 =	simm.s32 $0x4EA0;
	[sflag:s11] =	ssyncadd.s32 $0xFFFFB180  }
0x1a7: {  	s26 =	simm.s32 $0x20;
	v9 =	vld [tilespmem:s23+$0xFFFFFFF0]  }
0x1a8: {  	v10 =	vld [tilespmem:s26+$0xFFFFFFE0]  }
0x1a9: {  	v11 =	vld [tilespmem:s23+$0xFFFFFFE0]  }
0x1aa: {  	v12 =	vld [tilespmem:s26+$0xFFFFFFF0]  }
0x1ab: {  	v13 =	vld [tilespmem:s26+$0x0];
	_ =	sdelay $0x1  }
0x1ac: {  	v14 =	vld [tilespmem:s26+$0x10];
	v10 =	vmul.f32 v10, v5  }
0x1ad: {  	v15 =	vld [tilespmem:s23+$0x10]  }
0x1ae: {  	s29 =	simm.s32 $0x4EE0;
	v16 =	vld [tilespmem:s23+$0x0];
	v12 =	vmul.f32 v12, v5;
	v10 =	vsub.f32 v10, v6  }
0x1af: {  	v18 =	vld [tilespmem:s29+$0xFFFFFFF0];
	v9 =	vmax.f32 v9, $1.000000010e-10;
	v13 =	vmul.f32 v13, v5;
	v11 =	vmax.f32 v11, $1.000000010e-10  }
0x1b0: {  	s23 =	simm.s32 $0x60;
	v20 =	vld [tilespmem:s29+$0xFFFFFFE0];
	(erf) = vrcp.f32 v9;
	v9 =	vsub.f32 v12, v6;
	v10 =	vmul.f32 $1.442695020e+00, v10  }
0x1b1: {  	v19 =	vld [tilespmem:s23+$0x10];
	v14 =	vmul.f32 v14, v5;
	(erf) = vrcp.f32 v11  }
0x1b2: {  	v21 =	vld [tilespmem:s23+$0x0];
	v11 =	vsub.f32 v13, v6;
	v9 =	vmul.f32 $1.442695020e+00, v9;
	(erf) = vpow2.f32 v10  }
0x1b3: {  	v22 =	vld [tilespmem:s23+$0xFFFFFFF0];
	v13 =	vsub.f32 v14, v6  }
0x1b4: {  	v12 =	vld [tilespmem:s29+$0x0];
	v11 =	vmul.f32 $1.442695020e+00, v11;
	v10 =	vmax.f32 v16, $1.000000010e-10;
	(erf) = vpow2.f32 v9  }
0x1b5: {  	v17 =	vld [tilespmem:s29+$0x10];
	(erf) = vrcp.f32 v10  }
0x1b6: {  	v13 =	vmul.f32 $1.442695020e+00, v13;
	v9 =	vmax.f32 v15, $1.000000010e-10;
	v15 =	vld [tilespmem:s23+$0xFFFFFFE0];
	(erf) = vpow2.f32 v11  }
0x1b7: {  	v18 =	vmax.f32 v18, $1.000000010e-10;
	(erf) = vrcp.f32 v9  }
0x1b8: {  	v25 =	vmax.f32 v20, $1.000000010e-10;
	v21 =	vmul.f32 v21, v5;
	(erf) = vpow2.f32 v13  }
0x1b9: {  	s30 =	sadd.s32 $0x20, s18;
	v23 =	vmul.f32 v19, v5;
	v19 =	vmul.f32 v22, v5;
	v14 =	vmax.f32 v12, $1.000000010e-10;
	v16 =	vpop (erf)  }
0x1ba: {  	s31 =	sadd.s32 $0x30, s18;
	s26 =	sadd.s32 $0x10, s18;
	v12 =	vmax.f32 v17, $1.000000010e-10;
	v10 =	vor.u32 s30, v0;
	v11 =	vor.u32 s18, v0;
	v17 =	vpop (erf)  }
0x1bb: {  	v9 =	vor.u32 s31, v0;
	v13 =	vor.u32 s26, v0;
	v24 =	vmul.f32 v15, v5;
	v20 =	vpop (erf)  }
0x1bc: {  	s28 =	simm.s32 $0x4F20;
	v15 =	vsub.f32 v23, v6;
	(erf) = vrcp.f32 v18;
	v18 =	vmul.f32 v20, v17  }
0x1bd: {  	s22 =	smov.u32 s18;
	s21 =	smul.u32 $0x4E20, s20;
	s26 =	simm.s32 $0x4;
	(erf) = vrcp.f32 v25;
	v20 =	vsub.f32 v24, v6;
	v17 =	vsub.f32 v21, v6;
	v21 =	vpop (erf)  }
.LBB2_27:
0x1be: {  	v22 =	vld [tilespmem:s28+$0x10];
	v19 =	vsub.f32 v19, v6;
	vm3 =	vgt.f32 v18, v8;
	v16 =	vmul.f32 v21, v16;
	v21 =	vpop (erf)  }
0x1bf: {  	v23 =	vld [tilespmem:s28+$0x0];
	v20 =	vmul.f32 $1.442695020e+00, v20;
	v8 =	vsel vm3, v18, v8;
	v7 =	vsel vm3, v11, v7;
	v11 =	vpop (erf)  }
0x1c0: {  	s23 =	sadd.s32 $0x40, s23;
	v18 =	vld [tilespmem:s28+$0xFFFFFFF0];
	v19 =	vmul.f32 $1.442695020e+00, v19;
	vm3 =	vgt.f32 v16, v8;
	v11 =	vmul.f32 v11, v21;
	v21 =	vpop (erf)  }
0x1c1: {  	v24 =	vld [tilespmem:s23+$0x10];
	(erf) = vpow2.f32 v20;
	v8 =	vsel vm3, v16, v8;
	v7 =	vsel vm3, v13, v7;
	v13 =	vpop (erf)  }
0x1c2: {  	v17 =	vmul.f32 $1.442695020e+00, v17;
	v20 =	vld [tilespmem:s28+$0xFFFFFFE0];
	vm3 =	vgt.f32 v11, v8;
	v13 =	vmul.f32 v13, v21  }
0x1c3: {  	v21 =	vld [tilespmem:s23+$0x0];
	(erf) = vpow2.f32 v19;
	v8 =	vsel vm3, v11, v8;
	v7 =	vsel vm3, v10, v7  }
0x1c4: {  	v15 =	vmul.f32 $1.442695020e+00, v15;
	v19 =	vld [tilespmem:s23+$0xFFFFFFF0];
	(erf) = vrcp.f32 v14;
	vm3 =	vgt.f32 v13, v8  }
0x1c5: {  	s26 =	sadd.s32 $0x4, s26;
	s22 =	sadd.s32 $0x40, s22;
	v25 =	vld [tilespmem:s23+$0xFFFFFFE0];
	v16 =	vpop (erf);
	(erf) = vpow2.f32 v17;
	v8 =	vsel vm3, v13, v8;
	v7 =	vsel vm3, v9, v7  }
0x1c6: {  	p0 =	slt.u32 s26, $0x4DC;
	s29 =	sadd.s32 $0x20, s22;
	s30 =	sadd.s32 $0x30, s22;
	v11 =	vor.u32 s22, v0;
	v17 =	vpop (erf);
	(erf) = vrcp.f32 v12  }
0x1c7: {  	s31 =	sadd.s32 $0x10, s22;
	v10 =	vor.u32 s29, v0;
	v9 =	vor.u32 s30, v0;
	(erf) = vpow2.f32 v15  }
.Ltmp12:
0x1c8: {  	v14 =	vmax.f32 v23, $1.000000010e-10;
	v13 =	vor.u32 s31, v0;
	v12 =	vmax.f32 v22, $1.000000010e-10;
	(pc) =	sbr.rel @p0 .LBB2_27-.Ltmp12, $4  }
0x1c9: {  	v18 =	vmax.f32 v18, $1.000000010e-10;
	v15 =	vmul.f32 v24, v5;
	v26 =	vmul.f32 v21, v5  }
0x1ca: {  	v23 =	vmax.f32 v20, $1.000000010e-10;
	v19 =	vmul.f32 v19, v5;
	v22 =	vmul.f32 v25, v5;
	v20 =	vpop (erf)  }
0x1cb: {  	v15 =	vsub.f32 v15, v6;
	(erf) = vrcp.f32 v18;
	v18 =	vmul.f32 v20, v17  }
0x1cc: {  	s28 =	sadd.s32 $0x40, s28;
	v17 =	vsub.f32 v26, v6;
	v20 =	vsub.f32 v22, v6;
	(erf) = vrcp.f32 v23;
	v21 =	vpop (erf)  }
0x1cd: {  	v22 =	vld [tilespmem:$0x4E00]  }
0x1ce: {  	v19 =	vsub.f32 v19, v6;
	v20 =	vmul.f32 $1.442695020e+00, v20  }
0x1cf: {  	v23 =	vld [tilespmem:$0x4E10]  }
0x1d0: {  	v19 =	vmul.f32 $1.442695020e+00, v19;
	(erf) = vpow2.f32 v20  }
0x1d1: {  	v16 =	vmul.f32 v21, v16;
	v17 =	vmul.f32 $1.442695020e+00, v17  }
0x1d2: {  	vm3 =	vgt.f32 v18, v8;
	v44 =	vld [tilespmem:$0x9C80];
	(erf) = vpow2.f32 v19;
	v43 =	vmul.f32 v22, v5  }
0x1d3: {  	v45 =	vpop (erf);
	v15 =	vmul.f32 $1.442695020e+00, v15;
	v8 =	vsel vm3, v18, v8;
	(erf) = vrcp.f32 v14  }
0x1d4: {  	v49 =	vld [tilespmem:$0x9C90];
	v48 =	vpop (erf);
	v47 =	vmul.f32 v23, v5;
	(erf) = vpow2.f32 v17;
	v46 =	vsub.f32 v43, v6  }
0x1d5: {  	vm4 =	vgt.f32 v16, v8;
	v50 =	vpop (erf);
	v19 =	vmul.f32 v48, v45;
	(erf) = vrcp.f32 v12  }
0x1d6: {  	v51 =	vpop (erf);
	v20 =	vsub.f32 v47, v6;
	(erf) = vpow2.f32 v15;
	v14 =	vmul.f32 $1.442695020e+00, v46  }
0x1d7: {  	v8 =	vsel vm4, v16, v8;
	v53 =	vmax.f32 v44, $1.000000010e-10;
	v52 =	vpop (erf);
	v12 =	vmul.f32 v51, v50  }
0x1d8: {  	vm5 =	vgt.f32 v19, v8;
	v55 =	vpop (erf);
	v54 =	vmul.f32 $1.442695020e+00, v20;
	(erf) = vpow2.f32 v14  }
0x1d9: {  	v17 =	vmax.f32 v49, $1.000000010e-10;
	v8 =	vsel vm5, v19, v8;
	(erf) = vrcp.f32 v53;
	v56 =	vpop (erf)  }
0x1da: {  	vm6 =	vgt.f32 v12, v8;
	(erf) = vpow2.f32 v54;
	v14 =	vmul.f32 v56, v55  }
0x1db: {  	v8 =	vsel vm6, v12, v8;
	v57 =	vpop (erf);
	(erf) = vrcp.f32 v17  }
0x1dc: {  	v7 =	vsel vm3, v11, v7;
	v58 =	vpop (erf);
	v11 =	vmul.f32 v57, v52;
	vm3 =	vgt.f32 v14, v8  }
0x1dd: {  	v7 =	vsel vm4, v13, v7;
	v59 =	vpop (erf);
	v8 =	vsel vm3, v14, v8  }
0x1de: {  	s22 =	sadd.s32 $0x40, s22;
	v7 =	vsel vm5, v10, v7;
	v10 =	vmul.f32 v59, v58;
	v60 =	vpop (erf);
	vm13 =	vgt.f32 v11, v8  }
0x1df: {  	s23 =	sadd.s32 $0x10, s22;
	v7 =	vsel vm6, v9, v7;
	v9 =	vpop (erf);
	v8 =	vsel vm13, v11, v8;
	v11 =	vor.u32 s22, v0  }
0x1e0: {  	v9 =	vmul.f32 v9, v60;
	v7 =	vsel vm3, v11, v7;
	v11 =	vor.u32 s23, v0  }
0x1e1: {  	vm14 =	vgt.f32 v10, v8;
	v61 =	vpop (erf)  }
0x1e2: {  	s20 =	sadd.s32 $0x1, s20;
	v8 =	vsel vm14, v10, v8;
	v10 =	vpop (erf)  }
0x1e3: {  	s29 =	sadd.s32 $0x20, s22;
	p0 =	sne.s32 s20, $0x5;
	s22 =	sadd.s32 $0x30, s22;
	v7 =	vsel vm13, v11, v7;
	vm3 =	vgt.f32 v9, v8;
	v10 =	vmul.f32 v61, v10;
	v11 =	vpop (erf)  }
.Ltmp13:
0x1e4: {  	v62 =	vor.u32 s29, v0;
	v63 =	vor.u32 s22, v0;
	v8 =	vsel vm3, v9, v8;
	v9 =	vpop (erf);
	(pc) =	sbr.rel @p0 .LBB2_26-.Ltmp13, $4  }
0x1e5: {  	s30 =	sadd.s32 $0x4E00, s21;
	v7 =	vsel vm14, v62, v7;
	vm15 =	vgt.f32 v10, v8;
	v9 =	vmul.f32 v11, v9  }
0x1e6: {  	s31 =	sadd.s32 $0x4E10, s21;
	v7 =	vsel vm3, v63, v7;
	v11 =	vor.u32 s30, v0;
	v8 =	vsel vm15, v10, v8  }
0x1e7: {  	v7 =	vsel vm15, v11, v7;
	v10 =	vor.u32 s31, v0;
	vm3 =	vgt.f32 v9, v8  }
0x1e8: {  	s18 =	sadd.s32 $0x4E20, s18;
	v8 =	vsel vm3, v9, v8;
	v7 =	vsel vm3, v10, v7  }
0x1e9: {  	[tilespmem:$0x9E00] =	vst v8  }
0x1ea: {  	[tilespmem:$0x9E10] =	vst v8  }
0x1eb: {  	[tilespmem:$0x9E80] =	vst v7  }
0x1ec: {  	[tilespmem:$0x9E90] =	vst v7;
	v5 =	vld [tilespmem:$0x9E08]  }
0x1ed: {  	v6 =	vld [tilespmem:$0x9E88];
	_ =	sdelay $0x4  }
0x1ee: {  	vm3 =	veq.f32 v5, v8;
	vm4 =	vlt.s32 v6, v7  }
0x1ef: {  	vm5 =	vgt.f32 v5, v8;
	vm3 =	vmand vm3, vm4  }
0x1f0: {  	vm3 =	vmor vm5, vm3  }
0x1f1: {  	v5 =	vsel vm3, v5, v8  }
0x1f2: {  	[tilespmem:$0x9E00] =	vst v5  }
0x1f3: {  	v6 =	vsel vm3, v6, v7;
	[tilespmem:$0x9E10] =	vst v5  }
0x1f4: {  	[tilespmem:$0x9E80] =	vst v6  }
0x1f5: {  	[tilespmem:$0x9E90] =	vst v6;
	v7 =	vld [tilespmem:$0x9E04]  }
0x1f6: {  	v8 =	vld [tilespmem:$0x9E84];
	_ =	sdelay $0x4  }
0x1f7: {  	vm3 =	veq.f32 v7, v5;
	vm12 =	vlt.s32 v8, v6  }
0x1f8: {  	vm13 =	vgt.f32 v7, v5;
	vm3 =	vmand vm3, vm12  }
0x1f9: {  	vm3 =	vmor vm13, vm3  }
0x1fa: {  	v5 =	vsel vm3, v7, v5  }
0x1fb: {  	[tilespmem:$0x9E00] =	vst v5  }
0x1fc: {  	v7 =	vsel vm3, v8, v6;
	[tilespmem:$0x9E10] =	vst v5  }
0x1fd: {  	[tilespmem:$0x9E80] =	vst v7  }
0x1fe: {  	[tilespmem:$0x9E90] =	vst v7;
	v6 =	vld [tilespmem:$0x9E02]  }
0x1ff: {  	v8 =	vld [tilespmem:$0x9E82];
	_ =	sdelay $0x4  }
0x200: {  	vm3 =	veq.f32 v6, v5;
	vm14 =	vlt.s32 v8, v7  }
0x201: {  	vm15 =	vgt.f32 v6, v5;
	vm3 =	vmand vm3, vm14  }
0x202: {  	vm3 =	vmor vm15, vm3  }
0x203: {  	v6 =	vsel vm3, v6, v5  }
0x204: {  	[tilespmem:$0x9E00] =	vst v6  }
0x205: {  	v5 =	vsel vm3, v8, v7;
	[tilespmem:$0x9E10] =	vst v6  }
0x206: {  	[tilespmem:$0x9E80] =	vst v5  }
0x207: {  	s18 =	rddreg [dreg:$0x4];
	[tilespmem:$0x9E90] =	vst v5;
	v8 =	vld [tilespmem:$0x9E01]  }
0x208: {  	v7 =	vld [tilespmem:$0x9E81];
	[tilespmem:s9], [sflag:$0x1] =	stream.linear.gather [hbm4b:s18+s2], $0x80, $0x38  }
0x209: {  	_ =	swait.ge [sflag:s11], $0x80  }
0x20a: {  	[sflag:s11] =	ssyncset.done $0x0  }
0x20b: {  	[sflag:s11] =	ssyncadd.s32 $0xFFFFFF80  }
0x20c: {  	v9 =	vld [tilespmem:$0x9D00];
	[tilespmem:s2], [sflag:$0x1] =	stream.strided.gather [hbm4b:s24+s13], $0x4E80, s15, s13, $0x38  }
0x20d: {  	_ =	swait.ge [sflag:s11], $0x4E80  }
0x20e: {  	[sflag:s11] =	ssyncset.done $0x0  }
0x20f: {  	s20 =	simm.s32 $0x20;
	[sflag:s11] =	ssyncadd.s32 $0xFFFFB180  }
0x210: {  	v11 =	vld [tilespmem:s20+$0xFFFFFFE0]  }
0x211: {  	v12 =	vld [tilespmem:s20+$0xFFFFFFF0]  }
0x212: {  	v14 =	vld [tilespmem:s20+$0x0];
	_ =	sdelay $0x1  }
0x213: {  	v15 =	vimm.f32 $-Inf;
	s18 =	simm.s32 $0x60;
	v13 =	vld [tilespmem:s20+$0x10]  }
0x214: {  	v10 =	vld [tilespmem:s18+$0x0];
	v15 =	vmax.f32 v15, v11  }
0x215: {  	v11 =	vld [tilespmem:s18+$0xFFFFFFE0];
	v15 =	vmax.f32 v15, v12  }
0x216: {  	s21 =	simm.s32 $0xA0;
	s20 =	simm.s32 $0x4;
	v12 =	vld [tilespmem:s18+$0xFFFFFFF0];
	v14 =	vmax.f32 v15, v14  }
.LBB2_30:
0x217: {  	s20 =	sadd.s32 $0x4, s20  }
0x218: {  	v15 =	vld [tilespmem:s21+$0x0];
	v14 =	vmax.f32 v14, v13;
	p0 =	slt.u32 s20, $0x4DC  }
.Ltmp14:
0x219: {  	v13 =	vld [tilespmem:s18+$0x10];
	s18 =	smov.u32 s21;
	(pc) =	sbr.rel @p0 .LBB2_30-.Ltmp14, $4  }
0x21a: {  	_ = 	snop  }
0x21b: {  	v14 =	vmax.f32 v14, v11  }
0x21c: {  	v11 =	vld [tilespmem:s21+$0xFFFFFFE0];
	v14 =	vmax.f32 v14, v12  }
0x21d: {  	s21 =	sadd.s32 $0x40, s21;
	v12 =	vld [tilespmem:s18+$0xFFFFFFF0];
	v14 =	vmax.f32 v14, v10;
	v10 =	vmov v15  }
0x21e: {  	v15 =	vld [tilespmem:s18+$0x10]  }
0x21f: {  	v16 =	vld [tilespmem:$0x4E00];
	s31 =	rddreg [dreg:$0x10]  }
0x220: {  	v17 =	vld [tilespmem:$0x4E10];
	[tilespmem:s2], [sflag:$0x1] =	stream.strided.gather [hbm4b:s31+s13], $0x4E80, s15, s13, $0x38  }
0x221: {  	_ =	swait.ge [sflag:s11], $0x4E80  }
0x222: {  	v13 =	vmax.f32 v14, v13;
	[sflag:s11] =	ssyncset.done $0x0  }
0x223: {  	s20 =	simm.s32 $0x20;
	v11 =	vmax.f32 v13, v11;
	[sflag:s11] =	ssyncadd.s32 $0xFFFFB180  }
0x224: {  	v11 =	vmax.f32 v11, v12;
	v12 =	vld [tilespmem:s20+$0xFFFFFFE0]  }
0x225: {  	v10 =	vmax.f32 v11, v10;
	v14 =	vld [tilespmem:s20+$0xFFFFFFF0]  }
0x226: {  	v10 =	vmax.f32 v10, v15;
	v15 =	vld [tilespmem:s20+$0x0]  }
0x227: {  	v10 =	vmax.f32 v10, v16  }
0x228: {  	s18 =	simm.s32 $0x60;
	v13 =	vld [tilespmem:s20+$0x10];
	v11 =	vmax.f32 v10, v17  }
0x229: {  	v10 =	vld [tilespmem:s18+$0x0];
	v12 =	vmax.f32 v11, v12  }
0x22a: {  	v11 =	vld [tilespmem:s18+$0xFFFFFFE0];
	v14 =	vmax.f32 v12, v14  }
0x22b: {  	s21 =	simm.s32 $0xA0;
	s20 =	simm.s32 $0x4;
	v12 =	vld [tilespmem:s18+$0xFFFFFFF0];
	v14 =	vmax.f32 v14, v15  }
.LBB2_32:
0x22c: {  	s20 =	sadd.s32 $0x4, s20  }
0x22d: {  	v15 =	vld [tilespmem:s21+$0x0];
	v14 =	vmax.f32 v14, v13;
	p0 =	slt.u32 s20, $0x4DC  }
.Ltmp15:
0x22e: {  	v13 =	vld [tilespmem:s18+$0x10];
	s18 =	smov.u32 s21;
	(pc) =	sbr.rel @p0 .LBB2_32-.Ltmp15, $4  }
0x22f: {  	_ = 	snop  }
0x230: {  	v14 =	vmax.f32 v14, v11  }
0x231: {  	v11 =	vld [tilespmem:s21+$0xFFFFFFE0];
	v14 =	vmax.f32 v14, v12  }
0x232: {  	s21 =	sadd.s32 $0x40, s21;
	v12 =	vld [tilespmem:s18+$0xFFFFFFF0];
	v14 =	vmax.f32 v14, v10;
	v10 =	vmov v15  }
0x233: {  	v15 =	vld [tilespmem:s18+$0x10]  }
0x234: {  	v16 =	vld [tilespmem:$0x4E00];
	s31 =	rddreg [dreg:$0x11]  }
0x235: {  	v17 =	vld [tilespmem:$0x4E10];
	[tilespmem:s2], [sflag:$0x1] =	stream.strided.gather [hbm4b:s31+s13], $0x4E80, s15, s13, $0x38  }
0x236: {  	_ =	swait.ge [sflag:s11], $0x4E80  }
0x237: {  	v13 =	vmax.f32 v14, v13;
	[sflag:s11] =	ssyncset.done $0x0  }
0x238: {  	s20 =	simm.s32 $0x20;
	v11 =	vmax.f32 v13, v11;
	[sflag:s11] =	ssyncadd.s32 $0xFFFFB180  }
0x239: {  	v11 =	vmax.f32 v11, v12;
	v12 =	vld [tilespmem:s20+$0xFFFFFFE0]  }
0x23a: {  	v10 =	vmax.f32 v11, v10;
	v14 =	vld [tilespmem:s20+$0xFFFFFFF0]  }
0x23b: {  	v10 =	vmax.f32 v10, v15;
	v15 =	vld [tilespmem:s20+$0x0]  }
0x23c: {  	v10 =	vmax.f32 v10, v16  }
0x23d: {  	s18 =	simm.s32 $0x60;
	v13 =	vld [tilespmem:s20+$0x10];
	v11 =	vmax.f32 v10, v17  }
0x23e: {  	v10 =	vld [tilespmem:s18+$0x0];
	v12 =	vmax.f32 v11, v12  }
0x23f: {  	v11 =	vld [tilespmem:s18+$0xFFFFFFE0];
	v14 =	vmax.f32 v12, v14  }
0x240: {  	s21 =	simm.s32 $0xA0;
	s20 =	simm.s32 $0x4;
	v12 =	vld [tilespmem:s18+$0xFFFFFFF0];
	v14 =	vmax.f32 v14, v15  }
.LBB2_34:
0x241: {  	s20 =	sadd.s32 $0x4, s20  }
0x242: {  	v15 =	vld [tilespmem:s21+$0x0];
	v14 =	vmax.f32 v14, v13;
	p0 =	slt.u32 s20, $0x4DC  }
.Ltmp16:
0x243: {  	v13 =	vld [tilespmem:s18+$0x10];
	s18 =	smov.u32 s21;
	(pc) =	sbr.rel @p0 .LBB2_34-.Ltmp16, $4  }
0x244: {  	_ = 	snop  }
0x245: {  	v14 =	vmax.f32 v14, v11  }
0x246: {  	v11 =	vld [tilespmem:s21+$0xFFFFFFE0];
	v14 =	vmax.f32 v14, v12  }
0x247: {  	s21 =	sadd.s32 $0x40, s21;
	v12 =	vld [tilespmem:s18+$0xFFFFFFF0];
	v14 =	vmax.f32 v14, v10;
	v10 =	vmov v15  }
0x248: {  	v15 =	vld [tilespmem:s18+$0x10]  }
0x249: {  	v16 =	vld [tilespmem:$0x4E00];
	s31 =	rddreg [dreg:$0x12]  }
0x24a: {  	v17 =	vld [tilespmem:$0x4E10];
	[tilespmem:s2], [sflag:$0x1] =	stream.strided.gather [hbm4b:s31+s13], $0x4E80, s15, s13, $0x38  }
0x24b: {  	_ =	swait.ge [sflag:s11], $0x4E80  }
0x24c: {  	v13 =	vmax.f32 v14, v13;
	[sflag:s11] =	ssyncset.done $0x0  }
0x24d: {  	s20 =	simm.s32 $0x20;
	v11 =	vmax.f32 v13, v11;
	[sflag:s11] =	ssyncadd.s32 $0xFFFFB180  }
0x24e: {  	v11 =	vmax.f32 v11, v12;
	v12 =	vld [tilespmem:s20+$0xFFFFFFE0]  }
0x24f: {  	v10 =	vmax.f32 v11, v10;
	v14 =	vld [tilespmem:s20+$0xFFFFFFF0]  }
0x250: {  	v10 =	vmax.f32 v10, v15;
	v15 =	vld [tilespmem:s20+$0x0]  }
0x251: {  	v10 =	vmax.f32 v10, v16  }
0x252: {  	s18 =	simm.s32 $0x60;
	v13 =	vld [tilespmem:s20+$0x10];
	v11 =	vmax.f32 v10, v17  }
0x253: {  	v10 =	vld [tilespmem:s18+$0x0];
	v12 =	vmax.f32 v11, v12  }
0x254: {  	v11 =	vld [tilespmem:s18+$0xFFFFFFE0];
	v14 =	vmax.f32 v12, v14  }
0x255: {  	s21 =	simm.s32 $0xA0;
	s20 =	simm.s32 $0x4;
	v12 =	vld [tilespmem:s18+$0xFFFFFFF0];
	v14 =	vmax.f32 v14, v15  }
.LBB2_36:
0x256: {  	s20 =	sadd.s32 $0x4, s20  }
0x257: {  	v15 =	vld [tilespmem:s21+$0x0];
	v14 =	vmax.f32 v14, v13;
	p0 =	slt.u32 s20, $0x4DC  }
.Ltmp17:
0x258: {  	v13 =	vld [tilespmem:s18+$0x10];
	s18 =	smov.u32 s21;
	(pc) =	sbr.rel @p0 .LBB2_36-.Ltmp17, $4  }
0x259: {  	_ = 	snop  }
0x25a: {  	v14 =	vmax.f32 v14, v11  }
0x25b: {  	v11 =	vld [tilespmem:s21+$0xFFFFFFE0];
	v14 =	vmax.f32 v14, v12  }
0x25c: {  	s21 =	sadd.s32 $0x40, s21;
	v12 =	vld [tilespmem:s18+$0xFFFFFFF0];
	v14 =	vmax.f32 v14, v10;
	v10 =	vmov v15  }
0x25d: {  	v15 =	vld [tilespmem:s18+$0x10]  }
0x25e: {  	v16 =	vld [tilespmem:$0x4E00];
	s31 =	rddreg [dreg:$0x13]  }
0x25f: {  	v17 =	vld [tilespmem:$0x4E10];
	[tilespmem:s2], [sflag:$0x1] =	stream.strided.gather [hbm4b:s31+s13], $0x4E80, s15, s13, $0x38  }
0x260: {  	_ =	swait.ge [sflag:s11], $0x4E80  }
0x261: {  	v13 =	vmax.f32 v14, v13;
	[sflag:s11] =	ssyncset.done $0x0  }
0x262: {  	s20 =	simm.s32 $0x20;
	v11 =	vmax.f32 v13, v11;
	[sflag:s11] =	ssyncadd.s32 $0xFFFFB180  }
0x263: {  	v11 =	vmax.f32 v11, v12;
	v13 =	vld [tilespmem:s20+$0xFFFFFFE0]  }
0x264: {  	v10 =	vmax.f32 v11, v10;
	v14 =	vld [tilespmem:s20+$0xFFFFFFF0]  }
0x265: {  	v10 =	vmax.f32 v10, v15;
	v15 =	vld [tilespmem:s20+$0x0]  }
0x266: {  	v10 =	vmax.f32 v10, v16  }
0x267: {  	s18 =	simm.s32 $0x60;
	v12 =	vld [tilespmem:s20+$0x10];
	v11 =	vmax.f32 v10, v17  }
0x268: {  	v10 =	vld [tilespmem:s18+$0x0];
	v13 =	vmax.f32 v11, v13  }
0x269: {  	v11 =	vld [tilespmem:s18+$0xFFFFFFE0];
	v14 =	vmax.f32 v13, v14  }
0x26a: {  	s21 =	simm.s32 $0xA0;
	s20 =	simm.s32 $0x4;
	v13 =	vld [tilespmem:s18+$0xFFFFFFF0];
	v14 =	vmax.f32 v14, v15  }
.LBB2_38:
0x26b: {  	s20 =	sadd.s32 $0x4, s20  }
0x26c: {  	v15 =	vld [tilespmem:s21+$0x0];
	v14 =	vmax.f32 v14, v12;
	p0 =	slt.u32 s20, $0x4DC  }
.Ltmp18:
0x26d: {  	v12 =	vld [tilespmem:s18+$0x10];
	s18 =	smov.u32 s21;
	(pc) =	sbr.rel @p0 .LBB2_38-.Ltmp18, $4  }
0x26e: {  	_ = 	snop  }
0x26f: {  	v14 =	vmax.f32 v14, v11  }
0x270: {  	v11 =	vld [tilespmem:s21+$0xFFFFFFE0];
	v14 =	vmax.f32 v14, v13  }
0x271: {  	s21 =	sadd.s32 $0x40, s21;
	v13 =	vld [tilespmem:s18+$0xFFFFFFF0];
	v14 =	vmax.f32 v14, v10;
	v10 =	vmov v15  }
0x272: {  	_ = 	snop  }
0x273: {  	v15 =	vld [tilespmem:s18+$0x10]  }
0x274: {  	v12 =	vmax.f32 v14, v12;
	v14 =	vld [tilespmem:$0x4E00]  }
0x275: {  	v11 =	vmax.f32 v12, v11;
	v12 =	vld [tilespmem:$0x4E10]  }
0x276: {  	v11 =	vmax.f32 v11, v13  }
0x277: {  	v10 =	vmax.f32 v11, v10  }
0x278: {  	v10 =	vmax.f32 v10, v15  }
0x279: {  	v10 =	vmax.f32 v10, v14  }
0x27a: {  	v10 =	vmax.f32 v10, v12  }
0x27b: {  	[tilespmem:$0x9E00] =	vst v10  }
0x27c: {  	[tilespmem:$0x9E10] =	vst v10  }
0x27d: {  	v11 =	vld [tilespmem:$0x9E08];
	_ =	sdelay $0x4  }
0x27e: {  	v10 =	vmax.f32 v10, v11  }
0x27f: {  	[tilespmem:$0x9E00] =	vst v10  }
0x280: {  	[tilespmem:$0x9E10] =	vst v10  }
0x281: {  	v11 =	vld [tilespmem:$0x9E04];
	_ =	sdelay $0x4  }
0x282: {  	v10 =	vmax.f32 v10, v11  }
0x283: {  	[tilespmem:$0x9E00] =	vst v10  }
0x284: {  	[tilespmem:$0x9E10] =	vst v10  }
0x285: {  	v11 =	vld [tilespmem:$0x9E02];
	_ =	sdelay $0x3  }
0x286: {  	(erf) = vrcp.f32 v9  }
0x287: {  	v9 =	vmax.f32 v10, v11  }
0x288: {  	[tilespmem:$0x9E00] =	vst v9  }
0x289: {  	[tilespmem:$0x9E10] =	vst v9  }
0x28a: {  	v10 =	vld [tilespmem:$0x9E01];
	_ =	sdelay $0x4  }
0x28b: {  	v10 =	vmax.f32 v9, v10;
	v9 =	vpop (erf)  }
0x28c: {  	v10 =	vmul.f32 v10, v9  }
0x28d: {  	s18 =	simm.s32 $0x0;
	s20 =	simm.s32 $0x0;
	v12 =	vimm.f32 $-Inf;
	v11 =	vimm.s32 $0x0  }
.LBB2_40:
0x28e: {  	s21 =	sshll.u32 s20, $0x7  }
0x28f: {  	s21 =	sadd.s32 s10, s21  }
0x290: {  	s21 =	sshrl.u32 s21, $0x3  }
0x291: {  	s22 =	sadd.s32 s3, s21  }
0x292: {  	[tilespmem:s2], [sflag:$0x1] =	stream.strided.gather [hbm4b:s22+s13], $0x4E80, s15, s13, $0x38;
	[tilespmem:$0x9F00] =	vst v63  }
0x293: {  	_ =	swait.ge [sflag:s11], $0x4E80  }
0x294: {  	[sflag:s11] =	ssyncset.done $0x0  }
0x295: {  	s21 =	sadd.s32 s4, s21;
	[sflag:s11] =	ssyncadd.s32 $0xFFFFB180  }
0x296: {  	[tilespmem:s16], [sflag:$0x1] =	stream.strided.gather [hbm4b:s21+s13], $0x4E80, s15, s13, $0x38;
	[tilespmem:$0x9F00] =	vst v63  }
0x297: {  	_ =	swait.ge [sflag:s11], $0x4E80  }
0x298: {  	[sflag:s11] =	ssyncset.done $0x0  }
0x299: {  	s23 =	simm.s32 $0x4EA0;
	[sflag:s11] =	ssyncadd.s32 $0xFFFFB180  }
0x29a: {  	s26 =	simm.s32 $0x20;
	v13 =	vld [tilespmem:s23+$0xFFFFFFF0]  }
0x29b: {  	v14 =	vld [tilespmem:s26+$0xFFFFFFE0]  }
0x29c: {  	v15 =	vld [tilespmem:s23+$0xFFFFFFE0]  }
0x29d: {  	v16 =	vld [tilespmem:s26+$0xFFFFFFF0]  }
0x29e: {  	v17 =	vld [tilespmem:s26+$0x0];
	_ =	sdelay $0x1  }
0x29f: {  	v18 =	vld [tilespmem:s26+$0x10];
	v14 =	vmul.f32 v14, v9  }
0x2a0: {  	v19 =	vld [tilespmem:s23+$0x10]  }
0x2a1: {  	s29 =	simm.s32 $0x4EE0;
	v20 =	vld [tilespmem:s23+$0x0];
	v16 =	vmul.f32 v16, v9;
	v14 =	vsub.f32 v14, v10  }
0x2a2: {  	v22 =	vld [tilespmem:s29+$0xFFFFFFF0];
	v13 =	vmax.f32 v13, $1.000000010e-10;
	v17 =	vmul.f32 v17, v9;
	v15 =	vmax.f32 v15, $1.000000010e-10  }
0x2a3: {  	s23 =	simm.s32 $0x60;
	v24 =	vld [tilespmem:s29+$0xFFFFFFE0];
	(erf) = vrcp.f32 v13;
	v13 =	vsub.f32 v16, v10;
	v14 =	vmul.f32 $1.442695020e+00, v14  }
0x2a4: {  	v23 =	vld [tilespmem:s23+$0x10];
	v18 =	vmul.f32 v18, v9;
	(erf) = vrcp.f32 v15  }
0x2a5: {  	v25 =	vld [tilespmem:s23+$0x0];
	v15 =	vsub.f32 v17, v10;
	v13 =	vmul.f32 $1.442695020e+00, v13;
	(erf) = vpow2.f32 v14  }
0x2a6: {  	v26 =	vld [tilespmem:s23+$0xFFFFFFF0];
	v17 =	vsub.f32 v18, v10  }
0x2a7: {  	v16 =	vld [tilespmem:s29+$0x0];
	v15 =	vmul.f32 $1.442695020e+00, v15;
	v14 =	vmax.f32 v20, $1.000000010e-10;
	(erf) = vpow2.f32 v13  }
0x2a8: {  	v21 =	vld [tilespmem:s29+$0x10];
	(erf) = vrcp.f32 v14  }
0x2a9: {  	v17 =	vmul.f32 $1.442695020e+00, v17;
	v13 =	vmax.f32 v19, $1.000000010e-10;
	v19 =	vld [tilespmem:s23+$0xFFFFFFE0];
	(erf) = vpow2.f32 v15  }
0x2aa: {  	v22 =	vmax.f32 v22, $1.000000010e-10;
	(erf) = vrcp.f32 v13  }
0x2ab: {  	v29 =	vmax.f32 v24, $1.000000010e-10;
	v25 =	vmul.f32 v25, v9;
	(erf) = vpow2.f32 v17  }
0x2ac: {  	s30 =	sadd.s32 $0x20, s18;
	v27 =	vmul.f32 v23, v9;
	v23 =	vmul.f32 v26, v9;
	v18 =	vmax.f32 v16, $1.000000010e-10;
	v20 =	vpop (erf)  }
0x2ad: {  	s31 =	sadd.s32 $0x30, s18;
	s26 =	sadd.s32 $0x10, s18;
	v16 =	vmax.f32 v21, $1.000000010e-10;
	v14 =	vor.u32 s30, v0;
	v15 =	vor.u32 s18, v0;
	v21 =	vpop (erf)  }
0x2ae: {  	v13 =	vor.u32 s31, v0;
	v17 =	vor.u32 s26, v0;
	v28 =	vmul.f32 v19, v9;
	v24 =	vpop (erf)  }
0x2af: {  	s28 =	simm.s32 $0x4F20;
	v19 =	vsub.f32 v27, v10;
	(erf) = vrcp.f32 v22;
	v22 =	vmul.f32 v24, v21  }
0x2b0: {  	s22 =	smov.u32 s18;
	s21 =	smul.u32 $0x4E20, s20;
	s26 =	simm.s32 $0x4;
	(erf) = vrcp.f32 v29;
	v24 =	vsub.f32 v28, v10;
	v21 =	vsub.f32 v25, v10;
	v25 =	vpop (erf)  }
.LBB2_41:
0x2b1: {  	v26 =	vld [tilespmem:s28+$0x10];
	v23 =	vsub.f32 v23, v10;
	vm3 =	vgt.f32 v22, v12;
	v20 =	vmul.f32 v25, v20;
	v25 =	vpop (erf)  }
0x2b2: {  	v27 =	vld [tilespmem:s28+$0x0];
	v24 =	vmul.f32 $1.442695020e+00, v24;
	v12 =	vsel vm3, v22, v12;
	v11 =	vsel vm3, v15, v11;
	v15 =	vpop (erf)  }
0x2b3: {  	s23 =	sadd.s32 $0x40, s23;
	v22 =	vld [tilespmem:s28+$0xFFFFFFF0];
	v23 =	vmul.f32 $1.442695020e+00, v23;
	vm3 =	vgt.f32 v20, v12;
	v15 =	vmul.f32 v15, v25;
	v25 =	vpop (erf)  }
0x2b4: {  	v28 =	vld [tilespmem:s23+$0x10];
	(erf) = vpow2.f32 v24;
	v12 =	vsel vm3, v20, v12;
	v11 =	vsel vm3, v17, v11;
	v17 =	vpop (erf)  }
0x2b5: {  	v21 =	vmul.f32 $1.442695020e+00, v21;
	v24 =	vld [tilespmem:s28+$0xFFFFFFE0];
	vm3 =	vgt.f32 v15, v12;
	v17 =	vmul.f32 v17, v25  }
0x2b6: {  	v25 =	vld [tilespmem:s23+$0x0];
	(erf) = vpow2.f32 v23;
	v12 =	vsel vm3, v15, v12;
	v11 =	vsel vm3, v14, v11  }
0x2b7: {  	v19 =	vmul.f32 $1.442695020e+00, v19;
	v23 =	vld [tilespmem:s23+$0xFFFFFFF0];
	(erf) = vrcp.f32 v18;
	vm3 =	vgt.f32 v17, v12  }
0x2b8: {  	s26 =	sadd.s32 $0x4, s26;
	s22 =	sadd.s32 $0x40, s22;
	v29 =	vld [tilespmem:s23+$0xFFFFFFE0];
	v20 =	vpop (erf);
	(erf) = vpow2.f32 v21;
	v12 =	vsel vm3, v17, v12;
	v11 =	vsel vm3, v13, v11  }
0x2b9: {  	p0 =	slt.u32 s26, $0x4DC;
	s29 =	sadd.s32 $0x20, s22;
	s30 =	sadd.s32 $0x30, s22;
	v15 =	vor.u32 s22, v0;
	v21 =	vpop (erf);
	(erf) = vrcp.f32 v16  }
0x2ba: {  	s31 =	sadd.s32 $0x10, s22;
	v14 =	vor.u32 s29, v0;
	v13 =	vor.u32 s30, v0;
	(erf) = vpow2.f32 v19  }
.Ltmp19:
0x2bb: {  	v18 =	vmax.f32 v27, $1.000000010e-10;
	v17 =	vor.u32 s31, v0;
	v16 =	vmax.f32 v26, $1.000000010e-10;
	(pc) =	sbr.rel @p0 .LBB2_41-.Ltmp19, $4  }
0x2bc: {  	v22 =	vmax.f32 v22, $1.000000010e-10;
	v19 =	vmul.f32 v28, v9;
	v30 =	vmul.f32 v25, v9  }
0x2bd: {  	v27 =	vmax.f32 v24, $1.000000010e-10;
	v23 =	vmul.f32 v23, v9;
	v26 =	vmul.f32 v29, v9;
	v24 =	vpop (erf)  }
0x2be: {  	v19 =	vsub.f32 v19, v10;
	(erf) = vrcp.f32 v22;
	v22 =	vmul.f32 v24, v21  }
0x2bf: {  	s28 =	sadd.s32 $0x40, s28;
	v21 =	vsub.f32 v30, v10;
	v24 =	vsub.f32 v26, v10;
	(erf) = vrcp.f32 v27;
	v25 =	vpop (erf)  }
0x2c0: {  	v26 =	vld [tilespmem:$0x4E00]  }
0x2c1: {  	v23 =	vsub.f32 v23, v10;
	v24 =	vmul.f32 $1.442695020e+00, v24  }
0x2c2: {  	v27 =	vld [tilespmem:$0x4E10]  }
0x2c3: {  	v23 =	vmul.f32 $1.442695020e+00, v23;
	(erf) = vpow2.f32 v24  }
0x2c4: {  	v20 =	vmul.f32 v25, v20;
	v21 =	vmul.f32 $1.442695020e+00, v21  }
0x2c5: {  	vm3 =	vgt.f32 v22, v12;
	v44 =	vld [tilespmem:$0x9C80];
	(erf) = vpow2.f32 v23;
	v43 =	vmul.f32 v26, v9  }
0x2c6: {  	v45 =	vpop (erf);
	v19 =	vmul.f32 $1.442695020e+00, v19;
	v12 =	vsel vm3, v22, v12;
	(erf) = vrcp.f32 v18  }
0x2c7: {  	v49 =	vld [tilespmem:$0x9C90];
	v48 =	vpop (erf);
	v47 =	vmul.f32 v27, v9;
	(erf) = vpow2.f32 v21;
	v46 =	vsub.f32 v43, v10  }
0x2c8: {  	vm4 =	vgt.f32 v20, v12;
	v50 =	vpop (erf);
	v23 =	vmul.f32 v48, v45;
	(erf) = vrcp.f32 v16  }
0x2c9: {  	v51 =	vpop (erf);
	v24 =	vsub.f32 v47, v10;
	(erf) = vpow2.f32 v19;
	v18 =	vmul.f32 $1.442695020e+00, v46  }
0x2ca: {  	v12 =	vsel vm4, v20, v12;
	v53 =	vmax.f32 v44, $1.000000010e-10;
	v52 =	vpop (erf);
	v16 =	vmul.f32 v51, v50  }
0x2cb: {  	vm5 =	vgt.f32 v23, v12;
	v55 =	vpop (erf);
	v54 =	vmul.f32 $1.442695020e+00, v24;
	(erf) = vpow2.f32 v18  }
0x2cc: {  	v21 =	vmax.f32 v49, $1.000000010e-10;
	v12 =	vsel vm5, v23, v12;
	(erf) = vrcp.f32 v53;
	v56 =	vpop (erf)  }
0x2cd: {  	vm6 =	vgt.f32 v16, v12;
	(erf) = vpow2.f32 v54;
	v18 =	vmul.f32 v56, v55  }
0x2ce: {  	v12 =	vsel vm6, v16, v12;
	v57 =	vpop (erf);
	(erf) = vrcp.f32 v21  }
0x2cf: {  	v11 =	vsel vm3, v15, v11;
	v58 =	vpop (erf);
	v15 =	vmul.f32 v57, v52;
	vm3 =	vgt.f32 v18, v12  }
0x2d0: {  	v11 =	vsel vm4, v17, v11;
	v59 =	vpop (erf);
	v12 =	vsel vm3, v18, v12  }
0x2d1: {  	s22 =	sadd.s32 $0x40, s22;
	v11 =	vsel vm5, v14, v11;
	v14 =	vmul.f32 v59, v58;
	v60 =	vpop (erf);
	vm13 =	vgt.f32 v15, v12  }
0x2d2: {  	s23 =	sadd.s32 $0x10, s22;
	v11 =	vsel vm6, v13, v11;
	v13 =	vpop (erf);
	v12 =	vsel vm13, v15, v12;
	v15 =	vor.u32 s22, v0  }
0x2d3: {  	v13 =	vmul.f32 v13, v60;
	v11 =	vsel vm3, v15, v11;
	v15 =	vor.u32 s23, v0  }
0x2d4: {  	vm14 =	vgt.f32 v14, v12;
	v61 =	vpop (erf)  }
0x2d5: {  	s20 =	sadd.s32 $0x1, s20;
	v12 =	vsel vm14, v14, v12;
	v14 =	vpop (erf)  }
0x2d6: {  	s29 =	sadd.s32 $0x20, s22;
	p0 =	sne.s32 s20, $0x5;
	s22 =	sadd.s32 $0x30, s22;
	v11 =	vsel vm13, v15, v11;
	vm3 =	vgt.f32 v13, v12;
	v14 =	vmul.f32 v61, v14;
	v15 =	vpop (erf)  }
.Ltmp20:
0x2d7: {  	v62 =	vor.u32 s29, v0;
	v63 =	vor.u32 s22, v0;
	v12 =	vsel vm3, v13, v12;
	v13 =	vpop (erf);
	(pc) =	sbr.rel @p0 .LBB2_40-.Ltmp20, $4  }
0x2d8: {  	s30 =	sadd.s32 $0x4E00, s21;
	v11 =	vsel vm14, v62, v11;
	vm15 =	vgt.f32 v14, v12;
	v13 =	vmul.f32 v15, v13  }
0x2d9: {  	s31 =	sadd.s32 $0x4E10, s21;
	v11 =	vsel vm3, v63, v11;
	v15 =	vor.u32 s30, v0;
	v12 =	vsel vm15, v14, v12  }
0x2da: {  	v11 =	vsel vm15, v15, v11;
	v14 =	vor.u32 s31, v0;
	vm3 =	vgt.f32 v13, v12  }
0x2db: {  	s18 =	sadd.s32 $0x4E20, s18;
	v12 =	vsel vm3, v13, v12;
	v11 =	vsel vm3, v14, v11  }
0x2dc: {  	[tilespmem:$0x9E00] =	vst v12  }
0x2dd: {  	[tilespmem:$0x9E10] =	vst v12  }
0x2de: {  	[tilespmem:$0x9E80] =	vst v11  }
0x2df: {  	[tilespmem:$0x9E90] =	vst v11;
	v9 =	vld [tilespmem:$0x9E08]  }
0x2e0: {  	v10 =	vld [tilespmem:$0x9E88];
	_ =	sdelay $0x4  }
0x2e1: {  	vm3 =	veq.f32 v9, v12;
	vm4 =	vlt.s32 v10, v11  }
0x2e2: {  	vm5 =	vgt.f32 v9, v12;
	vm3 =	vmand vm3, vm4  }
0x2e3: {  	vm3 =	vmor vm5, vm3  }
0x2e4: {  	v9 =	vsel vm3, v9, v12  }
0x2e5: {  	[tilespmem:$0x9E00] =	vst v9  }
0x2e6: {  	v10 =	vsel vm3, v10, v11;
	[tilespmem:$0x9E10] =	vst v9  }
0x2e7: {  	[tilespmem:$0x9E80] =	vst v10  }
0x2e8: {  	[tilespmem:$0x9E90] =	vst v10;
	v11 =	vld [tilespmem:$0x9E04]  }
0x2e9: {  	v12 =	vld [tilespmem:$0x9E84];
	_ =	sdelay $0x4  }
0x2ea: {  	vm3 =	veq.f32 v11, v9;
	vm12 =	vlt.s32 v12, v10  }
0x2eb: {  	vm13 =	vgt.f32 v11, v9;
	vm3 =	vmand vm3, vm12  }
0x2ec: {  	vm3 =	vmor vm13, vm3  }
0x2ed: {  	v9 =	vsel vm3, v11, v9  }
0x2ee: {  	[tilespmem:$0x9E00] =	vst v9  }
0x2ef: {  	v10 =	vsel vm3, v12, v10;
	[tilespmem:$0x9E10] =	vst v9  }
0x2f0: {  	[tilespmem:$0x9E80] =	vst v10  }
0x2f1: {  	[tilespmem:$0x9E90] =	vst v10;
	v11 =	vld [tilespmem:$0x9E02]  }
0x2f2: {  	v12 =	vld [tilespmem:$0x9E82];
	_ =	sdelay $0x4  }
0x2f3: {  	vm3 =	veq.f32 v11, v9;
	vm14 =	vlt.s32 v12, v10  }
0x2f4: {  	vm15 =	vgt.f32 v11, v9;
	vm3 =	vmand vm3, vm14  }
0x2f5: {  	vm3 =	vmor vm15, vm3  }
0x2f6: {  	v11 =	vsel vm3, v11, v9  }
0x2f7: {  	[tilespmem:$0x9E00] =	vst v11  }
0x2f8: {  	v9 =	vsel vm3, v12, v10;
	[tilespmem:$0x9E10] =	vst v11  }
0x2f9: {  	[tilespmem:$0x9E80] =	vst v9  }
0x2fa: {  	s18 =	rddreg [dreg:$0x5];
	[tilespmem:$0x9E90] =	vst v9;
	v12 =	vld [tilespmem:$0x9E01]  }
0x2fb: {  	v10 =	vld [tilespmem:$0x9E81];
	[tilespmem:s9], [sflag:$0x1] =	stream.linear.gather [hbm4b:s18+s2], $0x80, $0x38  }
0x2fc: {  	_ =	swait.ge [sflag:s11], $0x80  }
0x2fd: {  	[sflag:s11] =	ssyncset.done $0x0  }
0x2fe: {  	[sflag:s11] =	ssyncadd.s32 $0xFFFFFF80  }
0x2ff: {  	v13 =	vld [tilespmem:$0x9D00];
	[tilespmem:s2], [sflag:$0x1] =	stream.strided.gather [hbm4b:s25+s13], $0x4E80, s15, s13, $0x38  }
0x300: {  	_ =	swait.ge [sflag:s11], $0x4E80  }
0x301: {  	[sflag:s11] =	ssyncset.done $0x0  }
0x302: {  	s20 =	simm.s32 $0x20;
	[sflag:s11] =	ssyncadd.s32 $0xFFFFB180  }
0x303: {  	v15 =	vld [tilespmem:s20+$0xFFFFFFE0]  }
0x304: {  	v16 =	vld [tilespmem:s20+$0xFFFFFFF0]  }
0x305: {  	v18 =	vld [tilespmem:s20+$0x0];
	_ =	sdelay $0x1  }
0x306: {  	v19 =	vimm.f32 $-Inf;
	s18 =	simm.s32 $0x60;
	v17 =	vld [tilespmem:s20+$0x10]  }
0x307: {  	v14 =	vld [tilespmem:s18+$0x0];
	v19 =	vmax.f32 v19, v15  }
0x308: {  	v15 =	vld [tilespmem:s18+$0xFFFFFFE0];
	v19 =	vmax.f32 v19, v16  }
0x309: {  	s21 =	simm.s32 $0xA0;
	s20 =	simm.s32 $0x4;
	v16 =	vld [tilespmem:s18+$0xFFFFFFF0];
	v18 =	vmax.f32 v19, v18  }
.LBB2_44:
0x30a: {  	s20 =	sadd.s32 $0x4, s20  }
0x30b: {  	v19 =	vld [tilespmem:s21+$0x0];
	v18 =	vmax.f32 v18, v17;
	p0 =	slt.u32 s20, $0x4DC  }
.Ltmp21:
0x30c: {  	v17 =	vld [tilespmem:s18+$0x10];
	s18 =	smov.u32 s21;
	(pc) =	sbr.rel @p0 .LBB2_44-.Ltmp21, $4  }
0x30d: {  	_ = 	snop  }
0x30e: {  	v18 =	vmax.f32 v18, v15  }
0x30f: {  	v15 =	vld [tilespmem:s21+$0xFFFFFFE0];
	v18 =	vmax.f32 v18, v16  }
0x310: {  	s21 =	sadd.s32 $0x40, s21;
	v16 =	vld [tilespmem:s18+$0xFFFFFFF0];
	v18 =	vmax.f32 v18, v14;
	v14 =	vmov v19  }
0x311: {  	v19 =	vld [tilespmem:s18+$0x10]  }
0x312: {  	v20 =	vld [tilespmem:$0x4E00]  }
0x313: {  	v21 =	vld [tilespmem:$0x4E10];
	[tilespmem:s2], [sflag:$0x1] =	stream.strided.gather [hbm4b:s0+s13], $0x4E80, s15, s13, $0x38  }
0x314: {  	_ =	swait.ge [sflag:s11], $0x4E80  }
0x315: {  	v17 =	vmax.f32 v18, v17;
	[sflag:s11] =	ssyncset.done $0x0  }
0x316: {  	s20 =	simm.s32 $0x20;
	v15 =	vmax.f32 v17, v15;
	[sflag:s11] =	ssyncadd.s32 $0xFFFFB180  }
0x317: {  	v15 =	vmax.f32 v15, v16;
	v16 =	vld [tilespmem:s20+$0xFFFFFFE0]  }
0x318: {  	v18 =	vld [tilespmem:s20+$0xFFFFFFF0];
	v14 =	vmax.f32 v15, v14  }
0x319: {  	v14 =	vmax.f32 v14, v19;
	v19 =	vld [tilespmem:s20+$0x0]  }
0x31a: {  	v14 =	vmax.f32 v14, v20  }
0x31b: {  	s18 =	simm.s32 $0x60;
	v17 =	vld [tilespmem:s20+$0x10];
	v15 =	vmax.f32 v14, v21  }
0x31c: {  	v14 =	vld [tilespmem:s18+$0x0];
	v16 =	vmax.f32 v15, v16  }
0x31d: {  	v15 =	vld [tilespmem:s18+$0xFFFFFFE0];
	v18 =	vmax.f32 v16, v18  }
0x31e: {  	s21 =	simm.s32 $0xA0;
	s20 =	simm.s32 $0x4;
	v16 =	vld [tilespmem:s18+$0xFFFFFFF0];
	v18 =	vmax.f32 v18, v19  }
.LBB2_46:
0x31f: {  	s20 =	sadd.s32 $0x4, s20  }
0x320: {  	v19 =	vld [tilespmem:s21+$0x0];
	v18 =	vmax.f32 v18, v17;
	p0 =	slt.u32 s20, $0x4DC  }
.Ltmp22:
0x321: {  	v17 =	vld [tilespmem:s18+$0x10];
	s18 =	smov.u32 s21;
	(pc) =	sbr.rel @p0 .LBB2_46-.Ltmp22, $4  }
0x322: {  	_ = 	snop  }
0x323: {  	v18 =	vmax.f32 v18, v15  }
0x324: {  	v15 =	vld [tilespmem:s21+$0xFFFFFFE0];
	v18 =	vmax.f32 v18, v16  }
0x325: {  	s21 =	sadd.s32 $0x40, s21;
	v16 =	vld [tilespmem:s18+$0xFFFFFFF0];
	v18 =	vmax.f32 v18, v14;
	v14 =	vmov v19  }
0x326: {  	v19 =	vld [tilespmem:s18+$0x10]  }
0x327: {  	v20 =	vld [tilespmem:$0x4E00]  }
0x328: {  	v21 =	vld [tilespmem:$0x4E10];
	[tilespmem:s2], [sflag:$0x1] =	stream.strided.gather [hbm4b:s1+s13], $0x4E80, s15, s13, $0x38  }
0x329: {  	_ =	swait.ge [sflag:s11], $0x4E80  }
0x32a: {  	v17 =	vmax.f32 v18, v17;
	[sflag:s11] =	ssyncset.done $0x0  }
0x32b: {  	s20 =	simm.s32 $0x20;
	v15 =	vmax.f32 v17, v15;
	[sflag:s11] =	ssyncadd.s32 $0xFFFFB180  }
0x32c: {  	v15 =	vmax.f32 v15, v16;
	v16 =	vld [tilespmem:s20+$0xFFFFFFE0]  }
0x32d: {  	v18 =	vld [tilespmem:s20+$0xFFFFFFF0];
	v14 =	vmax.f32 v15, v14  }
0x32e: {  	v14 =	vmax.f32 v14, v19;
	v19 =	vld [tilespmem:s20+$0x0]  }
0x32f: {  	v14 =	vmax.f32 v14, v20  }
0x330: {  	s18 =	simm.s32 $0x60;
	v17 =	vld [tilespmem:s20+$0x10];
	v15 =	vmax.f32 v14, v21  }
0x331: {  	v14 =	vld [tilespmem:s18+$0x0];
	v16 =	vmax.f32 v15, v16  }
0x332: {  	v15 =	vld [tilespmem:s18+$0xFFFFFFE0];
	v18 =	vmax.f32 v16, v18  }
0x333: {  	s21 =	simm.s32 $0xA0;
	s20 =	simm.s32 $0x4;
	v16 =	vld [tilespmem:s18+$0xFFFFFFF0];
	v18 =	vmax.f32 v18, v19  }
.LBB2_48:
0x334: {  	s20 =	sadd.s32 $0x4, s20  }
0x335: {  	v19 =	vld [tilespmem:s21+$0x0];
	v18 =	vmax.f32 v18, v17;
	p0 =	slt.u32 s20, $0x4DC  }
.Ltmp23:
0x336: {  	v17 =	vld [tilespmem:s18+$0x10];
	s18 =	smov.u32 s21;
	(pc) =	sbr.rel @p0 .LBB2_48-.Ltmp23, $4  }
0x337: {  	_ = 	snop  }
0x338: {  	v18 =	vmax.f32 v18, v15  }
0x339: {  	v15 =	vld [tilespmem:s21+$0xFFFFFFE0];
	v18 =	vmax.f32 v18, v16  }
0x33a: {  	s21 =	sadd.s32 $0x40, s21;
	v16 =	vld [tilespmem:s18+$0xFFFFFFF0];
	v18 =	vmax.f32 v18, v14;
	v14 =	vmov v19  }
0x33b: {  	v19 =	vld [tilespmem:s18+$0x10]  }
0x33c: {  	v20 =	vld [tilespmem:$0x4E00]  }
0x33d: {  	v21 =	vld [tilespmem:$0x4E10];
	[tilespmem:s2], [sflag:$0x1] =	stream.strided.gather [hbm4b:s5+s13], $0x4E80, s15, s13, $0x38  }
0x33e: {  	_ =	swait.ge [sflag:s11], $0x4E80  }
0x33f: {  	v17 =	vmax.f32 v18, v17;
	[sflag:s11] =	ssyncset.done $0x0  }
0x340: {  	s20 =	simm.s32 $0x20;
	v15 =	vmax.f32 v17, v15;
	[sflag:s11] =	ssyncadd.s32 $0xFFFFB180  }
0x341: {  	v15 =	vmax.f32 v15, v16;
	v16 =	vld [tilespmem:s20+$0xFFFFFFE0]  }
0x342: {  	v18 =	vld [tilespmem:s20+$0xFFFFFFF0];
	v14 =	vmax.f32 v15, v14  }
0x343: {  	v14 =	vmax.f32 v14, v19;
	v19 =	vld [tilespmem:s20+$0x0]  }
0x344: {  	v14 =	vmax.f32 v14, v20  }
0x345: {  	s18 =	simm.s32 $0x60;
	v17 =	vld [tilespmem:s20+$0x10];
	v15 =	vmax.f32 v14, v21  }
0x346: {  	v14 =	vld [tilespmem:s18+$0x0];
	v16 =	vmax.f32 v15, v16  }
0x347: {  	v15 =	vld [tilespmem:s18+$0xFFFFFFE0];
	v18 =	vmax.f32 v16, v18  }
0x348: {  	s21 =	simm.s32 $0xA0;
	s20 =	simm.s32 $0x4;
	v16 =	vld [tilespmem:s18+$0xFFFFFFF0];
	v18 =	vmax.f32 v18, v19  }
.LBB2_50:
0x349: {  	s20 =	sadd.s32 $0x4, s20  }
0x34a: {  	v19 =	vld [tilespmem:s21+$0x0];
	v18 =	vmax.f32 v18, v17;
	p0 =	slt.u32 s20, $0x4DC  }
.Ltmp24:
0x34b: {  	v17 =	vld [tilespmem:s18+$0x10];
	s18 =	smov.u32 s21;
	(pc) =	sbr.rel @p0 .LBB2_50-.Ltmp24, $4  }
0x34c: {  	_ = 	snop  }
0x34d: {  	v18 =	vmax.f32 v18, v15  }
0x34e: {  	v15 =	vld [tilespmem:s21+$0xFFFFFFE0];
	v18 =	vmax.f32 v18, v16  }
0x34f: {  	s21 =	sadd.s32 $0x40, s21;
	v16 =	vld [tilespmem:s18+$0xFFFFFFF0];
	v18 =	vmax.f32 v18, v14;
	v14 =	vmov v19  }
0x350: {  	v19 =	vld [tilespmem:s18+$0x10]  }
0x351: {  	v20 =	vld [tilespmem:$0x4E00]  }
0x352: {  	v21 =	vld [tilespmem:$0x4E10];
	[tilespmem:s2], [sflag:$0x1] =	stream.strided.gather [hbm4b:s7+s13], $0x4E80, s15, s13, $0x38  }
0x353: {  	_ =	swait.ge [sflag:s11], $0x4E80  }
0x354: {  	v17 =	vmax.f32 v18, v17;
	[sflag:s11] =	ssyncset.done $0x0  }
0x355: {  	s20 =	simm.s32 $0x20;
	v15 =	vmax.f32 v17, v15;
	[sflag:s11] =	ssyncadd.s32 $0xFFFFB180  }
0x356: {  	v15 =	vmax.f32 v15, v16;
	v17 =	vld [tilespmem:s20+$0xFFFFFFE0]  }
0x357: {  	v18 =	vld [tilespmem:s20+$0xFFFFFFF0];
	v14 =	vmax.f32 v15, v14  }
0x358: {  	v14 =	vmax.f32 v14, v19;
	v19 =	vld [tilespmem:s20+$0x0]  }
0x359: {  	v14 =	vmax.f32 v14, v20  }
0x35a: {  	s18 =	simm.s32 $0x60;
	v16 =	vld [tilespmem:s20+$0x10];
	v15 =	vmax.f32 v14, v21  }
0x35b: {  	v14 =	vld [tilespmem:s18+$0x0];
	v17 =	vmax.f32 v15, v17  }
0x35c: {  	v15 =	vld [tilespmem:s18+$0xFFFFFFE0];
	v18 =	vmax.f32 v17, v18  }
0x35d: {  	s21 =	simm.s32 $0xA0;
	s20 =	simm.s32 $0x4;
	v17 =	vld [tilespmem:s18+$0xFFFFFFF0];
	v18 =	vmax.f32 v18, v19  }
.LBB2_52:
0x35e: {  	s20 =	sadd.s32 $0x4, s20  }
0x35f: {  	v19 =	vld [tilespmem:s21+$0x0];
	v18 =	vmax.f32 v18, v16;
	p0 =	slt.u32 s20, $0x4DC  }
.Ltmp25:
0x360: {  	v16 =	vld [tilespmem:s18+$0x10];
	s18 =	smov.u32 s21;
	(pc) =	sbr.rel @p0 .LBB2_52-.Ltmp25, $4  }
0x361: {  	_ = 	snop  }
0x362: {  	v18 =	vmax.f32 v18, v15  }
0x363: {  	v15 =	vld [tilespmem:s21+$0xFFFFFFE0];
	v18 =	vmax.f32 v18, v17  }
0x364: {  	s21 =	sadd.s32 $0x40, s21;
	v17 =	vld [tilespmem:s18+$0xFFFFFFF0];
	v18 =	vmax.f32 v18, v14;
	v14 =	vmov v19  }
0x365: {  	_ = 	snop  }
0x366: {  	v19 =	vld [tilespmem:s18+$0x10]  }
0x367: {  	v16 =	vmax.f32 v18, v16;
	v18 =	vld [tilespmem:$0x4E00]  }
0x368: {  	v15 =	vmax.f32 v16, v15;
	v16 =	vld [tilespmem:$0x4E10]  }
0x369: {  	v15 =	vmax.f32 v15, v17  }
0x36a: {  	v14 =	vmax.f32 v15, v14  }
0x36b: {  	v14 =	vmax.f32 v14, v19  }
0x36c: {  	v14 =	vmax.f32 v14, v18  }
0x36d: {  	v14 =	vmax.f32 v14, v16  }
0x36e: {  	[tilespmem:$0x9E00] =	vst v14  }
0x36f: {  	[tilespmem:$0x9E10] =	vst v14  }
0x370: {  	v15 =	vld [tilespmem:$0x9E08];
	_ =	sdelay $0x4  }
0x371: {  	v14 =	vmax.f32 v14, v15  }
0x372: {  	[tilespmem:$0x9E00] =	vst v14  }
0x373: {  	[tilespmem:$0x9E10] =	vst v14  }
0x374: {  	v15 =	vld [tilespmem:$0x9E04];
	_ =	sdelay $0x4  }
0x375: {  	v14 =	vmax.f32 v14, v15  }
0x376: {  	[tilespmem:$0x9E00] =	vst v14  }
0x377: {  	[tilespmem:$0x9E10] =	vst v14  }
0x378: {  	v15 =	vld [tilespmem:$0x9E02];
	_ =	sdelay $0x3  }
0x379: {  	(erf) = vrcp.f32 v13  }
0x37a: {  	v13 =	vmax.f32 v14, v15  }
0x37b: {  	[tilespmem:$0x9E00] =	vst v13  }
0x37c: {  	[tilespmem:$0x9E10] =	vst v13  }
0x37d: {  	v14 =	vld [tilespmem:$0x9E01];
	_ =	sdelay $0x4  }
0x37e: {  	v14 =	vmax.f32 v13, v14;
	v13 =	vpop (erf)  }
0x37f: {  	v14 =	vmul.f32 v14, v13  }
0x380: {  	s18 =	simm.s32 $0x0;
	s20 =	simm.s32 $0x0;
	v16 =	vimm.f32 $-Inf;
	v15 =	vimm.s32 $0x0  }
.LBB2_54:
0x381: {  	s21 =	sshll.u32 s20, $0x7  }
0x382: {  	s21 =	sadd.s32 s12, s21  }
0x383: {  	s21 =	sshrl.u32 s21, $0x3  }
0x384: {  	s22 =	sadd.s32 s3, s21  }
0x385: {  	[tilespmem:s2], [sflag:$0x1] =	stream.strided.gather [hbm4b:s22+s13], $0x4E80, s15, s13, $0x38;
	[tilespmem:$0x9F00] =	vst v63  }
0x386: {  	_ =	swait.ge [sflag:s11], $0x4E80  }
0x387: {  	[sflag:s11] =	ssyncset.done $0x0  }
0x388: {  	s21 =	sadd.s32 s4, s21;
	[sflag:s11] =	ssyncadd.s32 $0xFFFFB180  }
0x389: {  	[tilespmem:s16], [sflag:$0x1] =	stream.strided.gather [hbm4b:s21+s13], $0x4E80, s15, s13, $0x38;
	[tilespmem:$0x9F00] =	vst v63  }
0x38a: {  	_ =	swait.ge [sflag:s11], $0x4E80  }
0x38b: {  	[sflag:s11] =	ssyncset.done $0x0  }
0x38c: {  	s23 =	simm.s32 $0x4EA0;
	[sflag:s11] =	ssyncadd.s32 $0xFFFFB180  }
0x38d: {  	s26 =	simm.s32 $0x20;
	v17 =	vld [tilespmem:s23+$0xFFFFFFF0]  }
0x38e: {  	v18 =	vld [tilespmem:s26+$0xFFFFFFE0]  }
0x38f: {  	v19 =	vld [tilespmem:s23+$0xFFFFFFE0]  }
0x390: {  	v20 =	vld [tilespmem:s26+$0xFFFFFFF0]  }
0x391: {  	v21 =	vld [tilespmem:s26+$0x0];
	_ =	sdelay $0x1  }
0x392: {  	v22 =	vld [tilespmem:s26+$0x10];
	v18 =	vmul.f32 v18, v13  }
0x393: {  	v23 =	vld [tilespmem:s23+$0x10]  }
0x394: {  	s29 =	simm.s32 $0x4EE0;
	v24 =	vld [tilespmem:s23+$0x0];
	v20 =	vmul.f32 v20, v13;
	v18 =	vsub.f32 v18, v14  }
0x395: {  	v26 =	vld [tilespmem:s29+$0xFFFFFFF0];
	v17 =	vmax.f32 v17, $1.000000010e-10;
	v21 =	vmul.f32 v21, v13;
	v19 =	vmax.f32 v19, $1.000000010e-10  }
0x396: {  	s23 =	simm.s32 $0x60;
	v28 =	vld [tilespmem:s29+$0xFFFFFFE0];
	(erf) = vrcp.f32 v17;
	v17 =	vsub.f32 v20, v14;
	v18 =	vmul.f32 $1.442695020e+00, v18  }
0x397: {  	v27 =	vld [tilespmem:s23+$0x10];
	v22 =	vmul.f32 v22, v13;
	(erf) = vrcp.f32 v19  }
0x398: {  	v29 =	vld [tilespmem:s23+$0x0];
	v19 =	vsub.f32 v21, v14;
	v17 =	vmul.f32 $1.442695020e+00, v17;
	(erf) = vpow2.f32 v18  }
0x399: {  	v30 =	vld [tilespmem:s23+$0xFFFFFFF0];
	v21 =	vsub.f32 v22, v14  }
0x39a: {  	v20 =	vld [tilespmem:s29+$0x0];
	v19 =	vmul.f32 $1.442695020e+00, v19;
	v18 =	vmax.f32 v24, $1.000000010e-10;
	(erf) = vpow2.f32 v17  }
0x39b: {  	v25 =	vld [tilespmem:s29+$0x10];
	(erf) = vrcp.f32 v18  }
0x39c: {  	v21 =	vmul.f32 $1.442695020e+00, v21;
	v17 =	vmax.f32 v23, $1.000000010e-10;
	v23 =	vld [tilespmem:s23+$0xFFFFFFE0];
	(erf) = vpow2.f32 v19  }
0x39d: {  	v26 =	vmax.f32 v26, $1.000000010e-10;
	(erf) = vrcp.f32 v17  }
0x39e: {  	v33 =	vmax.f32 v28, $1.000000010e-10;
	v29 =	vmul.f32 v29, v13;
	(erf) = vpow2.f32 v21  }
0x39f: {  	s30 =	sadd.s32 $0x20, s18;
	v31 =	vmul.f32 v27, v13;
	v27 =	vmul.f32 v30, v13;
	v22 =	vmax.f32 v20, $1.000000010e-10;
	v24 =	vpop (erf)  }
0x3a0: {  	s31 =	sadd.s32 $0x30, s18;
	s26 =	sadd.s32 $0x10, s18;
	v20 =	vmax.f32 v25, $1.000000010e-10;
	v18 =	vor.u32 s30, v0;
	v19 =	vor.u32 s18, v0;
	v25 =	vpop (erf)  }
0x3a1: {  	v17 =	vor.u32 s31, v0;
	v21 =	vor.u32 s26, v0;
	v32 =	vmul.f32 v23, v13;
	v28 =	vpop (erf)  }
0x3a2: {  	s28 =	simm.s32 $0x4F20;
	v23 =	vsub.f32 v31, v14;
	(erf) = vrcp.f32 v26;
	v26 =	vmul.f32 v28, v25  }
0x3a3: {  	s22 =	smov.u32 s18;
	s21 =	smul.u32 $0x4E20, s20;
	s26 =	simm.s32 $0x4;
	(erf) = vrcp.f32 v33;
	v28 =	vsub.f32 v32, v14;
	v25 =	vsub.f32 v29, v14;
	v29 =	vpop (erf)  }
.LBB2_55:
0x3a4: {  	v30 =	vld [tilespmem:s28+$0x10];
	v27 =	vsub.f32 v27, v14;
	vm3 =	vgt.f32 v26, v16;
	v24 =	vmul.f32 v29, v24;
	v29 =	vpop (erf)  }
0x3a5: {  	v31 =	vld [tilespmem:s28+$0x0];
	v28 =	vmul.f32 $1.442695020e+00, v28;
	v16 =	vsel vm3, v26, v16;
	v15 =	vsel vm3, v19, v15;
	v19 =	vpop (erf)  }
0x3a6: {  	s23 =	sadd.s32 $0x40, s23;
	v26 =	vld [tilespmem:s28+$0xFFFFFFF0];
	v27 =	vmul.f32 $1.442695020e+00, v27;
	vm3 =	vgt.f32 v24, v16;
	v19 =	vmul.f32 v19, v29;
	v29 =	vpop (erf)  }
0x3a7: {  	v32 =	vld [tilespmem:s23+$0x10];
	(erf) = vpow2.f32 v28;
	v16 =	vsel vm3, v24, v16;
	v15 =	vsel vm3, v21, v15;
	v21 =	vpop (erf)  }
0x3a8: {  	v25 =	vmul.f32 $1.442695020e+00, v25;
	v28 =	vld [tilespmem:s28+$0xFFFFFFE0];
	vm3 =	vgt.f32 v19, v16;
	v21 =	vmul.f32 v21, v29  }
0x3a9: {  	v29 =	vld [tilespmem:s23+$0x0];
	(erf) = vpow2.f32 v27;
	v16 =	vsel vm3, v19, v16;
	v15 =	vsel vm3, v18, v15  }
0x3aa: {  	v23 =	vmul.f32 $1.442695020e+00, v23;
	v27 =	vld [tilespmem:s23+$0xFFFFFFF0];
	(erf) = vrcp.f32 v22;
	vm3 =	vgt.f32 v21, v16  }
0x3ab: {  	s26 =	sadd.s32 $0x4, s26;
	s22 =	sadd.s32 $0x40, s22;
	v33 =	vld [tilespmem:s23+$0xFFFFFFE0];
	v24 =	vpop (erf);
	(erf) = vpow2.f32 v25;
	v16 =	vsel vm3, v21, v16;
	v15 =	vsel vm3, v17, v15  }
0x3ac: {  	p0 =	slt.u32 s26, $0x4DC;
	s29 =	sadd.s32 $0x20, s22;
	s30 =	sadd.s32 $0x30, s22;
	v19 =	vor.u32 s22, v0;
	v25 =	vpop (erf);
	(erf) = vrcp.f32 v20  }
0x3ad: {  	s31 =	sadd.s32 $0x10, s22;
	v18 =	vor.u32 s29, v0;
	v17 =	vor.u32 s30, v0;
	(erf) = vpow2.f32 v23  }
.Ltmp26:
0x3ae: {  	v22 =	vmax.f32 v31, $1.000000010e-10;
	v21 =	vor.u32 s31, v0;
	v20 =	vmax.f32 v30, $1.000000010e-10;
	(pc) =	sbr.rel @p0 .LBB2_55-.Ltmp26, $4  }
0x3af: {  	v26 =	vmax.f32 v26, $1.000000010e-10;
	v23 =	vmul.f32 v32, v13;
	v34 =	vmul.f32 v29, v13  }
0x3b0: {  	v31 =	vmax.f32 v28, $1.000000010e-10;
	v27 =	vmul.f32 v27, v13;
	v30 =	vmul.f32 v33, v13;
	v28 =	vpop (erf)  }
0x3b1: {  	v23 =	vsub.f32 v23, v14;
	(erf) = vrcp.f32 v26;
	v26 =	vmul.f32 v28, v25  }
0x3b2: {  	s28 =	sadd.s32 $0x40, s28;
	v25 =	vsub.f32 v34, v14;
	v28 =	vsub.f32 v30, v14;
	(erf) = vrcp.f32 v31;
	v29 =	vpop (erf)  }
0x3b3: {  	v30 =	vld [tilespmem:$0x4E00]  }
0x3b4: {  	v27 =	vsub.f32 v27, v14;
	v28 =	vmul.f32 $1.442695020e+00, v28  }
0x3b5: {  	v31 =	vld [tilespmem:$0x4E10]  }
0x3b6: {  	v27 =	vmul.f32 $1.442695020e+00, v27;
	(erf) = vpow2.f32 v28  }
0x3b7: {  	v24 =	vmul.f32 v29, v24;
	v25 =	vmul.f32 $1.442695020e+00, v25  }
0x3b8: {  	vm3 =	vgt.f32 v26, v16;
	v44 =	vld [tilespmem:$0x9C80];
	(erf) = vpow2.f32 v27;
	v43 =	vmul.f32 v30, v13  }
0x3b9: {  	v45 =	vpop (erf);
	v23 =	vmul.f32 $1.442695020e+00, v23;
	v16 =	vsel vm3, v26, v16;
	(erf) = vrcp.f32 v22  }
0x3ba: {  	v49 =	vld [tilespmem:$0x9C90];
	v48 =	vpop (erf);
	v47 =	vmul.f32 v31, v13;
	(erf) = vpow2.f32 v25;
	v46 =	vsub.f32 v43, v14  }
0x3bb: {  	vm4 =	vgt.f32 v24, v16;
	v50 =	vpop (erf);
	v27 =	vmul.f32 v48, v45;
	(erf) = vrcp.f32 v20  }
0x3bc: {  	v51 =	vpop (erf);
	v28 =	vsub.f32 v47, v14;
	(erf) = vpow2.f32 v23;
	v22 =	vmul.f32 $1.442695020e+00, v46  }
0x3bd: {  	v16 =	vsel vm4, v24, v16;
	v53 =	vmax.f32 v44, $1.000000010e-10;
	v52 =	vpop (erf);
	v20 =	vmul.f32 v51, v50  }
0x3be: {  	vm5 =	vgt.f32 v27, v16;
	v55 =	vpop (erf);
	v54 =	vmul.f32 $1.442695020e+00, v28;
	(erf) = vpow2.f32 v22  }
0x3bf: {  	v25 =	vmax.f32 v49, $1.000000010e-10;
	v16 =	vsel vm5, v27, v16;
	(erf) = vrcp.f32 v53;
	v56 =	vpop (erf)  }
0x3c0: {  	vm6 =	vgt.f32 v20, v16;
	(erf) = vpow2.f32 v54;
	v22 =	vmul.f32 v56, v55  }
0x3c1: {  	v16 =	vsel vm6, v20, v16;
	v57 =	vpop (erf);
	(erf) = vrcp.f32 v25  }
0x3c2: {  	v15 =	vsel vm3, v19, v15;
	v58 =	vpop (erf);
	v19 =	vmul.f32 v57, v52;
	vm3 =	vgt.f32 v22, v16  }
0x3c3: {  	v15 =	vsel vm4, v21, v15;
	v59 =	vpop (erf);
	v16 =	vsel vm3, v22, v16  }
0x3c4: {  	s22 =	sadd.s32 $0x40, s22;
	v15 =	vsel vm5, v18, v15;
	v18 =	vmul.f32 v59, v58;
	v60 =	vpop (erf);
	vm13 =	vgt.f32 v19, v16  }
0x3c5: {  	s23 =	sadd.s32 $0x10, s22;
	v15 =	vsel vm6, v17, v15;
	v17 =	vpop (erf);
	v16 =	vsel vm13, v19, v16;
	v19 =	vor.u32 s22, v0  }
0x3c6: {  	v17 =	vmul.f32 v17, v60;
	v15 =	vsel vm3, v19, v15;
	v19 =	vor.u32 s23, v0  }
0x3c7: {  	vm14 =	vgt.f32 v18, v16;
	v61 =	vpop (erf)  }
0x3c8: {  	s20 =	sadd.s32 $0x1, s20;
	v16 =	vsel vm14, v18, v16;
	v18 =	vpop (erf)  }
0x3c9: {  	s29 =	sadd.s32 $0x20, s22;
	p0 =	sne.s32 s20, $0x5;
	s22 =	sadd.s32 $0x30, s22;
	v15 =	vsel vm13, v19, v15;
	vm3 =	vgt.f32 v17, v16;
	v18 =	vmul.f32 v61, v18;
	v19 =	vpop (erf)  }
.Ltmp27:
0x3ca: {  	v62 =	vor.u32 s29, v0;
	v63 =	vor.u32 s22, v0;
	v16 =	vsel vm3, v17, v16;
	v17 =	vpop (erf);
	(pc) =	sbr.rel @p0 .LBB2_54-.Ltmp27, $4  }
0x3cb: {  	s30 =	sadd.s32 $0x4E00, s21;
	v15 =	vsel vm14, v62, v15;
	vm15 =	vgt.f32 v18, v16;
	v17 =	vmul.f32 v19, v17  }
0x3cc: {  	s31 =	sadd.s32 $0x4E10, s21;
	v15 =	vsel vm3, v63, v15;
	v19 =	vor.u32 s30, v0;
	v16 =	vsel vm15, v18, v16  }
0x3cd: {  	v15 =	vsel vm15, v19, v15;
	v18 =	vor.u32 s31, v0;
	vm3 =	vgt.f32 v17, v16  }
0x3ce: {  	s18 =	sadd.s32 $0x4E20, s18;
	v16 =	vsel vm3, v17, v16;
	v15 =	vsel vm3, v18, v15  }
0x3cf: {  	[tilespmem:$0x9E00] =	vst v16  }
0x3d0: {  	[tilespmem:$0x9E10] =	vst v16  }
0x3d1: {  	[tilespmem:$0x9E80] =	vst v15  }
0x3d2: {  	[tilespmem:$0x9E90] =	vst v15;
	v13 =	vld [tilespmem:$0x9E08]  }
0x3d3: {  	v14 =	vld [tilespmem:$0x9E88];
	_ =	sdelay $0x4  }
0x3d4: {  	vm3 =	veq.f32 v13, v16;
	vm4 =	vlt.s32 v14, v15  }
0x3d5: {  	vm9 =	vgt.f32 v13, v16;
	vm3 =	vmand vm3, vm4  }
0x3d6: {  	vm3 =	vmor vm9, vm3  }
0x3d7: {  	v13 =	vsel vm3, v13, v16  }
0x3d8: {  	[tilespmem:$0x9E00] =	vst v13  }
0x3d9: {  	v14 =	vsel vm3, v14, v15;
	[tilespmem:$0x9E10] =	vst v13  }
0x3da: {  	[tilespmem:$0x9E80] =	vst v14  }
0x3db: {  	[tilespmem:$0x9E90] =	vst v14;
	v59 =	vld [tilespmem:$0x9E04]  }
0x3dc: {  	v60 =	vld [tilespmem:$0x9E84];
	_ =	sdelay $0x4  }
0x3dd: {  	vm3 =	veq.f32 v59, v13;
	vm10 =	vlt.s32 v60, v14  }
0x3de: {  	vm11 =	vgt.f32 v59, v13;
	vm3 =	vmand vm3, vm10  }
0x3df: {  	vm3 =	vmor vm11, vm3  }
0x3e0: {  	v13 =	vsel vm3, v59, v13  }
0x3e1: {  	[tilespmem:$0x9E00] =	vst v13  }
0x3e2: {  	v14 =	vsel vm3, v60, v14;
	[tilespmem:$0x9E10] =	vst v13  }
0x3e3: {  	[tilespmem:$0x9E80] =	vst v14  }
0x3e4: {  	[tilespmem:$0x9E90] =	vst v14;
	v61 =	vld [tilespmem:$0x9E02]  }
0x3e5: {  	v62 =	vld [tilespmem:$0x9E82];
	_ =	sdelay $0x4  }
0x3e6: {  	vm3 =	veq.f32 v61, v13;
	vm12 =	vlt.s32 v62, v14  }
0x3e7: {  	vm13 =	vgt.f32 v61, v13;
	vm3 =	vmand vm3, vm12  }
0x3e8: {  	vm3 =	vmor vm13, vm3  }
0x3e9: {  	v13 =	vsel vm3, v61, v13  }
0x3ea: {  	[tilespmem:$0x9E00] =	vst v13  }
0x3eb: {  	v14 =	vsel vm3, v62, v14;
	[tilespmem:$0x9E10] =	vst v13  }
0x3ec: {  	[tilespmem:$0x9E80] =	vst v14  }
0x3ed: {  	vm14 =	veq.f32 v4, v3;
	vm3 =	vgt.f32 v4, v3;
	[tilespmem:$0x9E90] =	vst v14;
	v3 =	vld [tilespmem:$0x9E01]  }
0x3ee: {  	vm5 =	vlt.s32 v2, v1;
	vm15 =	veq.f32 v8, v6;
	vm6 =	vlt.s32 v7, v5;
	v63 =	vld [tilespmem:$0x9E81]  }
0x3ef: {  	vm4 =	vmand vm14, vm5;
	vm5 =	vmand vm15, vm6;
	vm9 =	vgt.f32 v8, v6  }
0x3f0: {  	vm10 =	veq.f32 v12, v11;
	vm11 =	vlt.s32 v10, v9;
	vm3 =	vmor vm3, vm4  }
0x3f1: {  	vm4 =	vmor vm9, vm5;
	v1 =	vsel vm3, v2, v1;
	vm3 =	vmmov $0x1  }
0x3f2: {  	v2 =	vsel vm4, v7, v5;
	vm4 =	vmand vm10, vm11;
	v1 =	vnsel vm3, $0x0, v1  }
0x3f3: {  	vm3 =	vgt.f32 v12, v11;
	vm12 =	veq.f32 v3, v13;
	vm13 =	vlt.s32 v63, v14  }
0x3f4: {  	vm3 =	vmor vm3, vm4;
	vm15 =	vgt.f32 v3, v13;
	vm14 =	vmand vm12, vm13  }
0x3f5: {  	v1 =	vsel vm0, v1, v2;
	v2 =	vsel vm3, v10, v9;
	vm3 =	vmor vm15, vm14  }
0x3f6: {  	v1 =	vsel vm1, v1, v2;
	v2 =	vsel vm3, v63, v14  }
0x3f7: {  	v1 =	vsel vm2, v1, v2  }
0x3f8: {  	s18 =	rddreg [dreg:$0x6];
	s20 =	simm.s32 $0x9D80;
	[tilespmem:$0x9D80] =	vst v1  }
0x3f9: {  	[hbm4b:s18+s2] =	stream.linear.scatter [tilespmem:s20], [sflag:$0x1], $0x80, $0x38;
	[tilespmem:$0x9F00] =	vst v63  }
0x3fa: {  	_ =	swait.ge [sflag:s11], $0x80  }
0x3fb: {  	s17 =	sadd.s32 $0x1, s17;
	s31 =	rddreg [dreg:$0x7]  }
0x3fc: {  	p0 =	sne.s32 s17, s31  }
.Ltmp28:
0x3fd: {  	_ = 	snop;
	(pc) =	sbr.rel @p0 .LBB2_1-.Ltmp28, $3  }
0x3fe: {  	_ =	sdelay $0x1  }
0x3ff: {  	[sflag:s11] =	ssyncset.done $0x0  }
0x400: {  	[sflag:s11] =	ssyncadd.s32 $0xFFFFFF80  }
0x401: {  	_ =	sfence.sel $0x180000  }
0x402: {  	[bflag:$0x0] =	sbarrier.arrive $0xFFFF  }
0x403: {  	_ =	strace $0x90000047  }
0x404: {  	s0 =	stileid.u32;
	[bflag:$0x2] =	sbarrier.arrive $0xFFFF  }
0x405: {  	p0 =	sne.s32 s0, $0x0;
	s0 =	rddreg [dreg:$0x1]  }
0x406: {  	s0 =	sadd.s32 @!p0 $0x100000, s0  }
0x407: {  	[sflag:s0] =	ssyncadd.tile.s32 @!p0 $0x1;
	_ =	shalt  }
.Lfunc_end2:
_tile_overlayer_lowered:
.L_overlay_start_2:
0x408: {  	(tag) =	ssettag $0x2  }
0x409: {  	s0 =	rddreg [dreg:$0x0];
	s2 =	stileid.u32  }
0x40a: {  	s1 =	rddreg [dreg:$0x1];
	p0 =	sne.s32 s2, $0x0  }
0x40b: {  	s3 =	rddreg [dreg:$0x2];
	[bflag:$0x3] =	sbarrier.arrive $0xFFFF;
	s2 =	simm.s32 @!p0 $0x1C01  }
0x40c: {  	[timem:s3], [sflag:s2] =	dma.local @!p0 [hbm:s0], s1  }
0x40d: {  	s0 =	simm.s32 @!p0 $0x1  }
0x40e: {  	_ =	swait.ge @!p0 [sflag:s0], s1  }
0x40f: {  	s1 =	ssub.s32 @!p0 $0x0, s1;
	[sflag:s0] =	ssyncset.done @!p0 $0x0  }
0x410: {  	[sflag:s0] =	ssyncadd.s32 @!p0 s1  }
0x411: {  	[bflag:$0x3] =	sbarrier.arrive $0xFFFF  }
0x412: {  	_ =	shalt  }

</sc_bundles>
